<compile_context>
chip_gen: v7x
topology: tpu7x:2x2x1
jax: 0.10.2.dev20260603
libtpu: 0.0.44.dev20260713+nightly
codegen_flags: <defaults>
</compile_context>

<pallas_src>
import functools

import jax
import jax.numpy as jnp
from jax import lax
from jax.experimental import pallas as pl
from jax.experimental.pallas import tpu as pltpu
from jax.experimental.pallas import tpu_sc as plsc

_N = 10000
_F = 128
_E = 160000
_NS = 16
_L = 16
_K = 128
_EPT = 9984
_NCH = _EPT // _K
_NPAIR = _NCH // 2
_TB = _NS * _EPT
_NP = 10240
_RP = _NP // _NS
_RZ = 128
_RCHUNK = _RP // _RZ


def _sc_aggregate(x, src_p, dst_p, src_n, dst_n):
    mesh = plsc.VectorSubcoreMesh(core_axis_name="c", subcore_axis_name="s")
    out_type = [
        jax.ShapeDtypeStruct((_NP, _F), jnp.float32),
        jax.ShapeDtypeStruct((_NP, _F), jnp.float32),
    ]
    scratch = [
        pltpu.VMEM_SHARED((_NP, _F), jnp.float32),
        pltpu.VMEM_SHARED((_NP, _L), jnp.float32),
        pltpu.VMEM((_K,), jnp.int32),
        pltpu.VMEM((_K,), jnp.int32),
        pltpu.VMEM((_K,), jnp.int32),
        pltpu.VMEM((_K,), jnp.int32),
        pltpu.VMEM((_K, _F), jnp.float32),
        pltpu.VMEM((_K, _F), jnp.float32),
        pltpu.VMEM((_K, _L), jnp.float32),
        pltpu.VMEM((_RZ, _L), jnp.float32),
        pltpu.SemaphoreType.DMA,
        pltpu.SemaphoreType.DMA,
        pltpu.SemaphoreType.DMA,
        pltpu.SemaphoreType.DMA,
        pltpu.SemaphoreType.DMA,
        pltpu.SemaphoreType.DMA,
        pltpu.SemaphoreType.DMA,
        pltpu.SemaphoreType.DMA,
        pltpu.SemaphoreType.DMA,
        pltpu.SemaphoreType.DMA,
    ]

    @functools.partial(
        pl.kernel, mesh=mesh, out_type=out_type, scratch_types=scratch,
        compiler_params=pltpu.CompilerParams(use_tc_tiling_on_sc=False))
    def k(x_hbm, srcp_hbm, dstp_hbm, srcn_hbm, dstn_hbm,
          meanp_hbm, meann_hbm, acc, cnt,
          is0, is1, id0, id1, rows0, rows1, ones_v, cbuf,
          sm_is0, sm_is1, sm_id0, sm_id1, sm_g0, sm_g1, sm_s0, sm_s1,
          sm_c0, sm_c1):
        c = lax.axis_index("c")
        s = lax.axis_index("s")
        idx_s = (is0, is1)
        idx_d = (id0, id1)
        rows = (rows0, rows1)
        sm_is = (sm_is0, sm_is1)
        sm_id = (sm_id0, sm_id1)
        sm_g = (sm_g0, sm_g1)
        sm_s = (sm_s0, sm_s1)
        sm_c = (sm_c0, sm_c1)

        def out_slice(kk):
            return pl.ds(s * _RP + kk * _RZ, _RZ)

        def zero_body(i, carry):
            for j in range(_F // _L):
                rows0[i, pl.ds(j * _L, _L)] = jnp.zeros((_L,), jnp.float32)
            cbuf[i] = jnp.zeros((_L,), jnp.float32)
            ones_v[i] = jnp.ones((_L,), jnp.float32)
            return carry
        lax.fori_loop(0, _K, zero_body, 0)
        for kk in range(_RCHUNK):
            pltpu.sync_copy(rows0, acc.at[out_slice(kk)])
            pltpu.sync_copy(cbuf, cnt.at[out_slice(kk)])
        plsc.subcore_barrier()

        def scan_edges(src_hbm, dst_hbm):
            def ebase(j):
                return s * _EPT + j * _K

            def i_start(j, b):
                pltpu.async_copy(dst_hbm.at[pl.ds(ebase(j), _K)],
                                 idx_d[b], sm_id[b])
                pltpu.async_copy(src_hbm.at[pl.ds(ebase(j), _K)],
                                 idx_s[b], sm_is[b])

            def i_wait(b):
                pltpu.make_async_copy(dst_hbm.at[pl.ds(0, _K)],
                                      idx_d[b], sm_id[b]).wait()
                pltpu.make_async_copy(src_hbm.at[pl.ds(0, _K)],
                                      idx_s[b], sm_is[b]).wait()

            def g_start(b):
                pltpu.async_copy(x_hbm.at[idx_s[b]], rows[b], sm_g[b])

            def g_wait(b):
                pltpu.make_async_copy(x_hbm.at[idx_s[b]], rows[b],
                                      sm_g[b]).wait()

            def s_start(b):
                pltpu.async_copy(rows[b], acc.at[idx_d[b]], sm_s[b],
                                 add=True)
                pltpu.async_copy(ones_v, cnt.at[idx_d[b]], sm_c[b],
                                 add=True)

            def s_wait(b):
                pltpu.make_async_copy(rows[b], acc.at[idx_d[b]],
                                      sm_s[b]).wait()
                pltpu.make_async_copy(ones_v, cnt.at[idx_d[b]],
                                      sm_c[b]).wait()

            i_start(0, 0)
            i_start(1, 1)
            i_wait(0)
            g_start(0)
            i_wait(1)
            g_start(1)

            @pl.loop(0, _NPAIR - 1)
            def _(g):
                g_wait(0)
                s_start(0)
                g_wait(1)
                s_start(1)
                s_wait(0)
                i_start(2 * g + 2, 0)
                s_wait(1)
                i_start(2 * g + 3, 1)
                i_wait(0)
                g_start(0)
                i_wait(1)
                g_start(1)

            g_wait(0)
            s_start(0)
            g_wait(1)
            s_start(1)
            s_wait(0)
            s_wait(1)

            @pl.when(s == 0)
            def _():
                for t in range(2):
                    tb = _TB + t * _K
                    pltpu.sync_copy(dst_hbm.at[pl.ds(tb, _K)], idx_d[0])
                    pltpu.sync_copy(src_hbm.at[pl.ds(tb, _K)], idx_s[0])
                    pltpu.async_copy(x_hbm.at[idx_s[0]], rows[0],
                                     sm_g[0]).wait()
                    pltpu.sync_copy(rows[0], acc.at[idx_d[0]], add=True)
                    pltpu.sync_copy(ones_v, cnt.at[idx_d[0]], add=True)

        @pl.when(c == 0)
        def _():
            scan_edges(srcp_hbm, dstp_hbm)

        @pl.when(c == 1)
        def _():
            scan_edges(srcn_hbm, dstn_hbm)

        plsc.subcore_barrier()

        for kk in range(_RCHUNK):
            pltpu.sync_copy(acc.at[out_slice(kk)], rows0)
            pltpu.sync_copy(cnt.at[out_slice(kk)], cbuf)

            def norm_body(i, carry):
                rcp = 1.0 / jnp.maximum(cbuf[i], 1.0)
                for j in range(_F // _L):
                    rows0[i, pl.ds(j * _L, _L)] = (
                        rows0[i, pl.ds(j * _L, _L)] * rcp)
                return carry
            lax.fori_loop(0, _RZ, norm_body, 0)

            @pl.when(c == 0)
            def _():
                pltpu.sync_copy(rows0, meanp_hbm.at[out_slice(kk)])

            @pl.when(c == 1)
            def _():
                pltpu.sync_copy(rows0, meann_hbm.at[out_slice(kk)])

    return k(x, src_p, dst_p, src_n, dst_n)


_BM = 1000


def _tc_linear(x, mean_p, mean_n, Wp, Wpc, bp, Wn, Wnc, bn):
    dn = (((1,), (1,)), ((), ()))

    def body(x_ref, mp_ref, mn_ref,
             wp_ref, wpc_ref, bp_ref, wn_ref, wnc_ref, bn_ref, o_ref):
        xb = x_ref[...]
        mp = mp_ref[...]
        mn = mn_ref[...]
        op = (lax.dot_general(mp, wp_ref[...], dn,
                              preferred_element_type=jnp.float32)
              + lax.dot_general(xb, wpc_ref[...], dn,
                                preferred_element_type=jnp.float32)
              + bp_ref[...])
        on = (lax.dot_general(mn, wn_ref[...], dn,
                              preferred_element_type=jnp.float32)
              + lax.dot_general(xb, wnc_ref[...], dn,
                                preferred_element_type=jnp.float32)
              + bn_ref[...])
        o_ref[...] = jnp.concatenate([op, on], axis=1)

    row_spec = pl.BlockSpec((_BM, _F), lambda i: (i, 0))
    w_spec = pl.BlockSpec((_F, _F), lambda i: (0, 0))
    b_spec = pl.BlockSpec((1, _F), lambda i: (0, 0))
    return pl.pallas_call(
        body,
        grid=(_N // _BM,),
        in_specs=[row_spec, row_spec, row_spec,
                  w_spec, w_spec, b_spec, w_spec, w_spec, b_spec],
        out_specs=pl.BlockSpec((_BM, 2 * _F), lambda i: (i, 0)),
        out_shape=jax.ShapeDtypeStruct((_N, 2 * _F), jnp.float32),
    )(x, mean_p, mean_n, Wp, Wpc, bp, Wn, Wnc, bn)


def kernel(x, pos_edge_index, neg_edge_index, W_pos, W_pos_cc, b_pos_cc,
           W_neg, W_neg_cc, b_neg_cc, posAttMat2, negAttMat2):
    src_p = pos_edge_index[0].astype(jnp.int32)
    dst_p = pos_edge_index[1].astype(jnp.int32)
    src_n = neg_edge_index[0].astype(jnp.int32)
    dst_n = neg_edge_index[1].astype(jnp.int32)
    mean_p, mean_n = _sc_aggregate(x, src_p, dst_p, src_n, dst_n)
    return _tc_linear(x, mean_p, mean_n, W_pos, W_pos_cc,
                      b_pos_cc.reshape(1, _F), W_neg, W_neg_cc,
                      b_neg_cc.reshape(1, _F))

# --- scband reference (transcript-rebuilt; emitter-appended) ---
"""Pipeline reference for scband-signed-conv-73581379715260 (READ-ONLY COPY).

The authoritative reference and input builder live on the scoring server;
editing this copy changes nothing except your own understanding.
"""

import jax, jax.numpy as jnp
import numpy as np

N = 10000
F_IN = 128
F_OUT = 128
E = 160000


def _scatter_mean(edge_index, att_vec, x, num_nodes):
    # Faithful stand-in for the (externally defined) computeNegFeaMean:
    # mean aggregation of source-node features into destination nodes.
    # att_vec (posAttMat2/negAttMat2) is threaded through as in the original
    # call signature but does not modify the mean aggregation here.
    src = edge_index[0]
    dst = edge_index[1]
    msgs = jnp.take(x, src, axis=0)
    summed = jax.ops.segment_sum(msgs, dst, num_segments=num_nodes)
    cnt = jax.ops.segment_sum(jnp.ones((src.shape[0],), dtype=x.dtype), dst, num_segments=num_nodes)
    return summed / jnp.clip(cnt, 1.0)[:, None]


def setup_inputs(seed: int = 0) -> dict:
    key = jax.random.key(seed)
    ks = jax.random.split(key, 12)
    bound = 1.0 / np.sqrt(F_IN)
    x = jax.random.normal(ks[0], (N, F_IN), dtype=jnp.float32)
    pos_edge_index = jax.random.randint(ks[1], (2, E), 0, N, dtype=jnp.int64)
    neg_edge_index = jax.random.randint(ks[2], (2, E), 0, N, dtype=jnp.int64)
    W_pos = jax.random.uniform(ks[3], (F_OUT, F_IN), jnp.float32, -bound, bound)
    W_pos_cc = jax.random.uniform(ks[4], (F_OUT, F_IN), jnp.float32, -bound, bound)
    b_pos_cc = jax.random.uniform(ks[5], (F_OUT,), jnp.float32, -bound, bound)
    W_neg = jax.random.uniform(ks[6], (F_OUT, F_IN), jnp.float32, -bound, bound)
    W_neg_cc = jax.random.uniform(ks[7], (F_OUT, F_IN), jnp.float32, -bound, bound)
    b_neg_cc = jax.random.uniform(ks[8], (F_OUT,), jnp.float32, -bound, bound)
    posAttMat2 = jnp.ones((16,), dtype=jnp.float32)
    negAttMat2 = jnp.ones((16,), dtype=jnp.float32)
    return {
        "x": x,
        "pos_edge_index": pos_edge_index,
        "neg_edge_index": neg_edge_index,
        "W_pos": W_pos,
        "W_pos_cc": W_pos_cc,
        "b_pos_cc": b_pos_cc,
        "W_neg": W_neg,
        "W_neg_cc": W_neg_cc,
        "b_neg_cc": b_neg_cc,
        "posAttMat2": posAttMat2,
        "negAttMat2": negAttMat2,
    }


def reference(x, pos_edge_index, neg_edge_index, W_pos, W_pos_cc, b_pos_cc,
              W_neg, W_neg_cc, b_neg_cc, posAttMat2, negAttMat2):
    num_nodes = x.shape[0]
    # first_aggr=True branch
    out_pos = _scatter_mean(pos_edge_index, posAttMat2, x, num_nodes)
    out_pos = out_pos @ W_pos.T
    out_pos = out_pos + (x @ W_pos_cc.T + b_pos_cc)
    out_neg = _scatter_mean(neg_edge_index, negAttMat2, x, num_nodes)
    out_neg = out_neg @ W_neg.T
    out_neg = out_neg + (x @ W_neg_cc.T + b_neg_cc)
    return jnp.concatenate([out_pos, out_neg], axis=-1)

if __name__ == "__main__":
    import jax
    _d = setup_inputs()
    print(jax.jit(kernel)(*tuple(_d.values())))

</pallas_src>

<mosaic_0001>
#map = affine_map<(d0, d1) -> (0, 0)>
#map1 = affine_map<(d0, d1) -> (0)>
module attributes {stable_mosaic.version = 14 : i64} {
  func.func @k(%arg0: i32, %arg1: i32, %arg2: memref<10000x128xf32, #tpu.memory_space<hbm>>, %arg3: memref<160000xi32, #tpu.memory_space<hbm>>, %arg4: memref<160000xi32, #tpu.memory_space<hbm>>, %arg5: memref<160000xi32, #tpu.memory_space<hbm>>, %arg6: memref<160000xi32, #tpu.memory_space<hbm>>, %arg7: memref<10240x128xf32, #tpu.memory_space<hbm>>, %arg8: memref<10240x128xf32, #tpu.memory_space<hbm>>, %arg9: memref<10240x128xf32, #tpu.memory_space<vmem_shared>>, %arg10: memref<10240x16xf32, #tpu.memory_space<vmem_shared>>, %arg11: memref<128xi32, #tpu.memory_space<vmem>>, %arg12: memref<128xi32, #tpu.memory_space<vmem>>, %arg13: memref<128xi32, #tpu.memory_space<vmem>>, %arg14: memref<128xi32, #tpu.memory_space<vmem>>, %arg15: memref<128x128xf32, #tpu.memory_space<vmem>>, %arg16: memref<128x128xf32, #tpu.memory_space<vmem>>, %arg17: memref<128x16xf32, #tpu.memory_space<vmem>>, %arg18: memref<128x16xf32, #tpu.memory_space<vmem>>, %arg19: memref<!tpu.dma_semaphore, #tpu.memory_space<semaphore_mem>>, %arg20: memref<!tpu.dma_semaphore, #tpu.memory_space<semaphore_mem>>, %arg21: memref<!tpu.dma_semaphore, #tpu.memory_space<semaphore_mem>>, %arg22: memref<!tpu.dma_semaphore, #tpu.memory_space<semaphore_mem>>, %arg23: memref<!tpu.dma_semaphore, #tpu.memory_space<semaphore_mem>>, %arg24: memref<!tpu.dma_semaphore, #tpu.memory_space<semaphore_mem>>, %arg25: memref<!tpu.dma_semaphore, #tpu.memory_space<semaphore_mem>>, %arg26: memref<!tpu.dma_semaphore, #tpu.memory_space<semaphore_mem>>, %arg27: memref<!tpu.dma_semaphore, #tpu.memory_space<semaphore_mem>>, %arg28: memref<!tpu.dma_semaphore, #tpu.memory_space<semaphore_mem>>) attributes {dimension_semantics = [#tpu.dimension_semantics<core_parallel>, #tpu.dimension_semantics<subcore_parallel>], iteration_bounds = array<i64: 2, 16>, scalar_prefetch = 0 : i64, scratch_operands = 20 : i64, tpu.core_type = #tpu.core_type<sc_vector_subcore>, window_params = [{transform_indices = #map}, {transform_indices = #map1}, {transform_indices = #map1}, {transform_indices = #map1}, {transform_indices = #map1}, {transform_indices = #map}, {transform_indices = #map}]} {
    %scan3A = arith.constant 0 : i32
    %scan3A_0 = arith.constant 0 : i32
    %scan3A_1 = arith.constant 128 : i32
    %scan3A_2 = arith.addi %scan3A_0, %scan3A_1 : i32
    %scan3A_3 = arith.constant 1 : i32
    scf.for %scan3A_171 = %scan3A_0 to %scan3A_2 step %scan3A_3  : i32 {
      %broadcast_in_dim3A = arith.constant 0.000000e+00 : f32
      %broadcast_in_dim3A_172 = vector.broadcast %broadcast_in_dim3A : f32 to vector<16xf32>
      %swap3A = arith.index_cast %scan3A_171 : i32 to index
      %swap3A_173 = arith.constant 0 : index
      %swap3A_174 = tpu.vector_load %arg15[%swap3A, %swap3A_173] {strides = array<i32>} : memref<128x128xf32, #tpu.memory_space<vmem>>, vector<1x16xf32>,
      %swap3A_175 = vector.shape_cast %swap3A_174 : vector<1x16xf32> to vector<16xf32>
      %swap3A_176 = vector.shape_cast %broadcast_in_dim3A_172 : vector<16xf32> to vector<1x16xf32>
      tpu.vector_store %arg15[%swap3A, %swap3A_173], %swap3A_176 {strides = array<i32>} : memref<128x128xf32, #tpu.memory_space<vmem>>, vector<1x16xf32>,
      %broadcast_in_dim3A_177 = arith.constant 0.000000e+00 : f32
      %broadcast_in_dim3A_178 = vector.broadcast %broadcast_in_dim3A_177 : f32 to vector<16xf32>
      %swap3A_179 = arith.index_cast %scan3A_171 : i32 to index
      %swap3A_180 = arith.constant 16 : index
      %swap3A_181 = tpu.vector_load %arg15[%swap3A_179, %swap3A_180] {strides = array<i32>} : memref<128x128xf32, #tpu.memory_space<vmem>>, vector<1x16xf32>,
      %swap3A_182 = vector.shape_cast %swap3A_181 : vector<1x16xf32> to vector<16xf32>
      %swap3A_183 = vector.shape_cast %broadcast_in_dim3A_178 : vector<16xf32> to vector<1x16xf32>
      tpu.vector_store %arg15[%swap3A_179, %swap3A_180], %swap3A_183 {strides = array<i32>} : memref<128x128xf32, #tpu.memory_space<vmem>>, vector<1x16xf32>,
      %broadcast_in_dim3A_184 = arith.constant 0.000000e+00 : f32
      %broadcast_in_dim3A_185 = vector.broadcast %broadcast_in_dim3A_184 : f32 to vector<16xf32>
      %swap3A_186 = arith.index_cast %scan3A_171 : i32 to index
      %swap3A_187 = arith.constant 32 : index
      %swap3A_188 = tpu.vector_load %arg15[%swap3A_186, %swap3A_187] {strides = array<i32>} : memref<128x128xf32, #tpu.memory_space<vmem>>, vector<1x16xf32>,
      %swap3A_189 = vector.shape_cast %swap3A_188 : vector<1x16xf32> to vector<16xf32>
      %swap3A_190 = vector.shape_cast %broadcast_in_dim3A_185 : vector<16xf32> to vector<1x16xf32>
      tpu.vector_store %arg15[%swap3A_186, %swap3A_187], %swap3A_190 {strides = array<i32>} : memref<128x128xf32, #tpu.memory_space<vmem>>, vector<1x16xf32>,
      %broadcast_in_dim3A_191 = arith.constant 0.000000e+00 : f32
      %broadcast_in_dim3A_192 = vector.broadcast %broadcast_in_dim3A_191 : f32 to vector<16xf32>
      %swap3A_193 = arith.index_cast %scan3A_171 : i32 to index
      %swap3A_194 = arith.constant 48 : index
      %swap3A_195 = tpu.vector_load %arg15[%swap3A_193, %swap3A_194] {strides = array<i32>} : memref<128x128xf32, #tpu.memory_space<vmem>>, vector<1x16xf32>,
      %swap3A_196 = vector.shape_cast %swap3A_195 : vector<1x16xf32> to vector<16xf32>
      %swap3A_197 = vector.shape_cast %broadcast_in_dim3A_192 : vector<16xf32> to vector<1x16xf32>
      tpu.vector_store %arg15[%swap3A_193, %swap3A_194], %swap3A_197 {strides = array<i32>} : memref<128x128xf32, #tpu.memory_space<vmem>>, vector<1x16xf32>,
      %broadcast_in_dim3A_198 = arith.constant 0.000000e+00 : f32
      %broadcast_in_dim3A_199 = vector.broadcast %broadcast_in_dim3A_198 : f32 to vector<16xf32>
      %swap3A_200 = arith.index_cast %scan3A_171 : i32 to index
      %swap3A_201 = arith.constant 64 : index
      %swap3A_202 = tpu.vector_load %arg15[%swap3A_200, %swap3A_201] {strides = array<i32>} : memref<128x128xf32, #tpu.memory_space<vmem>>, vector<1x16xf32>,
      %swap3A_203 = vector.shape_cast %swap3A_202 : vector<1x16xf32> to vector<16xf32>
      %swap3A_204 = vector.shape_cast %broadcast_in_dim3A_199 : vector<16xf32> to vector<1x16xf32>
      tpu.vector_store %arg15[%swap3A_200, %swap3A_201], %swap3A_204 {strides = array<i32>} : memref<128x128xf32, #tpu.memory_space<vmem>>, vector<1x16xf32>,
      %broadcast_in_dim3A_205 = arith.constant 0.000000e+00 : f32
      %broadcast_in_dim3A_206 = vector.broadcast %broadcast_in_dim3A_205 : f32 to vector<16xf32>
      %swap3A_207 = arith.index_cast %scan3A_171 : i32 to index
      %swap3A_208 = arith.constant 80 : index
      %swap3A_209 = tpu.vector_load %arg15[%swap3A_207, %swap3A_208] {strides = array<i32>} : memref<128x128xf32, #tpu.memory_space<vmem>>, vector<1x16xf32>,
      %swap3A_210 = vector.shape_cast %swap3A_209 : vector<1x16xf32> to vector<16xf32>
      %swap3A_211 = vector.shape_cast %broadcast_in_dim3A_206 : vector<16xf32> to vector<1x16xf32>
      tpu.vector_store %arg15[%swap3A_207, %swap3A_208], %swap3A_211 {strides = array<i32>} : memref<128x128xf32, #tpu.memory_space<vmem>>, vector<1x16xf32>,
      %broadcast_in_dim3A_212 = arith.constant 0.000000e+00 : f32
      %broadcast_in_dim3A_213 = vector.broadcast %broadcast_in_dim3A_212 : f32 to vector<16xf32>
      %swap3A_214 = arith.index_cast %scan3A_171 : i32 to index
      %swap3A_215 = arith.constant 96 : index
      %swap3A_216 = tpu.vector_load %arg15[%swap3A_214, %swap3A_215] {strides = array<i32>} : memref<128x128xf32, #tpu.memory_space<vmem>>, vector<1x16xf32>,
      %swap3A_217 = vector.shape_cast %swap3A_216 : vector<1x16xf32> to vector<16xf32>
      %swap3A_218 = vector.shape_cast %broadcast_in_dim3A_213 : vector<16xf32> to vector<1x16xf32>
      tpu.vector_store %arg15[%swap3A_214, %swap3A_215], %swap3A_218 {strides = array<i32>} : memref<128x128xf32, #tpu.memory_space<vmem>>, vector<1x16xf32>,
      %broadcast_in_dim3A_219 = arith.constant 0.000000e+00 : f32
      %broadcast_in_dim3A_220 = vector.broadcast %broadcast_in_dim3A_219 : f32 to vector<16xf32>
      %swap3A_221 = arith.index_cast %scan3A_171 : i32 to index
      %swap3A_222 = arith.constant 112 : index
      %swap3A_223 = tpu.vector_load %arg15[%swap3A_221, %swap3A_222] {strides = array<i32>} : memref<128x128xf32, #tpu.memory_space<vmem>>, vector<1x16xf32>,
      %swap3A_224 = vector.shape_cast %swap3A_223 : vector<1x16xf32> to vector<16xf32>
      %swap3A_225 = vector.shape_cast %broadcast_in_dim3A_220 : vector<16xf32> to vector<1x16xf32>
      tpu.vector_store %arg15[%swap3A_221, %swap3A_222], %swap3A_225 {strides = array<i32>} : memref<128x128xf32, #tpu.memory_space<vmem>>, vector<1x16xf32>,
      %broadcast_in_dim3A_226 = arith.constant 0.000000e+00 : f32
      %broadcast_in_dim3A_227 = vector.broadcast %broadcast_in_dim3A_226 : f32 to vector<16xf32>
      %swap3A_228 = arith.index_cast %scan3A_171 : i32 to index
      %swap3A_229 = arith.constant 0 : index
      %swap3A_230 = tpu.vector_load %arg18[%swap3A_228, %swap3A_229] {strides = array<i32>} : memref<128x16xf32, #tpu.memory_space<vmem>>, vector<1x16xf32>,
      %swap3A_231 = vector.shape_cast %swap3A_230 : vector<1x16xf32> to vector<16xf32>
      %swap3A_232 = vector.shape_cast %broadcast_in_dim3A_227 : vector<16xf32> to vector<1x16xf32>
      tpu.vector_store %arg18[%swap3A_228, %swap3A_229], %swap3A_232 {strides = array<i32>} : memref<128x16xf32, #tpu.memory_space<vmem>>, vector<1x16xf32>,
      %broadcast_in_dim3A_233 = arith.constant 1.000000e+00 : f32
      %broadcast_in_dim3A_234 = vector.broadcast %broadcast_in_dim3A_233 : f32 to vector<16xf32>
      %swap3A_235 = arith.index_cast %scan3A_171 : i32 to index
      %swap3A_236 = arith.constant 0 : index
      %swap3A_237 = tpu.vector_load %arg17[%swap3A_235, %swap3A_236] {strides = array<i32>} : memref<128x16xf32, #tpu.memory_space<vmem>>, vector<1x16xf32>,
      %swap3A_238 = vector.shape_cast %swap3A_237 : vector<1x16xf32> to vector<16xf32>
      %swap3A_239 = vector.shape_cast %broadcast_in_dim3A_234 : vector<16xf32> to vector<1x16xf32>
      tpu.vector_store %arg17[%swap3A_235, %swap3A_236], %swap3A_239 {strides = array<i32>} : memref<128x16xf32, #tpu.memory_space<vmem>>, vector<1x16xf32>,
    }
    %scan3A_4 = arith.constant 128 : i32
    %mul3A = arith.constant 640 : i32
    %mul3A_5 = arith.muli %arg1, %mul3A : i32
    %add3A = arith.constant 0 : i32
    %add3A_6 = arith.addi %mul3A_5, %add3A : i32
    "tpu.region"() ({
      %run_scoped3A = tpu.sem_alloc : memref<!tpu.dma_semaphore, #tpu.memory_space<semaphore_mem>>
      %dma_start3A = arith.constant 0 : i32
      %dma_start3A_171 = tpu.memref_slice %arg9[%add3A_6, %dma_start3A] : memref<10240x128xf32, #tpu.memory_space<vmem_shared>> -> memref<128x128xf32, #tpu.memory_space<vmem_shared>>
      %dma_start3A_172 = arith.constant 0 : i32
      %dma_start3A_173 = tpu.memref_slice %arg9[%add3A_6, %dma_start3A_172] : memref<10240x128xf32, #tpu.memory_space<vmem_shared>> -> memref<128x128xf32, #tpu.memory_space<vmem_shared>>
      tpu.enqueue_dma source(%arg15 : memref<128x128xf32, #tpu.memory_space<vmem>>) target(%dma_start3A_173 : memref<128x128xf32, #tpu.memory_space<vmem_shared>>) target_semaphore(%run_scoped3A : memref<!tpu.dma_semaphore, #tpu.memory_space<semaphore_mem>>)
      %dma_wait3A = arith.constant 0 : i32
      %dma_wait3A_174 = tpu.memref_slice %arg9[%add3A_6, %dma_wait3A] : memref<10240x128xf32, #tpu.memory_space<vmem_shared>> -> memref<128x128xf32, #tpu.memory_space<vmem_shared>>
      %dma_wait3A_175 = arith.constant 0 : i32
      %dma_wait3A_176 = tpu.memref_slice %arg9[%add3A_6, %dma_wait3A_175] : memref<10240x128xf32, #tpu.memory_space<vmem_shared>> -> memref<128x128xf32, #tpu.memory_space<vmem_shared>>
      tpu.wait_dma2 semaphore(%run_scoped3A : memref<!tpu.dma_semaphore, #tpu.memory_space<semaphore_mem>>) src(%arg15 : memref<128x128xf32, #tpu.memory_space<vmem>>) dst(%dma_wait3A_176 : memref<128x128xf32, #tpu.memory_space<vmem_shared>>)
      tpu.yield
    }) : () -> ()
    %mul3A_7 = arith.constant 640 : i32
    %mul3A_8 = arith.muli %arg1, %mul3A_7 : i32
    %add3A_9 = arith.constant 0 : i32
    %add3A_10 = arith.addi %mul3A_8, %add3A_9 : i32
    "tpu.region"() ({
      %run_scoped3A = tpu.sem_alloc : memref<!tpu.dma_semaphore, #tpu.memory_space<semaphore_mem>>
      %dma_start3A = arith.constant 0 : i32
      %dma_start3A_171 = tpu.memref_slice %arg10[%add3A_10, %dma_start3A] : memref<10240x16xf32, #tpu.memory_space<vmem_shared>> -> memref<128x16xf32, #tpu.memory_space<vmem_shared>>
      %dma_start3A_172 = arith.constant 0 : i32
      %dma_start3A_173 = tpu.memref_slice %arg10[%add3A_10, %dma_start3A_172] : memref<10240x16xf32, #tpu.memory_space<vmem_shared>> -> memref<128x16xf32, #tpu.memory_space<vmem_shared>>
      tpu.enqueue_dma source(%arg18 : memref<128x16xf32, #tpu.memory_space<vmem>>) target(%dma_start3A_173 : memref<128x16xf32, #tpu.memory_space<vmem_shared>>) target_semaphore(%run_scoped3A : memref<!tpu.dma_semaphore, #tpu.memory_space<semaphore_mem>>)
      %dma_wait3A = arith.constant 0 : i32
      %dma_wait3A_174 = tpu.memref_slice %arg10[%add3A_10, %dma_wait3A] : memref<10240x16xf32, #tpu.memory_space<vmem_shared>> -> memref<128x16xf32, #tpu.memory_space<vmem_shared>>
      %dma_wait3A_175 = arith.constant 0 : i32
      %dma_wait3A_176 = tpu.memref_slice %arg10[%add3A_10, %dma_wait3A_175] : memref<10240x16xf32, #tpu.memory_space<vmem_shared>> -> memref<128x16xf32, #tpu.memory_space<vmem_shared>>
      tpu.wait_dma2 semaphore(%run_scoped3A : memref<!tpu.dma_semaphore, #tpu.memory_space<semaphore_mem>>) src(%arg18 : memref<128x16xf32, #tpu.memory_space<vmem>>) dst(%dma_wait3A_176 : memref<128x16xf32, #tpu.memory_space<vmem_shared>>)
      tpu.yield
    }) : () -> ()
    %mul3A_11 = arith.constant 640 : i32
    %mul3A_12 = arith.muli %arg1, %mul3A_11 : i32
    %add3A_13 = arith.constant 128 : i32
    %add3A_14 = arith.addi %mul3A_12, %add3A_13 : i32
    "tpu.region"() ({
      %run_scoped3A = tpu.sem_alloc : memref<!tpu.dma_semaphore, #tpu.memory_space<semaphore_mem>>
      %dma_start3A = arith.constant 0 : i32
      %dma_start3A_171 = tpu.memref_slice %arg9[%add3A_14, %dma_start3A] : memref<10240x128xf32, #tpu.memory_space<vmem_shared>> -> memref<128x128xf32, #tpu.memory_space<vmem_shared>>
      %dma_start3A_172 = arith.constant 0 : i32
      %dma_start3A_173 = tpu.memref_slice %arg9[%add3A_14, %dma_start3A_172] : memref<10240x128xf32, #tpu.memory_space<vmem_shared>> -> memref<128x128xf32, #tpu.memory_space<vmem_shared>>
      tpu.enqueue_dma source(%arg15 : memref<128x128xf32, #tpu.memory_space<vmem>>) target(%dma_start3A_173 : memref<128x128xf32, #tpu.memory_space<vmem_shared>>) target_semaphore(%run_scoped3A : memref<!tpu.dma_semaphore, #tpu.memory_space<semaphore_mem>>)
      %dma_wait3A = arith.constant 0 : i32
      %dma_wait3A_174 = tpu.memref_slice %arg9[%add3A_14, %dma_wait3A] : memref<10240x128xf32, #tpu.memory_space<vmem_shared>> -> memref<128x128xf32, #tpu.memory_space<vmem_shared>>
      %dma_wait3A_175 = arith.constant 0 : i32
      %dma_wait3A_176 = tpu.memref_slice %arg9[%add3A_14, %dma_wait3A_175] : memref<10240x128xf32, #tpu.memory_space<vmem_shared>> -> memref<128x128xf32, #tpu.memory_space<vmem_shared>>
      tpu.wait_dma2 semaphore(%run_scoped3A : memref<!tpu.dma_semaphore, #tpu.memory_space<semaphore_mem>>) src(%arg15 : memref<128x128xf32, #tpu.memory_space<vmem>>) dst(%dma_wait3A_176 : memref<128x128xf32, #tpu.memory_space<vmem_shared>>)
      tpu.yield
    }) : () -> ()
    %mul3A_15 = arith.constant 640 : i32
    %mul3A_16 = arith.muli %arg1, %mul3A_15 : i32
    %add3A_17 = arith.constant 128 : i32
    %add3A_18 = arith.addi %mul3A_16, %add3A_17 : i32
    "tpu.region"() ({
      %run_scoped3A = tpu.sem_alloc : memref<!tpu.dma_semaphore, #tpu.memory_space<semaphore_mem>>
      %dma_start3A = arith.constant 0 : i32
      %dma_start3A_171 = tpu.memref_slice %arg10[%add3A_18, %dma_start3A] : memref<10240x16xf32, #tpu.memory_space<vmem_shared>> -> memref<128x16xf32, #tpu.memory_space<vmem_shared>>
      %dma_start3A_172 = arith.constant 0 : i32
      %dma_start3A_173 = tpu.memref_slice %arg10[%add3A_18, %dma_start3A_172] : memref<10240x16xf32, #tpu.memory_space<vmem_shared>> -> memref<128x16xf32, #tpu.memory_space<vmem_shared>>
      tpu.enqueue_dma source(%arg18 : memref<128x16xf32, #tpu.memory_space<vmem>>) target(%dma_start3A_173 : memref<128x16xf32, #tpu.memory_space<vmem_shared>>) target_semaphore(%run_scoped3A : memref<!tpu.dma_semaphore, #tpu.memory_space<semaphore_mem>>)
      %dma_wait3A = arith.constant 0 : i32
      %dma_wait3A_174 = tpu.memref_slice %arg10[%add3A_18, %dma_wait3A] : memref<10240x16xf32, #tpu.memory_space<vmem_shared>> -> memref<128x16xf32, #tpu.memory_space<vmem_shared>>
      %dma_wait3A_175 = arith.constant 0 : i32
      %dma_wait3A_176 = tpu.memref_slice %arg10[%add3A_18, %dma_wait3A_175] : memref<10240x16xf32, #tpu.memory_space<vmem_shared>> -> memref<128x16xf32, #tpu.memory_space<vmem_shared>>
      tpu.wait_dma2 semaphore(%run_scoped3A : memref<!tpu.dma_semaphore, #tpu.memory_space<semaphore_mem>>) src(%arg18 : memref<128x16xf32, #tpu.memory_space<vmem>>) dst(%dma_wait3A_176 : memref<128x16xf32, #tpu.memory_space<vmem_shared>>)
      tpu.yield
    }) : () -> ()
    %mul3A_19 = arith.constant 640 : i32
    %mul3A_20 = arith.muli %arg1, %mul3A_19 : i32
    %add3A_21 = arith.constant 256 : i32
    %add3A_22 = arith.addi %mul3A_20, %add3A_21 : i32
    "tpu.region"() ({
      %run_scoped3A = tpu.sem_alloc : memref<!tpu.dma_semaphore, #tpu.memory_space<semaphore_mem>>
      %dma_start3A = arith.constant 0 : i32
      %dma_start3A_171 = tpu.memref_slice %arg9[%add3A_22, %dma_start3A] : memref<10240x128xf32, #tpu.memory_space<vmem_shared>> -> memref<128x128xf32, #tpu.memory_space<vmem_shared>>
      %dma_start3A_172 = arith.constant 0 : i32
      %dma_start3A_173 = tpu.memref_slice %arg9[%add3A_22, %dma_start3A_172] : memref<10240x128xf32, #tpu.memory_space<vmem_shared>> -> memref<128x128xf32, #tpu.memory_space<vmem_shared>>
      tpu.enqueue_dma source(%arg15 : memref<128x128xf32, #tpu.memory_space<vmem>>) target(%dma_start3A_173 : memref<128x128xf32, #tpu.memory_space<vmem_shared>>) target_semaphore(%run_scoped3A : memref<!tpu.dma_semaphore, #tpu.memory_space<semaphore_mem>>)
      %dma_wait3A = arith.constant 0 : i32
      %dma_wait3A_174 = tpu.memref_slice %arg9[%add3A_22, %dma_wait3A] : memref<10240x128xf32, #tpu.memory_space<vmem_shared>> -> memref<128x128xf32, #tpu.memory_space<vmem_shared>>
      %dma_wait3A_175 = arith.constant 0 : i32
      %dma_wait3A_176 = tpu.memref_slice %arg9[%add3A_22, %dma_wait3A_175] : memref<10240x128xf32, #tpu.memory_space<vmem_shared>> -> memref<128x128xf32, #tpu.memory_space<vmem_shared>>
      tpu.wait_dma2 semaphore(%run_scoped3A : memref<!tpu.dma_semaphore, #tpu.memory_space<semaphore_mem>>) src(%arg15 : memref<128x128xf32, #tpu.memory_space<vmem>>) dst(%dma_wait3A_176 : memref<128x128xf32, #tpu.memory_space<vmem_shared>>)
      tpu.yield
    }) : () -> ()
    %mul3A_23 = arith.constant 640 : i32
    %mul3A_24 = arith.muli %arg1, %mul3A_23 : i32
    %add3A_25 = arith.constant 256 : i32
    %add3A_26 = arith.addi %mul3A_24, %add3A_25 : i32
    "tpu.region"() ({
      %run_scoped3A = tpu.sem_alloc : memref<!tpu.dma_semaphore, #tpu.memory_space<semaphore_mem>>
      %dma_start3A = arith.constant 0 : i32
      %dma_start3A_171 = tpu.memref_slice %arg10[%add3A_26, %dma_start3A] : memref<10240x16xf32, #tpu.memory_space<vmem_shared>> -> memref<128x16xf32, #tpu.memory_space<vmem_shared>>
      %dma_start3A_172 = arith.constant 0 : i32
      %dma_start3A_173 = tpu.memref_slice %arg10[%add3A_26, %dma_start3A_172] : memref<10240x16xf32, #tpu.memory_space<vmem_shared>> -> memref<128x16xf32, #tpu.memory_space<vmem_shared>>
      tpu.enqueue_dma source(%arg18 : memref<128x16xf32, #tpu.memory_space<vmem>>) target(%dma_start3A_173 : memref<128x16xf32, #tpu.memory_space<vmem_shared>>) target_semaphore(%run_scoped3A : memref<!tpu.dma_semaphore, #tpu.memory_space<semaphore_mem>>)
      %dma_wait3A = arith.constant 0 : i32
      %dma_wait3A_174 = tpu.memref_slice %arg10[%add3A_26, %dma_wait3A] : memref<10240x16xf32, #tpu.memory_space<vmem_shared>> -> memref<128x16xf32, #tpu.memory_space<vmem_shared>>
      %dma_wait3A_175 = arith.constant 0 : i32
      %dma_wait3A_176 = tpu.memref_slice %arg10[%add3A_26, %dma_wait3A_175] : memref<10240x16xf32, #tpu.memory_space<vmem_shared>> -> memref<128x16xf32, #tpu.memory_space<vmem_shared>>
      tpu.wait_dma2 semaphore(%run_scoped3A : memref<!tpu.dma_semaphore, #tpu.memory_space<semaphore_mem>>) src(%arg18 : memref<128x16xf32, #tpu.memory_space<vmem>>) dst(%dma_wait3A_176 : memref<128x16xf32, #tpu.memory_space<vmem_shared>>)
      tpu.yield
    }) : () -> ()
    %mul3A_27 = arith.constant 640 : i32
    %mul3A_28 = arith.muli %arg1, %mul3A_27 : i32
    %add3A_29 = arith.constant 384 : i32
    %add3A_30 = arith.addi %mul3A_28, %add3A_29 : i32
    "tpu.region"() ({
      %run_scoped3A = tpu.sem_alloc : memref<!tpu.dma_semaphore, #tpu.memory_space<semaphore_mem>>
      %dma_start3A = arith.constant 0 : i32
      %dma_start3A_171 = tpu.memref_slice %arg9[%add3A_30, %dma_start3A] : memref<10240x128xf32, #tpu.memory_space<vmem_shared>> -> memref<128x128xf32, #tpu.memory_space<vmem_shared>>
      %dma_start3A_172 = arith.constant 0 : i32
      %dma_start3A_173 = tpu.memref_slice %arg9[%add3A_30, %dma_start3A_172] : memref<10240x128xf32, #tpu.memory_space<vmem_shared>> -> memref<128x128xf32, #tpu.memory_space<vmem_shared>>
      tpu.enqueue_dma source(%arg15 : memref<128x128xf32, #tpu.memory_space<vmem>>) target(%dma_start3A_173 : memref<128x128xf32, #tpu.memory_space<vmem_shared>>) target_semaphore(%run_scoped3A : memref<!tpu.dma_semaphore, #tpu.memory_space<semaphore_mem>>)
      %dma_wait3A = arith.constant 0 : i32
      %dma_wait3A_174 = tpu.memref_slice %arg9[%add3A_30, %dma_wait3A] : memref<10240x128xf32, #tpu.memory_space<vmem_shared>> -> memref<128x128xf32, #tpu.memory_space<vmem_shared>>
      %dma_wait3A_175 = arith.constant 0 : i32
      %dma_wait3A_176 = tpu.memref_slice %arg9[%add3A_30, %dma_wait3A_175] : memref<10240x128xf32, #tpu.memory_space<vmem_shared>> -> memref<128x128xf32, #tpu.memory_space<vmem_shared>>
      tpu.wait_dma2 semaphore(%run_scoped3A : memref<!tpu.dma_semaphore, #tpu.memory_space<semaphore_mem>>) src(%arg15 : memref<128x128xf32, #tpu.memory_space<vmem>>) dst(%dma_wait3A_176 : memref<128x128xf32, #tpu.memory_space<vmem_shared>>)
      tpu.yield
    }) : () -> ()
    %mul3A_31 = arith.constant 640 : i32
    %mul3A_32 = arith.muli %arg1, %mul3A_31 : i32
    %add3A_33 = arith.constant 384 : i32
    %add3A_34 = arith.addi %mul3A_32, %add3A_33 : i32
    "tpu.region"() ({
      %run_scoped3A = tpu.sem_alloc : memref<!tpu.dma_semaphore, #tpu.memory_space<semaphore_mem>>
      %dma_start3A = arith.constant 0 : i32
      %dma_start3A_171 = tpu.memref_slice %arg10[%add3A_34, %dma_start3A] : memref<10240x16xf32, #tpu.memory_space<vmem_shared>> -> memref<128x16xf32, #tpu.memory_space<vmem_shared>>
      %dma_start3A_172 = arith.constant 0 : i32
      %dma_start3A_173 = tpu.memref_slice %arg10[%add3A_34, %dma_start3A_172] : memref<10240x16xf32, #tpu.memory_space<vmem_shared>> -> memref<128x16xf32, #tpu.memory_space<vmem_shared>>
      tpu.enqueue_dma source(%arg18 : memref<128x16xf32, #tpu.memory_space<vmem>>) target(%dma_start3A_173 : memref<128x16xf32, #tpu.memory_space<vmem_shared>>) target_semaphore(%run_scoped3A : memref<!tpu.dma_semaphore, #tpu.memory_space<semaphore_mem>>)
      %dma_wait3A = arith.constant 0 : i32
      %dma_wait3A_174 = tpu.memref_slice %arg10[%add3A_34, %dma_wait3A] : memref<10240x16xf32, #tpu.memory_space<vmem_shared>> -> memref<128x16xf32, #tpu.memory_space<vmem_shared>>
      %dma_wait3A_175 = arith.constant 0 : i32
      %dma_wait3A_176 = tpu.memref_slice %arg10[%add3A_34, %dma_wait3A_175] : memref<10240x16xf32, #tpu.memory_space<vmem_shared>> -> memref<128x16xf32, #tpu.memory_space<vmem_shared>>
      tpu.wait_dma2 semaphore(%run_scoped3A : memref<!tpu.dma_semaphore, #tpu.memory_space<semaphore_mem>>) src(%arg18 : memref<128x16xf32, #tpu.memory_space<vmem>>) dst(%dma_wait3A_176 : memref<128x16xf32, #tpu.memory_space<vmem_shared>>)
      tpu.yield
    }) : () -> ()
    %mul3A_35 = arith.constant 640 : i32
    %mul3A_36 = arith.muli %arg1, %mul3A_35 : i32
    %add3A_37 = arith.constant 512 : i32
    %add3A_38 = arith.addi %mul3A_36, %add3A_37 : i32
    "tpu.region"() ({
      %run_scoped3A = tpu.sem_alloc : memref<!tpu.dma_semaphore, #tpu.memory_space<semaphore_mem>>
      %dma_start3A = arith.constant 0 : i32
      %dma_start3A_171 = tpu.memref_slice %arg9[%add3A_38, %dma_start3A] : memref<10240x128xf32, #tpu.memory_space<vmem_shared>> -> memref<128x128xf32, #tpu.memory_space<vmem_shared>>
      %dma_start3A_172 = arith.constant 0 : i32
      %dma_start3A_173 = tpu.memref_slice %arg9[%add3A_38, %dma_start3A_172] : memref<10240x128xf32, #tpu.memory_space<vmem_shared>> -> memref<128x128xf32, #tpu.memory_space<vmem_shared>>
      tpu.enqueue_dma source(%arg15 : memref<128x128xf32, #tpu.memory_space<vmem>>) target(%dma_start3A_173 : memref<128x128xf32, #tpu.memory_space<vmem_shared>>) target_semaphore(%run_scoped3A : memref<!tpu.dma_semaphore, #tpu.memory_space<semaphore_mem>>)
      %dma_wait3A = arith.constant 0 : i32
      %dma_wait3A_174 = tpu.memref_slice %arg9[%add3A_38, %dma_wait3A] : memref<10240x128xf32, #tpu.memory_space<vmem_shared>> -> memref<128x128xf32, #tpu.memory_space<vmem_shared>>
      %dma_wait3A_175 = arith.constant 0 : i32
      %dma_wait3A_176 = tpu.memref_slice %arg9[%add3A_38, %dma_wait3A_175] : memref<10240x128xf32, #tpu.memory_space<vmem_shared>> -> memref<128x128xf32, #tpu.memory_space<vmem_shared>>
      tpu.wait_dma2 semaphore(%run_scoped3A : memref<!tpu.dma_semaphore, #tpu.memory_space<semaphore_mem>>) src(%arg15 : memref<128x128xf32, #tpu.memory_space<vmem>>) dst(%dma_wait3A_176 : memref<128x128xf32, #tpu.memory_space<vmem_shared>>)
      tpu.yield
    }) : () -> ()
    %mul3A_39 = arith.constant 640 : i32
    %mul3A_40 = arith.muli %arg1, %mul3A_39 : i32
    %add3A_41 = arith.constant 512 : i32
    %add3A_42 = arith.addi %mul3A_40, %add3A_41 : i32
    "tpu.region"() ({
      %run_scoped3A = tpu.sem_alloc : memref<!tpu.dma_semaphore, #tpu.memory_space<semaphore_mem>>
      %dma_start3A = arith.constant 0 : i32
      %dma_start3A_171 = tpu.memref_slice %arg10[%add3A_42, %dma_start3A] : memref<10240x16xf32, #tpu.memory_space<vmem_shared>> -> memref<128x16xf32, #tpu.memory_space<vmem_shared>>
      %dma_start3A_172 = arith.constant 0 : i32
      %dma_start3A_173 = tpu.memref_slice %arg10[%add3A_42, %dma_start3A_172] : memref<10240x16xf32, #tpu.memory_space<vmem_shared>> -> memref<128x16xf32, #tpu.memory_space<vmem_shared>>
      tpu.enqueue_dma source(%arg18 : memref<128x16xf32, #tpu.memory_space<vmem>>) target(%dma_start3A_173 : memref<128x16xf32, #tpu.memory_space<vmem_shared>>) target_semaphore(%run_scoped3A : memref<!tpu.dma_semaphore, #tpu.memory_space<semaphore_mem>>)
      %dma_wait3A = arith.constant 0 : i32
      %dma_wait3A_174 = tpu.memref_slice %arg10[%add3A_42, %dma_wait3A] : memref<10240x16xf32, #tpu.memory_space<vmem_shared>> -> memref<128x16xf32, #tpu.memory_space<vmem_shared>>
      %dma_wait3A_175 = arith.constant 0 : i32
      %dma_wait3A_176 = tpu.memref_slice %arg10[%add3A_42, %dma_wait3A_175] : memref<10240x16xf32, #tpu.memory_space<vmem_shared>> -> memref<128x16xf32, #tpu.memory_space<vmem_shared>>
      tpu.wait_dma2 semaphore(%run_scoped3A : memref<!tpu.dma_semaphore, #tpu.memory_space<semaphore_mem>>) src(%arg18 : memref<128x16xf32, #tpu.memory_space<vmem>>) dst(%dma_wait3A_176 : memref<128x16xf32, #tpu.memory_space<vmem_shared>>)
      tpu.yield
    }) : () -> ()
    %barrier3A = arith.constant 0 : index
    tpu.barrier barrier_id(%barrier3A)
    %eq3A = arith.constant 0 : i32
    %eq3A_43 = arith.cmpi eq, %arg0, %eq3A : i32
    %convert_element_type3A = arith.extui %eq3A_43 : i1 to i32
    %cond3A = arith.constant 0 : i32
    %cond3A_44 = arith.cmpi ne, %convert_element_type3A, %cond3A : i32
    scf.if %cond3A_44 {
      %mul3A_171 = arith.constant 9984 : i32
      %mul3A_172 = arith.muli %arg1, %mul3A_171 : i32
      %add3A_173 = arith.constant 0 : i32
      %add3A_174 = arith.addi %mul3A_172, %add3A_173 : i32
      %dma_start3A = tpu.memref_slice %arg4[%add3A_174] : memref<160000xi32, #tpu.memory_space<hbm>> -> memref<128xi32, #tpu.memory_space<hbm>>
      %dma_start3A_175 = tpu.memref_slice %arg4[%add3A_174] : memref<160000xi32, #tpu.memory_space<hbm>> -> memref<128xi32, #tpu.memory_space<hbm>>
      tpu.enqueue_dma source(%dma_start3A_175 : memref<128xi32, #tpu.memory_space<hbm>>) target(%arg13 : memref<128xi32, #tpu.memory_space<vmem>>) target_semaphore(%arg21 : memref<!tpu.dma_semaphore, #tpu.memory_space<semaphore_mem>>)
      %mul3A_176 = arith.constant 9984 : i32
      %mul3A_177 = arith.muli %arg1, %mul3A_176 : i32
      %add3A_178 = arith.constant 0 : i32
      %add3A_179 = arith.addi %mul3A_177, %add3A_178 : i32
      %dma_start3A_180 = tpu.memref_slice %arg3[%add3A_179] : memref<160000xi32, #tpu.memory_space<hbm>> -> memref<128xi32, #tpu.memory_space<hbm>>
      %dma_start3A_181 = tpu.memref_slice %arg3[%add3A_179] : memref<160000xi32, #tpu.memory_space<hbm>> -> memref<128xi32, #tpu.memory_space<hbm>>
      tpu.enqueue_dma source(%dma_start3A_181 : memref<128xi32, #tpu.memory_space<hbm>>) target(%arg11 : memref<128xi32, #tpu.memory_space<vmem>>) target_semaphore(%arg19 : memref<!tpu.dma_semaphore, #tpu.memory_space<semaphore_mem>>)
      %mul3A_182 = arith.constant 9984 : i32
      %mul3A_183 = arith.muli %arg1, %mul3A_182 : i32
      %add3A_184 = arith.constant 128 : i32
      %add3A_185 = arith.addi %mul3A_183, %add3A_184 : i32
      %dma_start3A_186 = tpu.memref_slice %arg4[%add3A_185] : memref<160000xi32, #tpu.memory_space<hbm>> -> memref<128xi32, #tpu.memory_space<hbm>>
      %dma_start3A_187 = tpu.memref_slice %arg4[%add3A_185] : memref<160000xi32, #tpu.memory_space<hbm>> -> memref<128xi32, #tpu.memory_space<hbm>>
      tpu.enqueue_dma source(%dma_start3A_187 : memref<128xi32, #tpu.memory_space<hbm>>) target(%arg14 : memref<128xi32, #tpu.memory_space<vmem>>) target_semaphore(%arg22 : memref<!tpu.dma_semaphore, #tpu.memory_space<semaphore_mem>>)
      %mul3A_188 = arith.constant 9984 : i32
      %mul3A_189 = arith.muli %arg1, %mul3A_188 : i32
      %add3A_190 = arith.constant 128 : i32
      %add3A_191 = arith.addi %mul3A_189, %add3A_190 : i32
      %dma_start3A_192 = tpu.memref_slice %arg3[%add3A_191] : memref<160000xi32, #tpu.memory_space<hbm>> -> memref<128xi32, #tpu.memory_space<hbm>>
      %dma_start3A_193 = tpu.memref_slice %arg3[%add3A_191] : memref<160000xi32, #tpu.memory_space<hbm>> -> memref<128xi32, #tpu.memory_space<hbm>>
      tpu.enqueue_dma source(%dma_start3A_193 : memref<128xi32, #tpu.memory_space<hbm>>) target(%arg12 : memref<128xi32, #tpu.memory_space<vmem>>) target_semaphore(%arg20 : memref<!tpu.dma_semaphore, #tpu.memory_space<semaphore_mem>>)
      %dma_wait3A = arith.constant 0 : i32
      %dma_wait3A_194 = tpu.memref_slice %arg4[%dma_wait3A] : memref<160000xi32, #tpu.memory_space<hbm>> -> memref<128xi32, #tpu.memory_space<hbm>>
      %dma_wait3A_195 = arith.constant 0 : i32
      %dma_wait3A_196 = tpu.memref_slice %arg4[%dma_wait3A_195] : memref<160000xi32, #tpu.memory_space<hbm>> -> memref<128xi32, #tpu.memory_space<hbm>>
      tpu.wait_dma2 semaphore(%arg21 : memref<!tpu.dma_semaphore, #tpu.memory_space<semaphore_mem>>) src(%dma_wait3A_196 : memref<128xi32, #tpu.memory_space<hbm>>) dst(%arg13 : memref<128xi32, #tpu.memory_space<vmem>>)
      %dma_wait3A_197 = arith.constant 0 : i32
      %dma_wait3A_198 = tpu.memref_slice %arg3[%dma_wait3A_197] : memref<160000xi32, #tpu.memory_space<hbm>> -> memref<128xi32, #tpu.memory_space<hbm>>
      %dma_wait3A_199 = arith.constant 0 : i32
      %dma_wait3A_200 = tpu.memref_slice %arg3[%dma_wait3A_199] : memref<160000xi32, #tpu.memory_space<hbm>> -> memref<128xi32, #tpu.memory_space<hbm>>
      tpu.wait_dma2 semaphore(%arg19 : memref<!tpu.dma_semaphore, #tpu.memory_space<semaphore_mem>>) src(%dma_wait3A_200 : memref<128xi32, #tpu.memory_space<hbm>>) dst(%arg11 : memref<128xi32, #tpu.memory_space<vmem>>)
      %dma_start3A_201 = arith.constant 0 : i32
      %dma_start3A_202 = arith.constant 0 : i32
      %dma_start3A_203 = tpu.memref_slice %arg2[%dma_start3A_201, %dma_start3A_202] : memref<10000x128xf32, #tpu.memory_space<hbm>> -> memref<10000x128xf32, #tpu.memory_space<hbm>>
      tpu.enqueue_indirect_dma source(%dma_start3A_203 : memref<10000x128xf32, #tpu.memory_space<hbm>>) target(%arg15 : memref<128x128xf32, #tpu.memory_space<vmem>>) offsets(%arg11 : memref<128xi32, #tpu.memory_space<vmem>>) semaphore(%arg23 : memref<!tpu.dma_semaphore, #tpu.memory_space<semaphore_mem>>)
      %dma_wait3A_204 = arith.constant 0 : i32
      %dma_wait3A_205 = tpu.memref_slice %arg4[%dma_wait3A_204] : memref<160000xi32, #tpu.memory_space<hbm>> -> memref<128xi32, #tpu.memory_space<hbm>>
      %dma_wait3A_206 = arith.constant 0 : i32
      %dma_wait3A_207 = tpu.memref_slice %arg4[%dma_wait3A_206] : memref<160000xi32, #tpu.memory_space<hbm>> -> memref<128xi32, #tpu.memory_space<hbm>>
      tpu.wait_dma2 semaphore(%arg22 : memref<!tpu.dma_semaphore, #tpu.memory_space<semaphore_mem>>) src(%dma_wait3A_207 : memref<128xi32, #tpu.memory_space<hbm>>) dst(%arg14 : memref<128xi32, #tpu.memory_space<vmem>>)
      %dma_wait3A_208 = arith.constant 0 : i32
      %dma_wait3A_209 = tpu.memref_slice %arg3[%dma_wait3A_208] : memref<160000xi32, #tpu.memory_space<hbm>> -> memref<128xi32, #tpu.memory_space<hbm>>
      %dma_wait3A_210 = arith.constant 0 : i32
      %dma_wait3A_211 = tpu.memref_slice %arg3[%dma_wait3A_210] : memref<160000xi32, #tpu.memory_space<hbm>> -> memref<128xi32, #tpu.memory_space<hbm>>
      tpu.wait_dma2 semaphore(%arg20 : memref<!tpu.dma_semaphore, #tpu.memory_space<semaphore_mem>>) src(%dma_wait3A_211 : memref<128xi32, #tpu.memory_space<hbm>>) dst(%arg12 : memref<128xi32, #tpu.memory_space<vmem>>)
      %dma_start3A_212 = arith.constant 0 : i32
      %dma_start3A_213 = arith.constant 0 : i32
      %dma_start3A_214 = tpu.memref_slice %arg2[%dma_start3A_212, %dma_start3A_213] : memref<10000x128xf32, #tpu.memory_space<hbm>> -> memref<10000x128xf32, #tpu.memory_space<hbm>>
      tpu.enqueue_indirect_dma source(%dma_start3A_214 : memref<10000x128xf32, #tpu.memory_space<hbm>>) target(%arg16 : memref<128x128xf32, #tpu.memory_space<vmem>>) offsets(%arg12 : memref<128xi32, #tpu.memory_space<vmem>>) semaphore(%arg24 : memref<!tpu.dma_semaphore, #tpu.memory_space<semaphore_mem>>)
      %scan3A_215 = arith.constant 0 : i32
      %scan3A_216 = arith.constant 38 : i32
      %scan3A_217 = arith.addi %scan3A_215, %scan3A_216 : i32
      %scan3A_218 = arith.constant 1 : i32
      scf.for %scan3A_255 = %scan3A_215 to %scan3A_217 step %scan3A_218  : i32 {
        %mul3A_256 = arith.constant 1 : i32
        %mul3A_257 = arith.muli %scan3A_255, %mul3A_256 : i32
        %add3A_258 = arith.constant 0 : i32
        %add3A_259 = arith.addi %add3A_258, %mul3A_257 : i32
        %dma_wait3A_260 = arith.constant 0 : i32
        %dma_wait3A_261 = arith.constant 0 : i32
        %dma_wait3A_262 = tpu.memref_slice %arg2[%dma_wait3A_260, %dma_wait3A_261] : memref<10000x128xf32, #tpu.memory_space<hbm>> -> memref<10000x128xf32, #tpu.memory_space<hbm>>
        tpu.wait_indirect_dma semaphore(%arg23 : memref<!tpu.dma_semaphore, #tpu.memory_space<semaphore_mem>>) src(%dma_wait3A_262 : memref<10000x128xf32, #tpu.memory_space<hbm>>) dst(%arg15 : memref<128x128xf32, #tpu.memory_space<vmem>>)
        %dma_start3A_263 = arith.constant 0 : i32
        %dma_start3A_264 = arith.constant 0 : i32
        %dma_start3A_265 = tpu.memref_slice %arg9[%dma_start3A_263, %dma_start3A_264] : memref<10240x128xf32, #tpu.memory_space<vmem_shared>> -> memref<10240x128xf32, #tpu.memory_space<vmem_shared>>
        tpu.enqueue_indirect_dma source(%arg15 : memref<128x128xf32, #tpu.memory_space<vmem>>) target(%dma_start3A_265 : memref<10240x128xf32, #tpu.memory_space<vmem_shared>>) offsets(%arg13 : memref<128xi32, #tpu.memory_space<vmem>>) semaphore(%arg25 : memref<!tpu.dma_semaphore, #tpu.memory_space<semaphore_mem>>) {add = true}
        %dma_start3A_266 = arith.constant 0 : i32
        %dma_start3A_267 = arith.constant 0 : i32
        %dma_start3A_268 = tpu.memref_slice %arg10[%dma_start3A_266, %dma_start3A_267] : memref<10240x16xf32, #tpu.memory_space<vmem_shared>> -> memref<10240x16xf32, #tpu.memory_space<vmem_shared>>
        tpu.enqueue_indirect_dma source(%arg17 : memref<128x16xf32, #tpu.memory_space<vmem>>) target(%dma_start3A_268 : memref<10240x16xf32, #tpu.memory_space<vmem_shared>>) offsets(%arg13 : memref<128xi32, #tpu.memory_space<vmem>>) semaphore(%arg27 : memref<!tpu.dma_semaphore, #tpu.memory_space<semaphore_mem>>) {add = true}
        %dma_wait3A_269 = arith.constant 0 : i32
        %dma_wait3A_270 = arith.constant 0 : i32
        %dma_wait3A_271 = tpu.memref_slice %arg2[%dma_wait3A_269, %dma_wait3A_270] : memref<10000x128xf32, #tpu.memory_space<hbm>> -> memref<10000x128xf32, #tpu.memory_space<hbm>>
        tpu.wait_indirect_dma semaphore(%arg24 : memref<!tpu.dma_semaphore, #tpu.memory_space<semaphore_mem>>) src(%dma_wait3A_271 : memref<10000x128xf32, #tpu.memory_space<hbm>>) dst(%arg16 : memref<128x128xf32, #tpu.memory_space<vmem>>)
        %dma_start3A_272 = arith.constant 0 : i32
        %dma_start3A_273 = arith.constant 0 : i32
        %dma_start3A_274 = tpu.memref_slice %arg9[%dma_start3A_272, %dma_start3A_273] : memref<10240x128xf32, #tpu.memory_space<vmem_shared>> -> memref<10240x128xf32, #tpu.memory_space<vmem_shared>>
        tpu.enqueue_indirect_dma source(%arg16 : memref<128x128xf32, #tpu.memory_space<vmem>>) target(%dma_start3A_274 : memref<10240x128xf32, #tpu.memory_space<vmem_shared>>) offsets(%arg14 : memref<128xi32, #tpu.memory_space<vmem>>) semaphore(%arg26 : memref<!tpu.dma_semaphore, #tpu.memory_space<semaphore_mem>>) {add = true}
        %dma_start3A_275 = arith.constant 0 : i32
        %dma_start3A_276 = arith.constant 0 : i32
        %dma_start3A_277 = tpu.memref_slice %arg10[%dma_start3A_275, %dma_start3A_276] : memref<10240x16xf32, #tpu.memory_space<vmem_shared>> -> memref<10240x16xf32, #tpu.memory_space<vmem_shared>>
        tpu.enqueue_indirect_dma source(%arg17 : memref<128x16xf32, #tpu.memory_space<vmem>>) target(%dma_start3A_277 : memref<10240x16xf32, #tpu.memory_space<vmem_shared>>) offsets(%arg14 : memref<128xi32, #tpu.memory_space<vmem>>) semaphore(%arg28 : memref<!tpu.dma_semaphore, #tpu.memory_space<semaphore_mem>>) {add = true}
        %dma_wait3A_278 = arith.constant 0 : i32
        %dma_wait3A_279 = arith.constant 0 : i32
        %dma_wait3A_280 = tpu.memref_slice %arg9[%dma_wait3A_278, %dma_wait3A_279] : memref<10240x128xf32, #tpu.memory_space<vmem_shared>> -> memref<10240x128xf32, #tpu.memory_space<vmem_shared>>
        tpu.wait_indirect_dma semaphore(%arg25 : memref<!tpu.dma_semaphore, #tpu.memory_space<semaphore_mem>>) src(%arg15 : memref<128x128xf32, #tpu.memory_space<vmem>>) dst(%dma_wait3A_280 : memref<10240x128xf32, #tpu.memory_space<vmem_shared>>)
        %dma_wait3A_281 = arith.constant 0 : i32
        %dma_wait3A_282 = arith.constant 0 : i32
        %dma_wait3A_283 = tpu.memref_slice %arg10[%dma_wait3A_281, %dma_wait3A_282] : memref<10240x16xf32, #tpu.memory_space<vmem_shared>> -> memref<10240x16xf32, #tpu.memory_space<vmem_shared>>
        tpu.wait_indirect_dma semaphore(%arg27 : memref<!tpu.dma_semaphore, #tpu.memory_space<semaphore_mem>>) src(%arg17 : memref<128x16xf32, #tpu.memory_space<vmem>>) dst(%dma_wait3A_283 : memref<10240x16xf32, #tpu.memory_space<vmem_shared>>)
        %mul3A_284 = arith.constant 2 : i32
        %mul3A_285 = arith.muli %mul3A_284, %add3A_259 : i32
        %add3A_286 = arith.constant 2 : i32
        %add3A_287 = arith.addi %mul3A_285, %add3A_286 : i32
        %mul3A_288 = arith.constant 9984 : i32
        %mul3A_289 = arith.muli %arg1, %mul3A_288 : i32
        %mul3A_290 = arith.constant 128 : i32
        %mul3A_291 = arith.muli %add3A_287, %mul3A_290 : i32
        %add3A_292 = arith.addi %mul3A_289, %mul3A_291 : i32
        %dma_start3A_293 = tpu.memref_slice %arg4[%add3A_292] : memref<160000xi32, #tpu.memory_space<hbm>> -> memref<128xi32, #tpu.memory_space<hbm>>
        %dma_start3A_294 = tpu.memref_slice %arg4[%add3A_292] : memref<160000xi32, #tpu.memory_space<hbm>> -> memref<128xi32, #tpu.memory_space<hbm>>
        tpu.enqueue_dma source(%dma_start3A_294 : memref<128xi32, #tpu.memory_space<hbm>>) target(%arg13 : memref<128xi32, #tpu.memory_space<vmem>>) target_semaphore(%arg21 : memref<!tpu.dma_semaphore, #tpu.memory_space<semaphore_mem>>)
        %mul3A_295 = arith.constant 9984 : i32
        %mul3A_296 = arith.muli %arg1, %mul3A_295 : i32
        %mul3A_297 = arith.constant 128 : i32
        %mul3A_298 = arith.muli %add3A_287, %mul3A_297 : i32
        %add3A_299 = arith.addi %mul3A_296, %mul3A_298 : i32
        %dma_start3A_300 = tpu.memref_slice %arg3[%add3A_299] : memref<160000xi32, #tpu.memory_space<hbm>> -> memref<128xi32, #tpu.memory_space<hbm>>
        %dma_start3A_301 = tpu.memref_slice %arg3[%add3A_299] : memref<160000xi32, #tpu.memory_space<hbm>> -> memref<128xi32, #tpu.memory_space<hbm>>
        tpu.enqueue_dma source(%dma_start3A_301 : memref<128xi32, #tpu.memory_space<hbm>>) target(%arg11 : memref<128xi32, #tpu.memory_space<vmem>>) target_semaphore(%arg19 : memref<!tpu.dma_semaphore, #tpu.memory_space<semaphore_mem>>)
        %dma_wait3A_302 = arith.constant 0 : i32
        %dma_wait3A_303 = arith.constant 0 : i32
        %dma_wait3A_304 = tpu.memref_slice %arg9[%dma_wait3A_302, %dma_wait3A_303] : memref<10240x128xf32, #tpu.memory_space<vmem_shared>> -> memref<10240x128xf32, #tpu.memory_space<vmem_shared>>
        tpu.wait_indirect_dma semaphore(%arg26 : memref<!tpu.dma_semaphore, #tpu.memory_space<semaphore_mem>>) src(%arg16 : memref<128x128xf32, #tpu.memory_space<vmem>>) dst(%dma_wait3A_304 : memref<10240x128xf32, #tpu.memory_space<vmem_shared>>)
        %dma_wait3A_305 = arith.constant 0 : i32
        %dma_wait3A_306 = arith.constant 0 : i32
        %dma_wait3A_307 = tpu.memref_slice %arg10[%dma_wait3A_305, %dma_wait3A_306] : memref<10240x16xf32, #tpu.memory_space<vmem_shared>> -> memref<10240x16xf32, #tpu.memory_space<vmem_shared>>
        tpu.wait_indirect_dma semaphore(%arg28 : memref<!tpu.dma_semaphore, #tpu.memory_space<semaphore_mem>>) src(%arg17 : memref<128x16xf32, #tpu.memory_space<vmem>>) dst(%dma_wait3A_307 : memref<10240x16xf32, #tpu.memory_space<vmem_shared>>)
        %mul3A_308 = arith.constant 2 : i32
        %mul3A_309 = arith.muli %mul3A_308, %add3A_259 : i32
        %add3A_310 = arith.constant 3 : i32
        %add3A_311 = arith.addi %mul3A_309, %add3A_310 : i32
        %mul3A_312 = arith.constant 9984 : i32
        %mul3A_313 = arith.muli %arg1, %mul3A_312 : i32
        %mul3A_314 = arith.constant 128 : i32
        %mul3A_315 = arith.muli %add3A_311, %mul3A_314 : i32
        %add3A_316 = arith.addi %mul3A_313, %mul3A_315 : i32
        %dma_start3A_317 = tpu.memref_slice %arg4[%add3A_316] : memref<160000xi32, #tpu.memory_space<hbm>> -> memref<128xi32, #tpu.memory_space<hbm>>
        %dma_start3A_318 = tpu.memref_slice %arg4[%add3A_316] : memref<160000xi32, #tpu.memory_space<hbm>> -> memref<128xi32, #tpu.memory_space<hbm>>
        tpu.enqueue_dma source(%dma_start3A_318 : memref<128xi32, #tpu.memory_space<hbm>>) target(%arg14 : memref<128xi32, #tpu.memory_space<vmem>>) target_semaphore(%arg22 : memref<!tpu.dma_semaphore, #tpu.memory_space<semaphore_mem>>)
        %mul3A_319 = arith.constant 9984 : i32
        %mul3A_320 = arith.muli %arg1, %mul3A_319 : i32
        %mul3A_321 = arith.constant 128 : i32
        %mul3A_322 = arith.muli %add3A_311, %mul3A_321 : i32
        %add3A_323 = arith.addi %mul3A_320, %mul3A_322 : i32
        %dma_start3A_324 = tpu.memref_slice %arg3[%add3A_323] : memref<160000xi32, #tpu.memory_space<hbm>> -> memref<128xi32, #tpu.memory_space<hbm>>
        %dma_start3A_325 = tpu.memref_slice %arg3[%add3A_323] : memref<160000xi32, #tpu.memory_space<hbm>> -> memref<128xi32, #tpu.memory_space<hbm>>
        tpu.enqueue_dma source(%dma_start3A_325 : memref<128xi32, #tpu.memory_space<hbm>>) target(%arg12 : memref<128xi32, #tpu.memory_space<vmem>>) target_semaphore(%arg20 : memref<!tpu.dma_semaphore, #tpu.memory_space<semaphore_mem>>)
        %dma_wait3A_326 = arith.constant 0 : i32
        %dma_wait3A_327 = tpu.memref_slice %arg4[%dma_wait3A_326] : memref<160000xi32, #tpu.memory_space<hbm>> -> memref<128xi32, #tpu.memory_space<hbm>>
        %dma_wait3A_328 = arith.constant 0 : i32
        %dma_wait3A_329 = tpu.memref_slice %arg4[%dma_wait3A_328] : memref<160000xi32, #tpu.memory_space<hbm>> -> memref<128xi32, #tpu.memory_space<hbm>>
        tpu.wait_dma2 semaphore(%arg21 : memref<!tpu.dma_semaphore, #tpu.memory_space<semaphore_mem>>) src(%dma_wait3A_329 : memref<128xi32, #tpu.memory_space<hbm>>) dst(%arg13 : memref<128xi32, #tpu.memory_space<vmem>>)
        %dma_wait3A_330 = arith.constant 0 : i32
        %dma_wait3A_331 = tpu.memref_slice %arg3[%dma_wait3A_330] : memref<160000xi32, #tpu.memory_space<hbm>> -> memref<128xi32, #tpu.memory_space<hbm>>
        %dma_wait3A_332 = arith.constant 0 : i32
        %dma_wait3A_333 = tpu.memref_slice %arg3[%dma_wait3A_332] : memref<160000xi32, #tpu.memory_space<hbm>> -> memref<128xi32, #tpu.memory_space<hbm>>
        tpu.wait_dma2 semaphore(%arg19 : memref<!tpu.dma_semaphore, #tpu.memory_space<semaphore_mem>>) src(%dma_wait3A_333 : memref<128xi32, #tpu.memory_space<hbm>>) dst(%arg11 : memref<128xi32, #tpu.memory_space<vmem>>)
        %dma_start3A_334 = arith.constant 0 : i32
        %dma_start3A_335 = arith.constant 0 : i32
        %dma_start3A_336 = tpu.memref_slice %arg2[%dma_start3A_334, %dma_start3A_335] : memref<10000x128xf32, #tpu.memory_space<hbm>> -> memref<10000x128xf32, #tpu.memory_space<hbm>>
        tpu.enqueue_indirect_dma source(%dma_start3A_336 : memref<10000x128xf32, #tpu.memory_space<hbm>>) target(%arg15 : memref<128x128xf32, #tpu.memory_space<vmem>>) offsets(%arg11 : memref<128xi32, #tpu.memory_space<vmem>>) semaphore(%arg23 : memref<!tpu.dma_semaphore, #tpu.memory_space<semaphore_mem>>)
        %dma_wait3A_337 = arith.constant 0 : i32
        %dma_wait3A_338 = tpu.memref_slice %arg4[%dma_wait3A_337] : memref<160000xi32, #tpu.memory_space<hbm>> -> memref<128xi32, #tpu.memory_space<hbm>>
        %dma_wait3A_339 = arith.constant 0 : i32
        %dma_wait3A_340 = tpu.memref_slice %arg4[%dma_wait3A_339] : memref<160000xi32, #tpu.memory_space<hbm>> -> memref<128xi32, #tpu.memory_space<hbm>>
        tpu.wait_dma2 semaphore(%arg22 : memref<!tpu.dma_semaphore, #tpu.memory_space<semaphore_mem>>) src(%dma_wait3A_340 : memref<128xi32, #tpu.memory_space<hbm>>) dst(%arg14 : memref<128xi32, #tpu.memory_space<vmem>>)
        %dma_wait3A_341 = arith.constant 0 : i32
        %dma_wait3A_342 = tpu.memref_slice %arg3[%dma_wait3A_341] : memref<160000xi32, #tpu.memory_space<hbm>> -> memref<128xi32, #tpu.memory_space<hbm>>
        %dma_wait3A_343 = arith.constant 0 : i32
        %dma_wait3A_344 = tpu.memref_slice %arg3[%dma_wait3A_343] : memref<160000xi32, #tpu.memory_space<hbm>> -> memref<128xi32, #tpu.memory_space<hbm>>
        tpu.wait_dma2 semaphore(%arg20 : memref<!tpu.dma_semaphore, #tpu.memory_space<semaphore_mem>>) src(%dma_wait3A_344 : memref<128xi32, #tpu.memory_space<hbm>>) dst(%arg12 : memref<128xi32, #tpu.memory_space<vmem>>)
        %dma_start3A_345 = arith.constant 0 : i32
        %dma_start3A_346 = arith.constant 0 : i32
        %dma_start3A_347 = tpu.memref_slice %arg2[%dma_start3A_345, %dma_start3A_346] : memref<10000x128xf32, #tpu.memory_space<hbm>> -> memref<10000x128xf32, #tpu.memory_space<hbm>>
        tpu.enqueue_indirect_dma source(%dma_start3A_347 : memref<10000x128xf32, #tpu.memory_space<hbm>>) target(%arg16 : memref<128x128xf32, #tpu.memory_space<vmem>>) offsets(%arg12 : memref<128xi32, #tpu.memory_space<vmem>>) semaphore(%arg24 : memref<!tpu.dma_semaphore, #tpu.memory_space<semaphore_mem>>)
      }
      %scan3A_219 = arith.constant 38 : i32
      %dma_wait3A_220 = arith.constant 0 : i32
      %dma_wait3A_221 = arith.constant 0 : i32
      %dma_wait3A_222 = tpu.memref_slice %arg2[%dma_wait3A_220, %dma_wait3A_221] : memref<10000x128xf32, #tpu.memory_space<hbm>> -> memref<10000x128xf32, #tpu.memory_space<hbm>>
      tpu.wait_indirect_dma semaphore(%arg23 : memref<!tpu.dma_semaphore, #tpu.memory_space<semaphore_mem>>) src(%dma_wait3A_222 : memref<10000x128xf32, #tpu.memory_space<hbm>>) dst(%arg15 : memref<128x128xf32, #tpu.memory_space<vmem>>)
      %dma_start3A_223 = arith.constant 0 : i32
      %dma_start3A_224 = arith.constant 0 : i32
      %dma_start3A_225 = tpu.memref_slice %arg9[%dma_start3A_223, %dma_start3A_224] : memref<10240x128xf32, #tpu.memory_space<vmem_shared>> -> memref<10240x128xf32, #tpu.memory_space<vmem_shared>>
      tpu.enqueue_indirect_dma source(%arg15 : memref<128x128xf32, #tpu.memory_space<vmem>>) target(%dma_start3A_225 : memref<10240x128xf32, #tpu.memory_space<vmem_shared>>) offsets(%arg13 : memref<128xi32, #tpu.memory_space<vmem>>) semaphore(%arg25 : memref<!tpu.dma_semaphore, #tpu.memory_space<semaphore_mem>>) {add = true}
      %dma_start3A_226 = arith.constant 0 : i32
      %dma_start3A_227 = arith.constant 0 : i32
      %dma_start3A_228 = tpu.memref_slice %arg10[%dma_start3A_226, %dma_start3A_227] : memref<10240x16xf32, #tpu.memory_space<vmem_shared>> -> memref<10240x16xf32, #tpu.memory_space<vmem_shared>>
      tpu.enqueue_indirect_dma source(%arg17 : memref<128x16xf32, #tpu.memory_space<vmem>>) target(%dma_start3A_228 : memref<10240x16xf32, #tpu.memory_space<vmem_shared>>) offsets(%arg13 : memref<128xi32, #tpu.memory_space<vmem>>) semaphore(%arg27 : memref<!tpu.dma_semaphore, #tpu.memory_space<semaphore_mem>>) {add = true}
      %dma_wait3A_229 = arith.constant 0 : i32
      %dma_wait3A_230 = arith.constant 0 : i32
      %dma_wait3A_231 = tpu.memref_slice %arg2[%dma_wait3A_229, %dma_wait3A_230] : memref<10000x128xf32, #tpu.memory_space<hbm>> -> memref<10000x128xf32, #tpu.memory_space<hbm>>
      tpu.wait_indirect_dma semaphore(%arg24 : memref<!tpu.dma_semaphore, #tpu.memory_space<semaphore_mem>>) src(%dma_wait3A_231 : memref<10000x128xf32, #tpu.memory_space<hbm>>) dst(%arg16 : memref<128x128xf32, #tpu.memory_space<vmem>>)
      %dma_start3A_232 = arith.constant 0 : i32
      %dma_start3A_233 = arith.constant 0 : i32
      %dma_start3A_234 = tpu.memref_slice %arg9[%dma_start3A_232, %dma_start3A_233] : memref<10240x128xf32, #tpu.memory_space<vmem_shared>> -> memref<10240x128xf32, #tpu.memory_space<vmem_shared>>
      tpu.enqueue_indirect_dma source(%arg16 : memref<128x128xf32, #tpu.memory_space<vmem>>) target(%dma_start3A_234 : memref<10240x128xf32, #tpu.memory_space<vmem_shared>>) offsets(%arg14 : memref<128xi32, #tpu.memory_space<vmem>>) semaphore(%arg26 : memref<!tpu.dma_semaphore, #tpu.memory_space<semaphore_mem>>) {add = true}
      %dma_start3A_235 = arith.constant 0 : i32
      %dma_start3A_236 = arith.constant 0 : i32
      %dma_start3A_237 = tpu.memref_slice %arg10[%dma_start3A_235, %dma_start3A_236] : memref<10240x16xf32, #tpu.memory_space<vmem_shared>> -> memref<10240x16xf32, #tpu.memory_space<vmem_shared>>
      tpu.enqueue_indirect_dma source(%arg17 : memref<128x16xf32, #tpu.memory_space<vmem>>) target(%dma_start3A_237 : memref<10240x16xf32, #tpu.memory_space<vmem_shared>>) offsets(%arg14 : memref<128xi32, #tpu.memory_space<vmem>>) semaphore(%arg28 : memref<!tpu.dma_semaphore, #tpu.memory_space<semaphore_mem>>) {add = true}
      %dma_wait3A_238 = arith.constant 0 : i32
      %dma_wait3A_239 = arith.constant 0 : i32
      %dma_wait3A_240 = tpu.memref_slice %arg9[%dma_wait3A_238, %dma_wait3A_239] : memref<10240x128xf32, #tpu.memory_space<vmem_shared>> -> memref<10240x128xf32, #tpu.memory_space<vmem_shared>>
      tpu.wait_indirect_dma semaphore(%arg25 : memref<!tpu.dma_semaphore, #tpu.memory_space<semaphore_mem>>) src(%arg15 : memref<128x128xf32, #tpu.memory_space<vmem>>) dst(%dma_wait3A_240 : memref<10240x128xf32, #tpu.memory_space<vmem_shared>>)
      %dma_wait3A_241 = arith.constant 0 : i32
      %dma_wait3A_242 = arith.constant 0 : i32
      %dma_wait3A_243 = tpu.memref_slice %arg10[%dma_wait3A_241, %dma_wait3A_242] : memref<10240x16xf32, #tpu.memory_space<vmem_shared>> -> memref<10240x16xf32, #tpu.memory_space<vmem_shared>>
      tpu.wait_indirect_dma semaphore(%arg27 : memref<!tpu.dma_semaphore, #tpu.memory_space<semaphore_mem>>) src(%arg17 : memref<128x16xf32, #tpu.memory_space<vmem>>) dst(%dma_wait3A_243 : memref<10240x16xf32, #tpu.memory_space<vmem_shared>>)
      %dma_wait3A_244 = arith.constant 0 : i32
      %dma_wait3A_245 = arith.constant 0 : i32
      %dma_wait3A_246 = tpu.memref_slice %arg9[%dma_wait3A_244, %dma_wait3A_245] : memref<10240x128xf32, #tpu.memory_space<vmem_shared>> -> memref<10240x128xf32, #tpu.memory_space<vmem_shared>>
      tpu.wait_indirect_dma semaphore(%arg26 : memref<!tpu.dma_semaphore, #tpu.memory_space<semaphore_mem>>) src(%arg16 : memref<128x128xf32, #tpu.memory_space<vmem>>) dst(%dma_wait3A_246 : memref<10240x128xf32, #tpu.memory_space<vmem_shared>>)
      %dma_wait3A_247 = arith.constant 0 : i32
      %dma_wait3A_248 = arith.constant 0 : i32
      %dma_wait3A_249 = tpu.memref_slice %arg10[%dma_wait3A_247, %dma_wait3A_248] : memref<10240x16xf32, #tpu.memory_space<vmem_shared>> -> memref<10240x16xf32, #tpu.memory_space<vmem_shared>>
      tpu.wait_indirect_dma semaphore(%arg28 : memref<!tpu.dma_semaphore, #tpu.memory_space<semaphore_mem>>) src(%arg17 : memref<128x16xf32, #tpu.memory_space<vmem>>) dst(%dma_wait3A_249 : memref<10240x16xf32, #tpu.memory_space<vmem_shared>>)
      %eq3A_250 = arith.constant 0 : i32
      %eq3A_251 = arith.cmpi eq, %arg1, %eq3A_250 : i32
      %convert_element_type3A_252 = arith.extui %eq3A_251 : i1 to i32
      %cond3A_253 = arith.constant 0 : i32
      %cond3A_254 = arith.cmpi ne, %convert_element_type3A_252, %cond3A_253 : i32
      scf.if %cond3A_254 {
        "tpu.region"() ({
          %run_scoped3A = tpu.sem_alloc : memref<!tpu.dma_semaphore, #tpu.memory_space<semaphore_mem>>
          %dma_start3A_267 = arith.constant 159744 : i32
          %dma_start3A_268 = tpu.memref_slice %arg4[%dma_start3A_267] : memref<160000xi32, #tpu.memory_space<hbm>> -> memref<128xi32, #tpu.memory_space<hbm>>
          %dma_start3A_269 = arith.constant 159744 : i32
          %dma_start3A_270 = tpu.memref_slice %arg4[%dma_start3A_269] : memref<160000xi32, #tpu.memory_space<hbm>> -> memref<128xi32, #tpu.memory_space<hbm>>
          tpu.enqueue_dma source(%dma_start3A_270 : memref<128xi32, #tpu.memory_space<hbm>>) target(%arg13 : memref<128xi32, #tpu.memory_space<vmem>>) target_semaphore(%run_scoped3A : memref<!tpu.dma_semaphore, #tpu.memory_space<semaphore_mem>>)
          %dma_wait3A_271 = arith.constant 159744 : i32
          %dma_wait3A_272 = tpu.memref_slice %arg4[%dma_wait3A_271] : memref<160000xi32, #tpu.memory_space<hbm>> -> memref<128xi32, #tpu.memory_space<hbm>>
          %dma_wait3A_273 = arith.constant 159744 : i32
          %dma_wait3A_274 = tpu.memref_slice %arg4[%dma_wait3A_273] : memref<160000xi32, #tpu.memory_space<hbm>> -> memref<128xi32, #tpu.memory_space<hbm>>
          tpu.wait_dma2 semaphore(%run_scoped3A : memref<!tpu.dma_semaphore, #tpu.memory_space<semaphore_mem>>) src(%dma_wait3A_274 : memref<128xi32, #tpu.memory_space<hbm>>) dst(%arg13 : memref<128xi32, #tpu.memory_space<vmem>>)
          tpu.yield
        }) : () -> ()
        "tpu.region"() ({
          %run_scoped3A = tpu.sem_alloc : memref<!tpu.dma_semaphore, #tpu.memory_space<semaphore_mem>>
          %dma_start3A_267 = arith.constant 159744 : i32
          %dma_start3A_268 = tpu.memref_slice %arg3[%dma_start3A_267] : memref<160000xi32, #tpu.memory_space<hbm>> -> memref<128xi32, #tpu.memory_space<hbm>>
          %dma_start3A_269 = arith.constant 159744 : i32
          %dma_start3A_270 = tpu.memref_slice %arg3[%dma_start3A_269] : memref<160000xi32, #tpu.memory_space<hbm>> -> memref<128xi32, #tpu.memory_space<hbm>>
          tpu.enqueue_dma source(%dma_start3A_270 : memref<128xi32, #tpu.memory_space<hbm>>) target(%arg11 : memref<128xi32, #tpu.memory_space<vmem>>) target_semaphore(%run_scoped3A : memref<!tpu.dma_semaphore, #tpu.memory_space<semaphore_mem>>)
          %dma_wait3A_271 = arith.constant 159744 : i32
          %dma_wait3A_272 = tpu.memref_slice %arg3[%dma_wait3A_271] : memref<160000xi32, #tpu.memory_space<hbm>> -> memref<128xi32, #tpu.memory_space<hbm>>
          %dma_wait3A_273 = arith.constant 159744 : i32
          %dma_wait3A_274 = tpu.memref_slice %arg3[%dma_wait3A_273] : memref<160000xi32, #tpu.memory_space<hbm>> -> memref<128xi32, #tpu.memory_space<hbm>>
          tpu.wait_dma2 semaphore(%run_scoped3A : memref<!tpu.dma_semaphore, #tpu.memory_space<semaphore_mem>>) src(%dma_wait3A_274 : memref<128xi32, #tpu.memory_space<hbm>>) dst(%arg11 : memref<128xi32, #tpu.memory_space<vmem>>)
          tpu.yield
        }) : () -> ()
        %dma_start3A_255 = arith.constant 0 : i32
        %dma_start3A_256 = arith.constant 0 : i32
        %dma_start3A_257 = tpu.memref_slice %arg2[%dma_start3A_255, %dma_start3A_256] : memref<10000x128xf32, #tpu.memory_space<hbm>> -> memref<10000x128xf32, #tpu.memory_space<hbm>>
        tpu.enqueue_indirect_dma source(%dma_start3A_257 : memref<10000x128xf32, #tpu.memory_space<hbm>>) target(%arg15 : memref<128x128xf32, #tpu.memory_space<vmem>>) offsets(%arg11 : memref<128xi32, #tpu.memory_space<vmem>>) semaphore(%arg23 : memref<!tpu.dma_semaphore, #tpu.memory_space<semaphore_mem>>)
        %dma_wait3A_258 = arith.constant 0 : i32
        %dma_wait3A_259 = arith.constant 0 : i32
        %dma_wait3A_260 = tpu.memref_slice %arg2[%dma_wait3A_258, %dma_wait3A_259] : memref<10000x128xf32, #tpu.memory_space<hbm>> -> memref<10000x128xf32, #tpu.memory_space<hbm>>
        tpu.wait_indirect_dma semaphore(%arg23 : memref<!tpu.dma_semaphore, #tpu.memory_space<semaphore_mem>>) src(%dma_wait3A_260 : memref<10000x128xf32, #tpu.memory_space<hbm>>) dst(%arg15 : memref<128x128xf32, #tpu.memory_space<vmem>>)
        "tpu.region"() ({
          %run_scoped3A = tpu.sem_alloc : memref<!tpu.dma_semaphore, #tpu.memory_space<semaphore_mem>>
          %dma_start3A_267 = arith.constant 0 : i32
          %dma_start3A_268 = arith.constant 0 : i32
          %dma_start3A_269 = tpu.memref_slice %arg9[%dma_start3A_267, %dma_start3A_268] : memref<10240x128xf32, #tpu.memory_space<vmem_shared>> -> memref<10240x128xf32, #tpu.memory_space<vmem_shared>>
          tpu.enqueue_indirect_dma source(%arg15 : memref<128x128xf32, #tpu.memory_space<vmem>>) target(%dma_start3A_269 : memref<10240x128xf32, #tpu.memory_space<vmem_shared>>) offsets(%arg13 : memref<128xi32, #tpu.memory_space<vmem>>) semaphore(%run_scoped3A : memref<!tpu.dma_semaphore, #tpu.memory_space<semaphore_mem>>) {add = true}
          %dma_wait3A_270 = arith.constant 0 : i32
          %dma_wait3A_271 = arith.constant 0 : i32
          %dma_wait3A_272 = tpu.memref_slice %arg9[%dma_wait3A_270, %dma_wait3A_271] : memref<10240x128xf32, #tpu.memory_space<vmem_shared>> -> memref<10240x128xf32, #tpu.memory_space<vmem_shared>>
          tpu.wait_indirect_dma semaphore(%run_scoped3A : memref<!tpu.dma_semaphore, #tpu.memory_space<semaphore_mem>>) src(%arg15 : memref<128x128xf32, #tpu.memory_space<vmem>>) dst(%dma_wait3A_272 : memref<10240x128xf32, #tpu.memory_space<vmem_shared>>)
          tpu.yield
        }) : () -> ()
        "tpu.region"() ({
          %run_scoped3A = tpu.sem_alloc : memref<!tpu.dma_semaphore, #tpu.memory_space<semaphore_mem>>
          %dma_start3A_267 = arith.constant 0 : i32
          %dma_start3A_268 = arith.constant 0 : i32
          %dma_start3A_269 = tpu.memref_slice %arg10[%dma_start3A_267, %dma_start3A_268] : memref<10240x16xf32, #tpu.memory_space<vmem_shared>> -> memref<10240x16xf32, #tpu.memory_space<vmem_shared>>
          tpu.enqueue_indirect_dma source(%arg17 : memref<128x16xf32, #tpu.memory_space<vmem>>) target(%dma_start3A_269 : memref<10240x16xf32, #tpu.memory_space<vmem_shared>>) offsets(%arg13 : memref<128xi32, #tpu.memory_space<vmem>>) semaphore(%run_scoped3A : memref<!tpu.dma_semaphore, #tpu.memory_space<semaphore_mem>>) {add = true}
          %dma_wait3A_270 = arith.constant 0 : i32
          %dma_wait3A_271 = arith.constant 0 : i32
          %dma_wait3A_272 = tpu.memref_slice %arg10[%dma_wait3A_270, %dma_wait3A_271] : memref<10240x16xf32, #tpu.memory_space<vmem_shared>> -> memref<10240x16xf32, #tpu.memory_space<vmem_shared>>
          tpu.wait_indirect_dma semaphore(%run_scoped3A : memref<!tpu.dma_semaphore, #tpu.memory_space<semaphore_mem>>) src(%arg17 : memref<128x16xf32, #tpu.memory_space<vmem>>) dst(%dma_wait3A_272 : memref<10240x16xf32, #tpu.memory_space<vmem_shared>>)
          tpu.yield
        }) : () -> ()
        "tpu.region"() ({
          %run_scoped3A = tpu.sem_alloc : memref<!tpu.dma_semaphore, #tpu.memory_space<semaphore_mem>>
          %dma_start3A_267 = arith.constant 159872 : i32
          %dma_start3A_268 = tpu.memref_slice %arg4[%dma_start3A_267] : memref<160000xi32, #tpu.memory_space<hbm>> -> memref<128xi32, #tpu.memory_space<hbm>>
          %dma_start3A_269 = arith.constant 159872 : i32
          %dma_start3A_270 = tpu.memref_slice %arg4[%dma_start3A_269] : memref<160000xi32, #tpu.memory_space<hbm>> -> memref<128xi32, #tpu.memory_space<hbm>>
          tpu.enqueue_dma source(%dma_start3A_270 : memref<128xi32, #tpu.memory_space<hbm>>) target(%arg13 : memref<128xi32, #tpu.memory_space<vmem>>) target_semaphore(%run_scoped3A : memref<!tpu.dma_semaphore, #tpu.memory_space<semaphore_mem>>)
          %dma_wait3A_271 = arith.constant 159872 : i32
          %dma_wait3A_272 = tpu.memref_slice %arg4[%dma_wait3A_271] : memref<160000xi32, #tpu.memory_space<hbm>> -> memref<128xi32, #tpu.memory_space<hbm>>
          %dma_wait3A_273 = arith.constant 159872 : i32
          %dma_wait3A_274 = tpu.memref_slice %arg4[%dma_wait3A_273] : memref<160000xi32, #tpu.memory_space<hbm>> -> memref<128xi32, #tpu.memory_space<hbm>>
          tpu.wait_dma2 semaphore(%run_scoped3A : memref<!tpu.dma_semaphore, #tpu.memory_space<semaphore_mem>>) src(%dma_wait3A_274 : memref<128xi32, #tpu.memory_space<hbm>>) dst(%arg13 : memref<128xi32, #tpu.memory_space<vmem>>)
          tpu.yield
        }) : () -> ()
        "tpu.region"() ({
          %run_scoped3A = tpu.sem_alloc : memref<!tpu.dma_semaphore, #tpu.memory_space<semaphore_mem>>
          %dma_start3A_267 = arith.constant 159872 : i32
          %dma_start3A_268 = tpu.memref_slice %arg3[%dma_start3A_267] : memref<160000xi32, #tpu.memory_space<hbm>> -> memref<128xi32, #tpu.memory_space<hbm>>
          %dma_start3A_269 = arith.constant 159872 : i32
          %dma_start3A_270 = tpu.memref_slice %arg3[%dma_start3A_269] : memref<160000xi32, #tpu.memory_space<hbm>> -> memref<128xi32, #tpu.memory_space<hbm>>
          tpu.enqueue_dma source(%dma_start3A_270 : memref<128xi32, #tpu.memory_space<hbm>>) target(%arg11 : memref<128xi32, #tpu.memory_space<vmem>>) target_semaphore(%run_scoped3A : memref<!tpu.dma_semaphore, #tpu.memory_space<semaphore_mem>>)
          %dma_wait3A_271 = arith.constant 159872 : i32
          %dma_wait3A_272 = tpu.memref_slice %arg3[%dma_wait3A_271] : memref<160000xi32, #tpu.memory_space<hbm>> -> memref<128xi32, #tpu.memory_space<hbm>>
          %dma_wait3A_273 = arith.constant 159872 : i32
          %dma_wait3A_274 = tpu.memref_slice %arg3[%dma_wait3A_273] : memref<160000xi32, #tpu.memory_space<hbm>> -> memref<128xi32, #tpu.memory_space<hbm>>
          tpu.wait_dma2 semaphore(%run_scoped3A : memref<!tpu.dma_semaphore, #tpu.memory_space<semaphore_mem>>) src(%dma_wait3A_274 : memref<128xi32, #tpu.memory_space<hbm>>) dst(%arg11 : memref<128xi32, #tpu.memory_space<vmem>>)
          tpu.yield
        }) : () -> ()
        %dma_start3A_261 = arith.constant 0 : i32
        %dma_start3A_262 = arith.constant 0 : i32
        %dma_start3A_263 = tpu.memref_slice %arg2[%dma_start3A_261, %dma_start3A_262] : memref<10000x128xf32, #tpu.memory_space<hbm>> -> memref<10000x128xf32, #tpu.memory_space<hbm>>
        tpu.enqueue_indirect_dma source(%dma_start3A_263 : memref<10000x128xf32, #tpu.memory_space<hbm>>) target(%arg15 : memref<128x128xf32, #tpu.memory_space<vmem>>) offsets(%arg11 : memref<128xi32, #tpu.memory_space<vmem>>) semaphore(%arg23 : memref<!tpu.dma_semaphore, #tpu.memory_space<semaphore_mem>>)
        %dma_wait3A_264 = arith.constant 0 : i32
        %dma_wait3A_265 = arith.constant 0 : i32
        %dma_wait3A_266 = tpu.memref_slice %arg2[%dma_wait3A_264, %dma_wait3A_265] : memref<10000x128xf32, #tpu.memory_space<hbm>> -> memref<10000x128xf32, #tpu.memory_space<hbm>>
        tpu.wait_indirect_dma semaphore(%arg23 : memref<!tpu.dma_semaphore, #tpu.memory_space<semaphore_mem>>) src(%dma_wait3A_266 : memref<10000x128xf32, #tpu.memory_space<hbm>>) dst(%arg15 : memref<128x128xf32, #tpu.memory_space<vmem>>)
        "tpu.region"() ({
          %run_scoped3A = tpu.sem_alloc : memref<!tpu.dma_semaphore, #tpu.memory_space<semaphore_mem>>
          %dma_start3A_267 = arith.constant 0 : i32
          %dma_start3A_268 = arith.constant 0 : i32
          %dma_start3A_269 = tpu.memref_slice %arg9[%dma_start3A_267, %dma_start3A_268] : memref<10240x128xf32, #tpu.memory_space<vmem_shared>> -> memref<10240x128xf32, #tpu.memory_space<vmem_shared>>
          tpu.enqueue_indirect_dma source(%arg15 : memref<128x128xf32, #tpu.memory_space<vmem>>) target(%dma_start3A_269 : memref<10240x128xf32, #tpu.memory_space<vmem_shared>>) offsets(%arg13 : memref<128xi32, #tpu.memory_space<vmem>>) semaphore(%run_scoped3A : memref<!tpu.dma_semaphore, #tpu.memory_space<semaphore_mem>>) {add = true}
          %dma_wait3A_270 = arith.constant 0 : i32
          %dma_wait3A_271 = arith.constant 0 : i32
          %dma_wait3A_272 = tpu.memref_slice %arg9[%dma_wait3A_270, %dma_wait3A_271] : memref<10240x128xf32, #tpu.memory_space<vmem_shared>> -> memref<10240x128xf32, #tpu.memory_space<vmem_shared>>
          tpu.wait_indirect_dma semaphore(%run_scoped3A : memref<!tpu.dma_semaphore, #tpu.memory_space<semaphore_mem>>) src(%arg15 : memref<128x128xf32, #tpu.memory_space<vmem>>) dst(%dma_wait3A_272 : memref<10240x128xf32, #tpu.memory_space<vmem_shared>>)
          tpu.yield
        }) : () -> ()
        "tpu.region"() ({
          %run_scoped3A = tpu.sem_alloc : memref<!tpu.dma_semaphore, #tpu.memory_space<semaphore_mem>>
          %dma_start3A_267 = arith.constant 0 : i32
          %dma_start3A_268 = arith.constant 0 : i32
          %dma_start3A_269 = tpu.memref_slice %arg10[%dma_start3A_267, %dma_start3A_268] : memref<10240x16xf32, #tpu.memory_space<vmem_shared>> -> memref<10240x16xf32, #tpu.memory_space<vmem_shared>>
          tpu.enqueue_indirect_dma source(%arg17 : memref<128x16xf32, #tpu.memory_space<vmem>>) target(%dma_start3A_269 : memref<10240x16xf32, #tpu.memory_space<vmem_shared>>) offsets(%arg13 : memref<128xi32, #tpu.memory_space<vmem>>) semaphore(%run_scoped3A : memref<!tpu.dma_semaphore, #tpu.memory_space<semaphore_mem>>) {add = true}
          %dma_wait3A_270 = arith.constant 0 : i32
          %dma_wait3A_271 = arith.constant 0 : i32
          %dma_wait3A_272 = tpu.memref_slice %arg10[%dma_wait3A_270, %dma_wait3A_271] : memref<10240x16xf32, #tpu.memory_space<vmem_shared>> -> memref<10240x16xf32, #tpu.memory_space<vmem_shared>>
          tpu.wait_indirect_dma semaphore(%run_scoped3A : memref<!tpu.dma_semaphore, #tpu.memory_space<semaphore_mem>>) src(%arg17 : memref<128x16xf32, #tpu.memory_space<vmem>>) dst(%dma_wait3A_272 : memref<10240x16xf32, #tpu.memory_space<vmem_shared>>)
          tpu.yield
        }) : () -> ()
      } else {
      }
    } else {
    }
    %eq3A_45 = arith.constant 1 : i32
    %eq3A_46 = arith.cmpi eq, %arg0, %eq3A_45 : i32
    %convert_element_type3A_47 = arith.extui %eq3A_46 : i1 to i32
    %cond3A_48 = arith.constant 0 : i32
    %cond3A_49 = arith.cmpi ne, %convert_element_type3A_47, %cond3A_48 : i32
    scf.if %cond3A_49 {
      %mul3A_171 = arith.constant 9984 : i32
      %mul3A_172 = arith.muli %arg1, %mul3A_171 : i32
      %add3A_173 = arith.constant 0 : i32
      %add3A_174 = arith.addi %mul3A_172, %add3A_173 : i32
      %dma_start3A = tpu.memref_slice %arg6[%add3A_174] : memref<160000xi32, #tpu.memory_space<hbm>> -> memref<128xi32, #tpu.memory_space<hbm>>
      %dma_start3A_175 = tpu.memref_slice %arg6[%add3A_174] : memref<160000xi32, #tpu.memory_space<hbm>> -> memref<128xi32, #tpu.memory_space<hbm>>
      tpu.enqueue_dma source(%dma_start3A_175 : memref<128xi32, #tpu.memory_space<hbm>>) target(%arg13 : memref<128xi32, #tpu.memory_space<vmem>>) target_semaphore(%arg21 : memref<!tpu.dma_semaphore, #tpu.memory_space<semaphore_mem>>)
      %mul3A_176 = arith.constant 9984 : i32
      %mul3A_177 = arith.muli %arg1, %mul3A_176 : i32
      %add3A_178 = arith.constant 0 : i32
      %add3A_179 = arith.addi %mul3A_177, %add3A_178 : i32
      %dma_start3A_180 = tpu.memref_slice %arg5[%add3A_179] : memref<160000xi32, #tpu.memory_space<hbm>> -> memref<128xi32, #tpu.memory_space<hbm>>
      %dma_start3A_181 = tpu.memref_slice %arg5[%add3A_179] : memref<160000xi32, #tpu.memory_space<hbm>> -> memref<128xi32, #tpu.memory_space<hbm>>
      tpu.enqueue_dma source(%dma_start3A_181 : memref<128xi32, #tpu.memory_space<hbm>>) target(%arg11 : memref<128xi32, #tpu.memory_space<vmem>>) target_semaphore(%arg19 : memref<!tpu.dma_semaphore, #tpu.memory_space<semaphore_mem>>)
      %mul3A_182 = arith.constant 9984 : i32
      %mul3A_183 = arith.muli %arg1, %mul3A_182 : i32
      %add3A_184 = arith.constant 128 : i32
      %add3A_185 = arith.addi %mul3A_183, %add3A_184 : i32
      %dma_start3A_186 = tpu.memref_slice %arg6[%add3A_185] : memref<160000xi32, #tpu.memory_space<hbm>> -> memref<128xi32, #tpu.memory_space<hbm>>
      %dma_start3A_187 = tpu.memref_slice %arg6[%add3A_185] : memref<160000xi32, #tpu.memory_space<hbm>> -> memref<128xi32, #tpu.memory_space<hbm>>
      tpu.enqueue_dma source(%dma_start3A_187 : memref<128xi32, #tpu.memory_space<hbm>>) target(%arg14 : memref<128xi32, #tpu.memory_space<vmem>>) target_semaphore(%arg22 : memref<!tpu.dma_semaphore, #tpu.memory_space<semaphore_mem>>)
      %mul3A_188 = arith.constant 9984 : i32
      %mul3A_189 = arith.muli %arg1, %mul3A_188 : i32
      %add3A_190 = arith.constant 128 : i32
      %add3A_191 = arith.addi %mul3A_189, %add3A_190 : i32
      %dma_start3A_192 = tpu.memref_slice %arg5[%add3A_191] : memref<160000xi32, #tpu.memory_space<hbm>> -> memref<128xi32, #tpu.memory_space<hbm>>
      %dma_start3A_193 = tpu.memref_slice %arg5[%add3A_191] : memref<160000xi32, #tpu.memory_space<hbm>> -> memref<128xi32, #tpu.memory_space<hbm>>
      tpu.enqueue_dma source(%dma_start3A_193 : memref<128xi32, #tpu.memory_space<hbm>>) target(%arg12 : memref<128xi32, #tpu.memory_space<vmem>>) target_semaphore(%arg20 : memref<!tpu.dma_semaphore, #tpu.memory_space<semaphore_mem>>)
      %dma_wait3A = arith.constant 0 : i32
      %dma_wait3A_194 = tpu.memref_slice %arg6[%dma_wait3A] : memref<160000xi32, #tpu.memory_space<hbm>> -> memref<128xi32, #tpu.memory_space<hbm>>
      %dma_wait3A_195 = arith.constant 0 : i32
      %dma_wait3A_196 = tpu.memref_slice %arg6[%dma_wait3A_195] : memref<160000xi32, #tpu.memory_space<hbm>> -> memref<128xi32, #tpu.memory_space<hbm>>
      tpu.wait_dma2 semaphore(%arg21 : memref<!tpu.dma_semaphore, #tpu.memory_space<semaphore_mem>>) src(%dma_wait3A_196 : memref<128xi32, #tpu.memory_space<hbm>>) dst(%arg13 : memref<128xi32, #tpu.memory_space<vmem>>)
      %dma_wait3A_197 = arith.constant 0 : i32
      %dma_wait3A_198 = tpu.memref_slice %arg5[%dma_wait3A_197] : memref<160000xi32, #tpu.memory_space<hbm>> -> memref<128xi32, #tpu.memory_space<hbm>>
      %dma_wait3A_199 = arith.constant 0 : i32
      %dma_wait3A_200 = tpu.memref_slice %arg5[%dma_wait3A_199] : memref<160000xi32, #tpu.memory_space<hbm>> -> memref<128xi32, #tpu.memory_space<hbm>>
      tpu.wait_dma2 semaphore(%arg19 : memref<!tpu.dma_semaphore, #tpu.memory_space<semaphore_mem>>) src(%dma_wait3A_200 : memref<128xi32, #tpu.memory_space<hbm>>) dst(%arg11 : memref<128xi32, #tpu.memory_space<vmem>>)
      %dma_start3A_201 = arith.constant 0 : i32
      %dma_start3A_202 = arith.constant 0 : i32
      %dma_start3A_203 = tpu.memref_slice %arg2[%dma_start3A_201, %dma_start3A_202] : memref<10000x128xf32, #tpu.memory_space<hbm>> -> memref<10000x128xf32, #tpu.memory_space<hbm>>
      tpu.enqueue_indirect_dma source(%dma_start3A_203 : memref<10000x128xf32, #tpu.memory_space<hbm>>) target(%arg15 : memref<128x128xf32, #tpu.memory_space<vmem>>) offsets(%arg11 : memref<128xi32, #tpu.memory_space<vmem>>) semaphore(%arg23 : memref<!tpu.dma_semaphore, #tpu.memory_space<semaphore_mem>>)
      %dma_wait3A_204 = arith.constant 0 : i32
      %dma_wait3A_205 = tpu.memref_slice %arg6[%dma_wait3A_204] : memref<160000xi32, #tpu.memory_space<hbm>> -> memref<128xi32, #tpu.memory_space<hbm>>
      %dma_wait3A_206 = arith.constant 0 : i32
      %dma_wait3A_207 = tpu.memref_slice %arg6[%dma_wait3A_206] : memref<160000xi32, #tpu.memory_space<hbm>> -> memref<128xi32, #tpu.memory_space<hbm>>
      tpu.wait_dma2 semaphore(%arg22 : memref<!tpu.dma_semaphore, #tpu.memory_space<semaphore_mem>>) src(%dma_wait3A_207 : memref<128xi32, #tpu.memory_space<hbm>>) dst(%arg14 : memref<128xi32, #tpu.memory_space<vmem>>)
      %dma_wait3A_208 = arith.constant 0 : i32
      %dma_wait3A_209 = tpu.memref_slice %arg5[%dma_wait3A_208] : memref<160000xi32, #tpu.memory_space<hbm>> -> memref<128xi32, #tpu.memory_space<hbm>>
      %dma_wait3A_210 = arith.constant 0 : i32
      %dma_wait3A_211 = tpu.memref_slice %arg5[%dma_wait3A_210] : memref<160000xi32, #tpu.memory_space<hbm>> -> memref<128xi32, #tpu.memory_space<hbm>>
      tpu.wait_dma2 semaphore(%arg20 : memref<!tpu.dma_semaphore, #tpu.memory_space<semaphore_mem>>) src(%dma_wait3A_211 : memref<128xi32, #tpu.memory_space<hbm>>) dst(%arg12 : memref<128xi32, #tpu.memory_space<vmem>>)
      %dma_start3A_212 = arith.constant 0 : i32
      %dma_start3A_213 = arith.constant 0 : i32
      %dma_start3A_214 = tpu.memref_slice %arg2[%dma_start3A_212, %dma_start3A_213] : memref<10000x128xf32, #tpu.memory_space<hbm>> -> memref<10000x128xf32, #tpu.memory_space<hbm>>
      tpu.enqueue_indirect_dma source(%dma_start3A_214 : memref<10000x128xf32, #tpu.memory_space<hbm>>) target(%arg16 : memref<128x128xf32, #tpu.memory_space<vmem>>) offsets(%arg12 : memref<128xi32, #tpu.memory_space<vmem>>) semaphore(%arg24 : memref<!tpu.dma_semaphore, #tpu.memory_space<semaphore_mem>>)
      %scan3A_215 = arith.constant 0 : i32
      %scan3A_216 = arith.constant 38 : i32
      %scan3A_217 = arith.addi %scan3A_215, %scan3A_216 : i32
      %scan3A_218 = arith.constant 1 : i32
      scf.for %scan3A_255 = %scan3A_215 to %scan3A_217 step %scan3A_218  : i32 {
        %mul3A_256 = arith.constant 1 : i32
        %mul3A_257 = arith.muli %scan3A_255, %mul3A_256 : i32
        %add3A_258 = arith.constant 0 : i32
        %add3A_259 = arith.addi %add3A_258, %mul3A_257 : i32
        %dma_wait3A_260 = arith.constant 0 : i32
        %dma_wait3A_261 = arith.constant 0 : i32
        %dma_wait3A_262 = tpu.memref_slice %arg2[%dma_wait3A_260, %dma_wait3A_261] : memref<10000x128xf32, #tpu.memory_space<hbm>> -> memref<10000x128xf32, #tpu.memory_space<hbm>>
        tpu.wait_indirect_dma semaphore(%arg23 : memref<!tpu.dma_semaphore, #tpu.memory_space<semaphore_mem>>) src(%dma_wait3A_262 : memref<10000x128xf32, #tpu.memory_space<hbm>>) dst(%arg15 : memref<128x128xf32, #tpu.memory_space<vmem>>)
        %dma_start3A_263 = arith.constant 0 : i32
        %dma_start3A_264 = arith.constant 0 : i32
        %dma_start3A_265 = tpu.memref_slice %arg9[%dma_start3A_263, %dma_start3A_264] : memref<10240x128xf32, #tpu.memory_space<vmem_shared>> -> memref<10240x128xf32, #tpu.memory_space<vmem_shared>>
        tpu.enqueue_indirect_dma source(%arg15 : memref<128x128xf32, #tpu.memory_space<vmem>>) target(%dma_start3A_265 : memref<10240x128xf32, #tpu.memory_space<vmem_shared>>) offsets(%arg13 : memref<128xi32, #tpu.memory_space<vmem>>) semaphore(%arg25 : memref<!tpu.dma_semaphore, #tpu.memory_space<semaphore_mem>>) {add = true}
        %dma_start3A_266 = arith.constant 0 : i32
        %dma_start3A_267 = arith.constant 0 : i32
        %dma_start3A_268 = tpu.memref_slice %arg10[%dma_start3A_266, %dma_start3A_267] : memref<10240x16xf32, #tpu.memory_space<vmem_shared>> -> memref<10240x16xf32, #tpu.memory_space<vmem_shared>>
        tpu.enqueue_indirect_dma source(%arg17 : memref<128x16xf32, #tpu.memory_space<vmem>>) target(%dma_start3A_268 : memref<10240x16xf32, #tpu.memory_space<vmem_shared>>) offsets(%arg13 : memref<128xi32, #tpu.memory_space<vmem>>) semaphore(%arg27 : memref<!tpu.dma_semaphore, #tpu.memory_space<semaphore_mem>>) {add = true}
        %dma_wait3A_269 = arith.constant 0 : i32
        %dma_wait3A_270 = arith.constant 0 : i32
        %dma_wait3A_271 = tpu.memref_slice %arg2[%dma_wait3A_269, %dma_wait3A_270] : memref<10000x128xf32, #tpu.memory_space<hbm>> -> memref<10000x128xf32, #tpu.memory_space<hbm>>
        tpu.wait_indirect_dma semaphore(%arg24 : memref<!tpu.dma_semaphore, #tpu.memory_space<semaphore_mem>>) src(%dma_wait3A_271 : memref<10000x128xf32, #tpu.memory_space<hbm>>) dst(%arg16 : memref<128x128xf32, #tpu.memory_space<vmem>>)
        %dma_start3A_272 = arith.constant 0 : i32
        %dma_start3A_273 = arith.constant 0 : i32
        %dma_start3A_274 = tpu.memref_slice %arg9[%dma_start3A_272, %dma_start3A_273] : memref<10240x128xf32, #tpu.memory_space<vmem_shared>> -> memref<10240x128xf32, #tpu.memory_space<vmem_shared>>
        tpu.enqueue_indirect_dma source(%arg16 : memref<128x128xf32, #tpu.memory_space<vmem>>) target(%dma_start3A_274 : memref<10240x128xf32, #tpu.memory_space<vmem_shared>>) offsets(%arg14 : memref<128xi32, #tpu.memory_space<vmem>>) semaphore(%arg26 : memref<!tpu.dma_semaphore, #tpu.memory_space<semaphore_mem>>) {add = true}
        %dma_start3A_275 = arith.constant 0 : i32
        %dma_start3A_276 = arith.constant 0 : i32
        %dma_start3A_277 = tpu.memref_slice %arg10[%dma_start3A_275, %dma_start3A_276] : memref<10240x16xf32, #tpu.memory_space<vmem_shared>> -> memref<10240x16xf32, #tpu.memory_space<vmem_shared>>
        tpu.enqueue_indirect_dma source(%arg17 : memref<128x16xf32, #tpu.memory_space<vmem>>) target(%dma_start3A_277 : memref<10240x16xf32, #tpu.memory_space<vmem_shared>>) offsets(%arg14 : memref<128xi32, #tpu.memory_space<vmem>>) semaphore(%arg28 : memref<!tpu.dma_semaphore, #tpu.memory_space<semaphore_mem>>) {add = true}
        %dma_wait3A_278 = arith.constant 0 : i32
        %dma_wait3A_279 = arith.constant 0 : i32
        %dma_wait3A_280 = tpu.memref_slice %arg9[%dma_wait3A_278, %dma_wait3A_279] : memref<10240x128xf32, #tpu.memory_space<vmem_shared>> -> memref<10240x128xf32, #tpu.memory_space<vmem_shared>>
        tpu.wait_indirect_dma semaphore(%arg25 : memref<!tpu.dma_semaphore, #tpu.memory_space<semaphore_mem>>) src(%arg15 : memref<128x128xf32, #tpu.memory_space<vmem>>) dst(%dma_wait3A_280 : memref<10240x128xf32, #tpu.memory_space<vmem_shared>>)
        %dma_wait3A_281 = arith.constant 0 : i32
        %dma_wait3A_282 = arith.constant 0 : i32
        %dma_wait3A_283 = tpu.memref_slice %arg10[%dma_wait3A_281, %dma_wait3A_282] : memref<10240x16xf32, #tpu.memory_space<vmem_shared>> -> memref<10240x16xf32, #tpu.memory_space<vmem_shared>>
        tpu.wait_indirect_dma semaphore(%arg27 : memref<!tpu.dma_semaphore, #tpu.memory_space<semaphore_mem>>) src(%arg17 : memref<128x16xf32, #tpu.memory_space<vmem>>) dst(%dma_wait3A_283 : memref<10240x16xf32, #tpu.memory_space<vmem_shared>>)
        %mul3A_284 = arith.constant 2 : i32
        %mul3A_285 = arith.muli %mul3A_284, %add3A_259 : i32
        %add3A_286 = arith.constant 2 : i32
        %add3A_287 = arith.addi %mul3A_285, %add3A_286 : i32
        %mul3A_288 = arith.constant 9984 : i32
        %mul3A_289 = arith.muli %arg1, %mul3A_288 : i32
        %mul3A_290 = arith.constant 128 : i32
        %mul3A_291 = arith.muli %add3A_287, %mul3A_290 : i32
        %add3A_292 = arith.addi %mul3A_289, %mul3A_291 : i32
        %dma_start3A_293 = tpu.memref_slice %arg6[%add3A_292] : memref<160000xi32, #tpu.memory_space<hbm>> -> memref<128xi32, #tpu.memory_space<hbm>>
        %dma_start3A_294 = tpu.memref_slice %arg6[%add3A_292] : memref<160000xi32, #tpu.memory_space<hbm>> -> memref<128xi32, #tpu.memory_space<hbm>>
        tpu.enqueue_dma source(%dma_start3A_294 : memref<128xi32, #tpu.memory_space<hbm>>) target(%arg13 : memref<128xi32, #tpu.memory_space<vmem>>) target_semaphore(%arg21 : memref<!tpu.dma_semaphore, #tpu.memory_space<semaphore_mem>>)
        %mul3A_295 = arith.constant 9984 : i32
        %mul3A_296 = arith.muli %arg1, %mul3A_295 : i32
        %mul3A_297 = arith.constant 128 : i32
        %mul3A_298 = arith.muli %add3A_287, %mul3A_297 : i32
        %add3A_299 = arith.addi %mul3A_296, %mul3A_298 : i32
        %dma_start3A_300 = tpu.memref_slice %arg5[%add3A_299] : memref<160000xi32, #tpu.memory_space<hbm>> -> memref<128xi32, #tpu.memory_space<hbm>>
        %dma_start3A_301 = tpu.memref_slice %arg5[%add3A_299] : memref<160000xi32, #tpu.memory_space<hbm>> -> memref<128xi32, #tpu.memory_space<hbm>>
        tpu.enqueue_dma source(%dma_start3A_301 : memref<128xi32, #tpu.memory_space<hbm>>) target(%arg11 : memref<128xi32, #tpu.memory_space<vmem>>) target_semaphore(%arg19 : memref<!tpu.dma_semaphore, #tpu.memory_space<semaphore_mem>>)
        %dma_wait3A_302 = arith.constant 0 : i32
        %dma_wait3A_303 = arith.constant 0 : i32
        %dma_wait3A_304 = tpu.memref_slice %arg9[%dma_wait3A_302, %dma_wait3A_303] : memref<10240x128xf32, #tpu.memory_space<vmem_shared>> -> memref<10240x128xf32, #tpu.memory_space<vmem_shared>>
        tpu.wait_indirect_dma semaphore(%arg26 : memref<!tpu.dma_semaphore, #tpu.memory_space<semaphore_mem>>) src(%arg16 : memref<128x128xf32, #tpu.memory_space<vmem>>) dst(%dma_wait3A_304 : memref<10240x128xf32, #tpu.memory_space<vmem_shared>>)
        %dma_wait3A_305 = arith.constant 0 : i32
        %dma_wait3A_306 = arith.constant 0 : i32
        %dma_wait3A_307 = tpu.memref_slice %arg10[%dma_wait3A_305, %dma_wait3A_306] : memref<10240x16xf32, #tpu.memory_space<vmem_shared>> -> memref<10240x16xf32, #tpu.memory_space<vmem_shared>>
        tpu.wait_indirect_dma semaphore(%arg28 : memref<!tpu.dma_semaphore, #tpu.memory_space<semaphore_mem>>) src(%arg17 : memref<128x16xf32, #tpu.memory_space<vmem>>) dst(%dma_wait3A_307 : memref<10240x16xf32, #tpu.memory_space<vmem_shared>>)
        %mul3A_308 = arith.constant 2 : i32
        %mul3A_309 = arith.muli %mul3A_308, %add3A_259 : i32
        %add3A_310 = arith.constant 3 : i32
        %add3A_311 = arith.addi %mul3A_309, %add3A_310 : i32
        %mul3A_312 = arith.constant 9984 : i32
        %mul3A_313 = arith.muli %arg1, %mul3A_312 : i32
        %mul3A_314 = arith.constant 128 : i32
        %mul3A_315 = arith.muli %add3A_311, %mul3A_314 : i32
        %add3A_316 = arith.addi %mul3A_313, %mul3A_315 : i32
        %dma_start3A_317 = tpu.memref_slice %arg6[%add3A_316] : memref<160000xi32, #tpu.memory_space<hbm>> -> memref<128xi32, #tpu.memory_space<hbm>>
        %dma_start3A_318 = tpu.memref_slice %arg6[%add3A_316] : memref<160000xi32, #tpu.memory_space<hbm>> -> memref<128xi32, #tpu.memory_space<hbm>>
        tpu.enqueue_dma source(%dma_start3A_318 : memref<128xi32, #tpu.memory_space<hbm>>) target(%arg14 : memref<128xi32, #tpu.memory_space<vmem>>) target_semaphore(%arg22 : memref<!tpu.dma_semaphore, #tpu.memory_space<semaphore_mem>>)
        %mul3A_319 = arith.constant 9984 : i32
        %mul3A_320 = arith.muli %arg1, %mul3A_319 : i32
        %mul3A_321 = arith.constant 128 : i32
        %mul3A_322 = arith.muli %add3A_311, %mul3A_321 : i32
        %add3A_323 = arith.addi %mul3A_320, %mul3A_322 : i32
        %dma_start3A_324 = tpu.memref_slice %arg5[%add3A_323] : memref<160000xi32, #tpu.memory_space<hbm>> -> memref<128xi32, #tpu.memory_space<hbm>>
        %dma_start3A_325 = tpu.memref_slice %arg5[%add3A_323] : memref<160000xi32, #tpu.memory_space<hbm>> -> memref<128xi32, #tpu.memory_space<hbm>>
        tpu.enqueue_dma source(%dma_start3A_325 : memref<128xi32, #tpu.memory_space<hbm>>) target(%arg12 : memref<128xi32, #tpu.memory_space<vmem>>) target_semaphore(%arg20 : memref<!tpu.dma_semaphore, #tpu.memory_space<semaphore_mem>>)
        %dma_wait3A_326 = arith.constant 0 : i32
        %dma_wait3A_327 = tpu.memref_slice %arg6[%dma_wait3A_326] : memref<160000xi32, #tpu.memory_space<hbm>> -> memref<128xi32, #tpu.memory_space<hbm>>
        %dma_wait3A_328 = arith.constant 0 : i32
        %dma_wait3A_329 = tpu.memref_slice %arg6[%dma_wait3A_328] : memref<160000xi32, #tpu.memory_space<hbm>> -> memref<128xi32, #tpu.memory_space<hbm>>
        tpu.wait_dma2 semaphore(%arg21 : memref<!tpu.dma_semaphore, #tpu.memory_space<semaphore_mem>>) src(%dma_wait3A_329 : memref<128xi32, #tpu.memory_space<hbm>>) dst(%arg13 : memref<128xi32, #tpu.memory_space<vmem>>)
        %dma_wait3A_330 = arith.constant 0 : i32
        %dma_wait3A_331 = tpu.memref_slice %arg5[%dma_wait3A_330] : memref<160000xi32, #tpu.memory_space<hbm>> -> memref<128xi32, #tpu.memory_space<hbm>>
        %dma_wait3A_332 = arith.constant 0 : i32
        %dma_wait3A_333 = tpu.memref_slice %arg5[%dma_wait3A_332] : memref<160000xi32, #tpu.memory_space<hbm>> -> memref<128xi32, #tpu.memory_space<hbm>>
        tpu.wait_dma2 semaphore(%arg19 : memref<!tpu.dma_semaphore, #tpu.memory_space<semaphore_mem>>) src(%dma_wait3A_333 : memref<128xi32, #tpu.memory_space<hbm>>) dst(%arg11 : memref<128xi32, #tpu.memory_space<vmem>>)
        %dma_start3A_334 = arith.constant 0 : i32
        %dma_start3A_335 = arith.constant 0 : i32
        %dma_start3A_336 = tpu.memref_slice %arg2[%dma_start3A_334, %dma_start3A_335] : memref<10000x128xf32, #tpu.memory_space<hbm>> -> memref<10000x128xf32, #tpu.memory_space<hbm>>
        tpu.enqueue_indirect_dma source(%dma_start3A_336 : memref<10000x128xf32, #tpu.memory_space<hbm>>) target(%arg15 : memref<128x128xf32, #tpu.memory_space<vmem>>) offsets(%arg11 : memref<128xi32, #tpu.memory_space<vmem>>) semaphore(%arg23 : memref<!tpu.dma_semaphore, #tpu.memory_space<semaphore_mem>>)
        %dma_wait3A_337 = arith.constant 0 : i32
        %dma_wait3A_338 = tpu.memref_slice %arg6[%dma_wait3A_337] : memref<160000xi32, #tpu.memory_space<hbm>> -> memref<128xi32, #tpu.memory_space<hbm>>
        %dma_wait3A_339 = arith.constant 0 : i32
        %dma_wait3A_340 = tpu.memref_slice %arg6[%dma_wait3A_339] : memref<160000xi32, #tpu.memory_space<hbm>> -> memref<128xi32, #tpu.memory_space<hbm>>
        tpu.wait_dma2 semaphore(%arg22 : memref<!tpu.dma_semaphore, #tpu.memory_space<semaphore_mem>>) src(%dma_wait3A_340 : memref<128xi32, #tpu.memory_space<hbm>>) dst(%arg14 : memref<128xi32, #tpu.memory_space<vmem>>)
        %dma_wait3A_341 = arith.constant 0 : i32
        %dma_wait3A_342 = tpu.memref_slice %arg5[%dma_wait3A_341] : memref<160000xi32, #tpu.memory_space<hbm>> -> memref<128xi32, #tpu.memory_space<hbm>>
        %dma_wait3A_343 = arith.constant 0 : i32
        %dma_wait3A_344 = tpu.memref_slice %arg5[%dma_wait3A_343] : memref<160000xi32, #tpu.memory_space<hbm>> -> memref<128xi32, #tpu.memory_space<hbm>>
        tpu.wait_dma2 semaphore(%arg20 : memref<!tpu.dma_semaphore, #tpu.memory_space<semaphore_mem>>) src(%dma_wait3A_344 : memref<128xi32, #tpu.memory_space<hbm>>) dst(%arg12 : memref<128xi32, #tpu.memory_space<vmem>>)
        %dma_start3A_345 = arith.constant 0 : i32
        %dma_start3A_346 = arith.constant 0 : i32
        %dma_start3A_347 = tpu.memref_slice %arg2[%dma_start3A_345, %dma_start3A_346] : memref<10000x128xf32, #tpu.memory_space<hbm>> -> memref<10000x128xf32, #tpu.memory_space<hbm>>
        tpu.enqueue_indirect_dma source(%dma_start3A_347 : memref<10000x128xf32, #tpu.memory_space<hbm>>) target(%arg16 : memref<128x128xf32, #tpu.memory_space<vmem>>) offsets(%arg12 : memref<128xi32, #tpu.memory_space<vmem>>) semaphore(%arg24 : memref<!tpu.dma_semaphore, #tpu.memory_space<semaphore_mem>>)
      }
      %scan3A_219 = arith.constant 38 : i32
      %dma_wait3A_220 = arith.constant 0 : i32
      %dma_wait3A_221 = arith.constant 0 : i32
      %dma_wait3A_222 = tpu.memref_slice %arg2[%dma_wait3A_220, %dma_wait3A_221] : memref<10000x128xf32, #tpu.memory_space<hbm>> -> memref<10000x128xf32, #tpu.memory_space<hbm>>
      tpu.wait_indirect_dma semaphore(%arg23 : memref<!tpu.dma_semaphore, #tpu.memory_space<semaphore_mem>>) src(%dma_wait3A_222 : memref<10000x128xf32, #tpu.memory_space<hbm>>) dst(%arg15 : memref<128x128xf32, #tpu.memory_space<vmem>>)
      %dma_start3A_223 = arith.constant 0 : i32
      %dma_start3A_224 = arith.constant 0 : i32
      %dma_start3A_225 = tpu.memref_slice %arg9[%dma_start3A_223, %dma_start3A_224] : memref<10240x128xf32, #tpu.memory_space<vmem_shared>> -> memref<10240x128xf32, #tpu.memory_space<vmem_shared>>
      tpu.enqueue_indirect_dma source(%arg15 : memref<128x128xf32, #tpu.memory_space<vmem>>) target(%dma_start3A_225 : memref<10240x128xf32, #tpu.memory_space<vmem_shared>>) offsets(%arg13 : memref<128xi32, #tpu.memory_space<vmem>>) semaphore(%arg25 : memref<!tpu.dma_semaphore, #tpu.memory_space<semaphore_mem>>) {add = true}
      %dma_start3A_226 = arith.constant 0 : i32
      %dma_start3A_227 = arith.constant 0 : i32
      %dma_start3A_228 = tpu.memref_slice %arg10[%dma_start3A_226, %dma_start3A_227] : memref<10240x16xf32, #tpu.memory_space<vmem_shared>> -> memref<10240x16xf32, #tpu.memory_space<vmem_shared>>
      tpu.enqueue_indirect_dma source(%arg17 : memref<128x16xf32, #tpu.memory_space<vmem>>) target(%dma_start3A_228 : memref<10240x16xf32, #tpu.memory_space<vmem_shared>>) offsets(%arg13 : memref<128xi32, #tpu.memory_space<vmem>>) semaphore(%arg27 : memref<!tpu.dma_semaphore, #tpu.memory_space<semaphore_mem>>) {add = true}
      %dma_wait3A_229 = arith.constant 0 : i32
      %dma_wait3A_230 = arith.constant 0 : i32
      %dma_wait3A_231 = tpu.memref_slice %arg2[%dma_wait3A_229, %dma_wait3A_230] : memref<10000x128xf32, #tpu.memory_space<hbm>> -> memref<10000x128xf32, #tpu.memory_space<hbm>>
      tpu.wait_indirect_dma semaphore(%arg24 : memref<!tpu.dma_semaphore, #tpu.memory_space<semaphore_mem>>) src(%dma_wait3A_231 : memref<10000x128xf32, #tpu.memory_space<hbm>>) dst(%arg16 : memref<128x128xf32, #tpu.memory_space<vmem>>)
      %dma_start3A_232 = arith.constant 0 : i32
      %dma_start3A_233 = arith.constant 0 : i32
      %dma_start3A_234 = tpu.memref_slice %arg9[%dma_start3A_232, %dma_start3A_233] : memref<10240x128xf32, #tpu.memory_space<vmem_shared>> -> memref<10240x128xf32, #tpu.memory_space<vmem_shared>>
      tpu.enqueue_indirect_dma source(%arg16 : memref<128x128xf32, #tpu.memory_space<vmem>>) target(%dma_start3A_234 : memref<10240x128xf32, #tpu.memory_space<vmem_shared>>) offsets(%arg14 : memref<128xi32, #tpu.memory_space<vmem>>) semaphore(%arg26 : memref<!tpu.dma_semaphore, #tpu.memory_space<semaphore_mem>>) {add = true}
      %dma_start3A_235 = arith.constant 0 : i32
      %dma_start3A_236 = arith.constant 0 : i32
      %dma_start3A_237 = tpu.memref_slice %arg10[%dma_start3A_235, %dma_start3A_236] : memref<10240x16xf32, #tpu.memory_space<vmem_shared>> -> memref<10240x16xf32, #tpu.memory_space<vmem_shared>>
      tpu.enqueue_indirect_dma source(%arg17 : memref<128x16xf32, #tpu.memory_space<vmem>>) target(%dma_start3A_237 : memref<10240x16xf32, #tpu.memory_space<vmem_shared>>) offsets(%arg14 : memref<128xi32, #tpu.memory_space<vmem>>) semaphore(%arg28 : memref<!tpu.dma_semaphore, #tpu.memory_space<semaphore_mem>>) {add = true}
      %dma_wait3A_238 = arith.constant 0 : i32
      %dma_wait3A_239 = arith.constant 0 : i32
      %dma_wait3A_240 = tpu.memref_slice %arg9[%dma_wait3A_238, %dma_wait3A_239] : memref<10240x128xf32, #tpu.memory_space<vmem_shared>> -> memref<10240x128xf32, #tpu.memory_space<vmem_shared>>
      tpu.wait_indirect_dma semaphore(%arg25 : memref<!tpu.dma_semaphore, #tpu.memory_space<semaphore_mem>>) src(%arg15 : memref<128x128xf32, #tpu.memory_space<vmem>>) dst(%dma_wait3A_240 : memref<10240x128xf32, #tpu.memory_space<vmem_shared>>)
      %dma_wait3A_241 = arith.constant 0 : i32
      %dma_wait3A_242 = arith.constant 0 : i32
      %dma_wait3A_243 = tpu.memref_slice %arg10[%dma_wait3A_241, %dma_wait3A_242] : memref<10240x16xf32, #tpu.memory_space<vmem_shared>> -> memref<10240x16xf32, #tpu.memory_space<vmem_shared>>
      tpu.wait_indirect_dma semaphore(%arg27 : memref<!tpu.dma_semaphore, #tpu.memory_space<semaphore_mem>>) src(%arg17 : memref<128x16xf32, #tpu.memory_space<vmem>>) dst(%dma_wait3A_243 : memref<10240x16xf32, #tpu.memory_space<vmem_shared>>)
      %dma_wait3A_244 = arith.constant 0 : i32
      %dma_wait3A_245 = arith.constant 0 : i32
      %dma_wait3A_246 = tpu.memref_slice %arg9[%dma_wait3A_244, %dma_wait3A_245] : memref<10240x128xf32, #tpu.memory_space<vmem_shared>> -> memref<10240x128xf32, #tpu.memory_space<vmem_shared>>
      tpu.wait_indirect_dma semaphore(%arg26 : memref<!tpu.dma_semaphore, #tpu.memory_space<semaphore_mem>>) src(%arg16 : memref<128x128xf32, #tpu.memory_space<vmem>>) dst(%dma_wait3A_246 : memref<10240x128xf32, #tpu.memory_space<vmem_shared>>)
      %dma_wait3A_247 = arith.constant 0 : i32
      %dma_wait3A_248 = arith.constant 0 : i32
      %dma_wait3A_249 = tpu.memref_slice %arg10[%dma_wait3A_247, %dma_wait3A_248] : memref<10240x16xf32, #tpu.memory_space<vmem_shared>> -> memref<10240x16xf32, #tpu.memory_space<vmem_shared>>
      tpu.wait_indirect_dma semaphore(%arg28 : memref<!tpu.dma_semaphore, #tpu.memory_space<semaphore_mem>>) src(%arg17 : memref<128x16xf32, #tpu.memory_space<vmem>>) dst(%dma_wait3A_249 : memref<10240x16xf32, #tpu.memory_space<vmem_shared>>)
      %eq3A_250 = arith.constant 0 : i32
      %eq3A_251 = arith.cmpi eq, %arg1, %eq3A_250 : i32
      %convert_element_type3A_252 = arith.extui %eq3A_251 : i1 to i32
      %cond3A_253 = arith.constant 0 : i32
      %cond3A_254 = arith.cmpi ne, %convert_element_type3A_252, %cond3A_253 : i32
      scf.if %cond3A_254 {
        "tpu.region"() ({
          %run_scoped3A = tpu.sem_alloc : memref<!tpu.dma_semaphore, #tpu.memory_space<semaphore_mem>>
          %dma_start3A_267 = arith.constant 159744 : i32
          %dma_start3A_268 = tpu.memref_slice %arg6[%dma_start3A_267] : memref<160000xi32, #tpu.memory_space<hbm>> -> memref<128xi32, #tpu.memory_space<hbm>>
          %dma_start3A_269 = arith.constant 159744 : i32
          %dma_start3A_270 = tpu.memref_slice %arg6[%dma_start3A_269] : memref<160000xi32, #tpu.memory_space<hbm>> -> memref<128xi32, #tpu.memory_space<hbm>>
          tpu.enqueue_dma source(%dma_start3A_270 : memref<128xi32, #tpu.memory_space<hbm>>) target(%arg13 : memref<128xi32, #tpu.memory_space<vmem>>) target_semaphore(%run_scoped3A : memref<!tpu.dma_semaphore, #tpu.memory_space<semaphore_mem>>)
          %dma_wait3A_271 = arith.constant 159744 : i32
          %dma_wait3A_272 = tpu.memref_slice %arg6[%dma_wait3A_271] : memref<160000xi32, #tpu.memory_space<hbm>> -> memref<128xi32, #tpu.memory_space<hbm>>
          %dma_wait3A_273 = arith.constant 159744 : i32
          %dma_wait3A_274 = tpu.memref_slice %arg6[%dma_wait3A_273] : memref<160000xi32, #tpu.memory_space<hbm>> -> memref<128xi32, #tpu.memory_space<hbm>>
          tpu.wait_dma2 semaphore(%run_scoped3A : memref<!tpu.dma_semaphore, #tpu.memory_space<semaphore_mem>>) src(%dma_wait3A_274 : memref<128xi32, #tpu.memory_space<hbm>>) dst(%arg13 : memref<128xi32, #tpu.memory_space<vmem>>)
          tpu.yield
        }) : () -> ()
        "tpu.region"() ({
          %run_scoped3A = tpu.sem_alloc : memref<!tpu.dma_semaphore, #tpu.memory_space<semaphore_mem>>
          %dma_start3A_267 = arith.constant 159744 : i32
          %dma_start3A_268 = tpu.memref_slice %arg5[%dma_start3A_267] : memref<160000xi32, #tpu.memory_space<hbm>> -> memref<128xi32, #tpu.memory_space<hbm>>
          %dma_start3A_269 = arith.constant 159744 : i32
          %dma_start3A_270 = tpu.memref_slice %arg5[%dma_start3A_269] : memref<160000xi32, #tpu.memory_space<hbm>> -> memref<128xi32, #tpu.memory_space<hbm>>
          tpu.enqueue_dma source(%dma_start3A_270 : memref<128xi32, #tpu.memory_space<hbm>>) target(%arg11 : memref<128xi32, #tpu.memory_space<vmem>>) target_semaphore(%run_scoped3A : memref<!tpu.dma_semaphore, #tpu.memory_space<semaphore_mem>>)
          %dma_wait3A_271 = arith.constant 159744 : i32
          %dma_wait3A_272 = tpu.memref_slice %arg5[%dma_wait3A_271] : memref<160000xi32, #tpu.memory_space<hbm>> -> memref<128xi32, #tpu.memory_space<hbm>>
          %dma_wait3A_273 = arith.constant 159744 : i32
          %dma_wait3A_274 = tpu.memref_slice %arg5[%dma_wait3A_273] : memref<160000xi32, #tpu.memory_space<hbm>> -> memref<128xi32, #tpu.memory_space<hbm>>
          tpu.wait_dma2 semaphore(%run_scoped3A : memref<!tpu.dma_semaphore, #tpu.memory_space<semaphore_mem>>) src(%dma_wait3A_274 : memref<128xi32, #tpu.memory_space<hbm>>) dst(%arg11 : memref<128xi32, #tpu.memory_space<vmem>>)
          tpu.yield
        }) : () -> ()
        %dma_start3A_255 = arith.constant 0 : i32
        %dma_start3A_256 = arith.constant 0 : i32
        %dma_start3A_257 = tpu.memref_slice %arg2[%dma_start3A_255, %dma_start3A_256] : memref<10000x128xf32, #tpu.memory_space<hbm>> -> memref<10000x128xf32, #tpu.memory_space<hbm>>
        tpu.enqueue_indirect_dma source(%dma_start3A_257 : memref<10000x128xf32, #tpu.memory_space<hbm>>) target(%arg15 : memref<128x128xf32, #tpu.memory_space<vmem>>) offsets(%arg11 : memref<128xi32, #tpu.memory_space<vmem>>) semaphore(%arg23 : memref<!tpu.dma_semaphore, #tpu.memory_space<semaphore_mem>>)
        %dma_wait3A_258 = arith.constant 0 : i32
        %dma_wait3A_259 = arith.constant 0 : i32
        %dma_wait3A_260 = tpu.memref_slice %arg2[%dma_wait3A_258, %dma_wait3A_259] : memref<10000x128xf32, #tpu.memory_space<hbm>> -> memref<10000x128xf32, #tpu.memory_space<hbm>>
        tpu.wait_indirect_dma semaphore(%arg23 : memref<!tpu.dma_semaphore, #tpu.memory_space<semaphore_mem>>) src(%dma_wait3A_260 : memref<10000x128xf32, #tpu.memory_space<hbm>>) dst(%arg15 : memref<128x128xf32, #tpu.memory_space<vmem>>)
        "tpu.region"() ({
          %run_scoped3A = tpu.sem_alloc : memref<!tpu.dma_semaphore, #tpu.memory_space<semaphore_mem>>
          %dma_start3A_267 = arith.constant 0 : i32
          %dma_start3A_268 = arith.constant 0 : i32
          %dma_start3A_269 = tpu.memref_slice %arg9[%dma_start3A_267, %dma_start3A_268] : memref<10240x128xf32, #tpu.memory_space<vmem_shared>> -> memref<10240x128xf32, #tpu.memory_space<vmem_shared>>
          tpu.enqueue_indirect_dma source(%arg15 : memref<128x128xf32, #tpu.memory_space<vmem>>) target(%dma_start3A_269 : memref<10240x128xf32, #tpu.memory_space<vmem_shared>>) offsets(%arg13 : memref<128xi32, #tpu.memory_space<vmem>>) semaphore(%run_scoped3A : memref<!tpu.dma_semaphore, #tpu.memory_space<semaphore_mem>>) {add = true}
          %dma_wait3A_270 = arith.constant 0 : i32
          %dma_wait3A_271 = arith.constant 0 : i32
          %dma_wait3A_272 = tpu.memref_slice %arg9[%dma_wait3A_270, %dma_wait3A_271] : memref<10240x128xf32, #tpu.memory_space<vmem_shared>> -> memref<10240x128xf32, #tpu.memory_space<vmem_shared>>
          tpu.wait_indirect_dma semaphore(%run_scoped3A : memref<!tpu.dma_semaphore, #tpu.memory_space<semaphore_mem>>) src(%arg15 : memref<128x128xf32, #tpu.memory_space<vmem>>) dst(%dma_wait3A_272 : memref<10240x128xf32, #tpu.memory_space<vmem_shared>>)
          tpu.yield
        }) : () -> ()
        "tpu.region"() ({
          %run_scoped3A = tpu.sem_alloc : memref<!tpu.dma_semaphore, #tpu.memory_space<semaphore_mem>>
          %dma_start3A_267 = arith.constant 0 : i32
          %dma_start3A_268 = arith.constant 0 : i32
          %dma_start3A_269 = tpu.memref_slice %arg10[%dma_start3A_267, %dma_start3A_268] : memref<10240x16xf32, #tpu.memory_space<vmem_shared>> -> memref<10240x16xf32, #tpu.memory_space<vmem_shared>>
          tpu.enqueue_indirect_dma source(%arg17 : memref<128x16xf32, #tpu.memory_space<vmem>>) target(%dma_start3A_269 : memref<10240x16xf32, #tpu.memory_space<vmem_shared>>) offsets(%arg13 : memref<128xi32, #tpu.memory_space<vmem>>) semaphore(%run_scoped3A : memref<!tpu.dma_semaphore, #tpu.memory_space<semaphore_mem>>) {add = true}
          %dma_wait3A_270 = arith.constant 0 : i32
          %dma_wait3A_271 = arith.constant 0 : i32
          %dma_wait3A_272 = tpu.memref_slice %arg10[%dma_wait3A_270, %dma_wait3A_271] : memref<10240x16xf32, #tpu.memory_space<vmem_shared>> -> memref<10240x16xf32, #tpu.memory_space<vmem_shared>>
          tpu.wait_indirect_dma semaphore(%run_scoped3A : memref<!tpu.dma_semaphore, #tpu.memory_space<semaphore_mem>>) src(%arg17 : memref<128x16xf32, #tpu.memory_space<vmem>>) dst(%dma_wait3A_272 : memref<10240x16xf32, #tpu.memory_space<vmem_shared>>)
          tpu.yield
        }) : () -> ()
        "tpu.region"() ({
          %run_scoped3A = tpu.sem_alloc : memref<!tpu.dma_semaphore, #tpu.memory_space<semaphore_mem>>
          %dma_start3A_267 = arith.constant 159872 : i32
          %dma_start3A_268 = tpu.memref_slice %arg6[%dma_start3A_267] : memref<160000xi32, #tpu.memory_space<hbm>> -> memref<128xi32, #tpu.memory_space<hbm>>
          %dma_start3A_269 = arith.constant 159872 : i32
          %dma_start3A_270 = tpu.memref_slice %arg6[%dma_start3A_269] : memref<160000xi32, #tpu.memory_space<hbm>> -> memref<128xi32, #tpu.memory_space<hbm>>
          tpu.enqueue_dma source(%dma_start3A_270 : memref<128xi32, #tpu.memory_space<hbm>>) target(%arg13 : memref<128xi32, #tpu.memory_space<vmem>>) target_semaphore(%run_scoped3A : memref<!tpu.dma_semaphore, #tpu.memory_space<semaphore_mem>>)
          %dma_wait3A_271 = arith.constant 159872 : i32
          %dma_wait3A_272 = tpu.memref_slice %arg6[%dma_wait3A_271] : memref<160000xi32, #tpu.memory_space<hbm>> -> memref<128xi32, #tpu.memory_space<hbm>>
          %dma_wait3A_273 = arith.constant 159872 : i32
          %dma_wait3A_274 = tpu.memref_slice %arg6[%dma_wait3A_273] : memref<160000xi32, #tpu.memory_space<hbm>> -> memref<128xi32, #tpu.memory_space<hbm>>
          tpu.wait_dma2 semaphore(%run_scoped3A : memref<!tpu.dma_semaphore, #tpu.memory_space<semaphore_mem>>) src(%dma_wait3A_274 : memref<128xi32, #tpu.memory_space<hbm>>) dst(%arg13 : memref<128xi32, #tpu.memory_space<vmem>>)
          tpu.yield
        }) : () -> ()
        "tpu.region"() ({
          %run_scoped3A = tpu.sem_alloc : memref<!tpu.dma_semaphore, #tpu.memory_space<semaphore_mem>>
          %dma_start3A_267 = arith.constant 159872 : i32
          %dma_start3A_268 = tpu.memref_slice %arg5[%dma_start3A_267] : memref<160000xi32, #tpu.memory_space<hbm>> -> memref<128xi32, #tpu.memory_space<hbm>>
          %dma_start3A_269 = arith.constant 159872 : i32
          %dma_start3A_270 = tpu.memref_slice %arg5[%dma_start3A_269] : memref<160000xi32, #tpu.memory_space<hbm>> -> memref<128xi32, #tpu.memory_space<hbm>>
          tpu.enqueue_dma source(%dma_start3A_270 : memref<128xi32, #tpu.memory_space<hbm>>) target(%arg11 : memref<128xi32, #tpu.memory_space<vmem>>) target_semaphore(%run_scoped3A : memref<!tpu.dma_semaphore, #tpu.memory_space<semaphore_mem>>)
          %dma_wait3A_271 = arith.constant 159872 : i32
          %dma_wait3A_272 = tpu.memref_slice %arg5[%dma_wait3A_271] : memref<160000xi32, #tpu.memory_space<hbm>> -> memref<128xi32, #tpu.memory_space<hbm>>
          %dma_wait3A_273 = arith.constant 159872 : i32
          %dma_wait3A_274 = tpu.memref_slice %arg5[%dma_wait3A_273] : memref<160000xi32, #tpu.memory_space<hbm>> -> memref<128xi32, #tpu.memory_space<hbm>>
          tpu.wait_dma2 semaphore(%run_scoped3A : memref<!tpu.dma_semaphore, #tpu.memory_space<semaphore_mem>>) src(%dma_wait3A_274 : memref<128xi32, #tpu.memory_space<hbm>>) dst(%arg11 : memref<128xi32, #tpu.memory_space<vmem>>)
          tpu.yield
        }) : () -> ()
        %dma_start3A_261 = arith.constant 0 : i32
        %dma_start3A_262 = arith.constant 0 : i32
        %dma_start3A_263 = tpu.memref_slice %arg2[%dma_start3A_261, %dma_start3A_262] : memref<10000x128xf32, #tpu.memory_space<hbm>> -> memref<10000x128xf32, #tpu.memory_space<hbm>>
        tpu.enqueue_indirect_dma source(%dma_start3A_263 : memref<10000x128xf32, #tpu.memory_space<hbm>>) target(%arg15 : memref<128x128xf32, #tpu.memory_space<vmem>>) offsets(%arg11 : memref<128xi32, #tpu.memory_space<vmem>>) semaphore(%arg23 : memref<!tpu.dma_semaphore, #tpu.memory_space<semaphore_mem>>)
        %dma_wait3A_264 = arith.constant 0 : i32
        %dma_wait3A_265 = arith.constant 0 : i32
        %dma_wait3A_266 = tpu.memref_slice %arg2[%dma_wait3A_264, %dma_wait3A_265] : memref<10000x128xf32, #tpu.memory_space<hbm>> -> memref<10000x128xf32, #tpu.memory_space<hbm>>
        tpu.wait_indirect_dma semaphore(%arg23 : memref<!tpu.dma_semaphore, #tpu.memory_space<semaphore_mem>>) src(%dma_wait3A_266 : memref<10000x128xf32, #tpu.memory_space<hbm>>) dst(%arg15 : memref<128x128xf32, #tpu.memory_space<vmem>>)
        "tpu.region"() ({
          %run_scoped3A = tpu.sem_alloc : memref<!tpu.dma_semaphore, #tpu.memory_space<semaphore_mem>>
          %dma_start3A_267 = arith.constant 0 : i32
          %dma_start3A_268 = arith.constant 0 : i32
          %dma_start3A_269 = tpu.memref_slice %arg9[%dma_start3A_267, %dma_start3A_268] : memref<10240x128xf32, #tpu.memory_space<vmem_shared>> -> memref<10240x128xf32, #tpu.memory_space<vmem_shared>>
          tpu.enqueue_indirect_dma source(%arg15 : memref<128x128xf32, #tpu.memory_space<vmem>>) target(%dma_start3A_269 : memref<10240x128xf32, #tpu.memory_space<vmem_shared>>) offsets(%arg13 : memref<128xi32, #tpu.memory_space<vmem>>) semaphore(%run_scoped3A : memref<!tpu.dma_semaphore, #tpu.memory_space<semaphore_mem>>) {add = true}
          %dma_wait3A_270 = arith.constant 0 : i32
          %dma_wait3A_271 = arith.constant 0 : i32
          %dma_wait3A_272 = tpu.memref_slice %arg9[%dma_wait3A_270, %dma_wait3A_271] : memref<10240x128xf32, #tpu.memory_space<vmem_shared>> -> memref<10240x128xf32, #tpu.memory_space<vmem_shared>>
          tpu.wait_indirect_dma semaphore(%run_scoped3A : memref<!tpu.dma_semaphore, #tpu.memory_space<semaphore_mem>>) src(%arg15 : memref<128x128xf32, #tpu.memory_space<vmem>>) dst(%dma_wait3A_272 : memref<10240x128xf32, #tpu.memory_space<vmem_shared>>)
          tpu.yield
        }) : () -> ()
        "tpu.region"() ({
          %run_scoped3A = tpu.sem_alloc : memref<!tpu.dma_semaphore, #tpu.memory_space<semaphore_mem>>
          %dma_start3A_267 = arith.constant 0 : i32
          %dma_start3A_268 = arith.constant 0 : i32
          %dma_start3A_269 = tpu.memref_slice %arg10[%dma_start3A_267, %dma_start3A_268] : memref<10240x16xf32, #tpu.memory_space<vmem_shared>> -> memref<10240x16xf32, #tpu.memory_space<vmem_shared>>
          tpu.enqueue_indirect_dma source(%arg17 : memref<128x16xf32, #tpu.memory_space<vmem>>) target(%dma_start3A_269 : memref<10240x16xf32, #tpu.memory_space<vmem_shared>>) offsets(%arg13 : memref<128xi32, #tpu.memory_space<vmem>>) semaphore(%run_scoped3A : memref<!tpu.dma_semaphore, #tpu.memory_space<semaphore_mem>>) {add = true}
          %dma_wait3A_270 = arith.constant 0 : i32
          %dma_wait3A_271 = arith.constant 0 : i32
          %dma_wait3A_272 = tpu.memref_slice %arg10[%dma_wait3A_270, %dma_wait3A_271] : memref<10240x16xf32, #tpu.memory_space<vmem_shared>> -> memref<10240x16xf32, #tpu.memory_space<vmem_shared>>
          tpu.wait_indirect_dma semaphore(%run_scoped3A : memref<!tpu.dma_semaphore, #tpu.memory_space<semaphore_mem>>) src(%arg17 : memref<128x16xf32, #tpu.memory_space<vmem>>) dst(%dma_wait3A_272 : memref<10240x16xf32, #tpu.memory_space<vmem_shared>>)
          tpu.yield
        }) : () -> ()
      } else {
      }
    } else {
    }
    %barrier3A_50 = arith.constant 0 : index
    tpu.barrier barrier_id(%barrier3A_50)
    %mul3A_51 = arith.constant 640 : i32
    %mul3A_52 = arith.muli %arg1, %mul3A_51 : i32
    %add3A_53 = arith.constant 0 : i32
    %add3A_54 = arith.addi %mul3A_52, %add3A_53 : i32
    "tpu.region"() ({
      %run_scoped3A = tpu.sem_alloc : memref<!tpu.dma_semaphore, #tpu.memory_space<semaphore_mem>>
      %dma_start3A = arith.constant 0 : i32
      %dma_start3A_171 = tpu.memref_slice %arg9[%add3A_54, %dma_start3A] : memref<10240x128xf32, #tpu.memory_space<vmem_shared>> -> memref<128x128xf32, #tpu.memory_space<vmem_shared>>
      %dma_start3A_172 = arith.constant 0 : i32
      %dma_start3A_173 = tpu.memref_slice %arg9[%add3A_54, %dma_start3A_172] : memref<10240x128xf32, #tpu.memory_space<vmem_shared>> -> memref<128x128xf32, #tpu.memory_space<vmem_shared>>
      tpu.enqueue_dma source(%dma_start3A_173 : memref<128x128xf32, #tpu.memory_space<vmem_shared>>) target(%arg15 : memref<128x128xf32, #tpu.memory_space<vmem>>) target_semaphore(%run_scoped3A : memref<!tpu.dma_semaphore, #tpu.memory_space<semaphore_mem>>)
      %dma_wait3A = arith.constant 0 : i32
      %dma_wait3A_174 = tpu.memref_slice %arg9[%add3A_54, %dma_wait3A] : memref<10240x128xf32, #tpu.memory_space<vmem_shared>> -> memref<128x128xf32, #tpu.memory_space<vmem_shared>>
      %dma_wait3A_175 = arith.constant 0 : i32
      %dma_wait3A_176 = tpu.memref_slice %arg9[%add3A_54, %dma_wait3A_175] : memref<10240x128xf32, #tpu.memory_space<vmem_shared>> -> memref<128x128xf32, #tpu.memory_space<vmem_shared>>
      tpu.wait_dma2 semaphore(%run_scoped3A : memref<!tpu.dma_semaphore, #tpu.memory_space<semaphore_mem>>) src(%dma_wait3A_176 : memref<128x128xf32, #tpu.memory_space<vmem_shared>>) dst(%arg15 : memref<128x128xf32, #tpu.memory_space<vmem>>)
      tpu.yield
    }) : () -> ()
    %mul3A_55 = arith.constant 640 : i32
    %mul3A_56 = arith.muli %arg1, %mul3A_55 : i32
    %add3A_57 = arith.constant 0 : i32
    %add3A_58 = arith.addi %mul3A_56, %add3A_57 : i32
    "tpu.region"() ({
      %run_scoped3A = tpu.sem_alloc : memref<!tpu.dma_semaphore, #tpu.memory_space<semaphore_mem>>
      %dma_start3A = arith.constant 0 : i32
      %dma_start3A_171 = tpu.memref_slice %arg10[%add3A_58, %dma_start3A] : memref<10240x16xf32, #tpu.memory_space<vmem_shared>> -> memref<128x16xf32, #tpu.memory_space<vmem_shared>>
      %dma_start3A_172 = arith.constant 0 : i32
      %dma_start3A_173 = tpu.memref_slice %arg10[%add3A_58, %dma_start3A_172] : memref<10240x16xf32, #tpu.memory_space<vmem_shared>> -> memref<128x16xf32, #tpu.memory_space<vmem_shared>>
      tpu.enqueue_dma source(%dma_start3A_173 : memref<128x16xf32, #tpu.memory_space<vmem_shared>>) target(%arg18 : memref<128x16xf32, #tpu.memory_space<vmem>>) target_semaphore(%run_scoped3A : memref<!tpu.dma_semaphore, #tpu.memory_space<semaphore_mem>>)
      %dma_wait3A = arith.constant 0 : i32
      %dma_wait3A_174 = tpu.memref_slice %arg10[%add3A_58, %dma_wait3A] : memref<10240x16xf32, #tpu.memory_space<vmem_shared>> -> memref<128x16xf32, #tpu.memory_space<vmem_shared>>
      %dma_wait3A_175 = arith.constant 0 : i32
      %dma_wait3A_176 = tpu.memref_slice %arg10[%add3A_58, %dma_wait3A_175] : memref<10240x16xf32, #tpu.memory_space<vmem_shared>> -> memref<128x16xf32, #tpu.memory_space<vmem_shared>>
      tpu.wait_dma2 semaphore(%run_scoped3A : memref<!tpu.dma_semaphore, #tpu.memory_space<semaphore_mem>>) src(%dma_wait3A_176 : memref<128x16xf32, #tpu.memory_space<vmem_shared>>) dst(%arg18 : memref<128x16xf32, #tpu.memory_space<vmem>>)
      tpu.yield
    }) : () -> ()
    %scan3A_59 = arith.constant 0 : i32
    %scan3A_60 = arith.constant 0 : i32
    %scan3A_61 = arith.constant 128 : i32
    %scan3A_62 = arith.addi %scan3A_60, %scan3A_61 : i32
    %scan3A_63 = arith.constant 1 : i32
    scf.for %scan3A_171 = %scan3A_60 to %scan3A_62 step %scan3A_63  : i32 {
      %get3A = arith.index_cast %scan3A_171 : i32 to index
      %get3A_172 = arith.constant 0 : index
      %get3A_173 = tpu.vector_load %arg18[%get3A, %get3A_172] {strides = array<i32>} : memref<128x16xf32, #tpu.memory_space<vmem>>, vector<1x16xf32>,
      %get3A_174 = vector.shape_cast %get3A_173 : vector<1x16xf32> to vector<16xf32>
      %max3A = arith.constant 1.000000e+00 : f32
      %max3A_175 = vector.broadcast %max3A : f32 to vector<16xf32>
      %max3A_176 = arith.maximumf %get3A_174, %max3A_175 : vector<16xf32>
      %div3A = arith.constant 1.000000e+00 : f32
      %div3A_177 = vector.broadcast %div3A : f32 to vector<16xf32>
      %div3A_178 = arith.divf %div3A_177, %max3A_176 : vector<16xf32>
      %get3A_179 = arith.index_cast %scan3A_171 : i32 to index
      %get3A_180 = arith.constant 0 : index
      %get3A_181 = tpu.vector_load %arg15[%get3A_179, %get3A_180] {strides = array<i32>} : memref<128x128xf32, #tpu.memory_space<vmem>>, vector<1x16xf32>,
      %get3A_182 = vector.shape_cast %get3A_181 : vector<1x16xf32> to vector<16xf32>
      %mul3A_183 = arith.mulf %get3A_182, %div3A_178 : vector<16xf32>
      %swap3A = arith.index_cast %scan3A_171 : i32 to index
      %swap3A_184 = arith.constant 0 : index
      %swap3A_185 = tpu.vector_load %arg15[%swap3A, %swap3A_184] {strides = array<i32>} : memref<128x128xf32, #tpu.memory_space<vmem>>, vector<1x16xf32>,
      %swap3A_186 = vector.shape_cast %swap3A_185 : vector<1x16xf32> to vector<16xf32>
      %swap3A_187 = vector.shape_cast %mul3A_183 : vector<16xf32> to vector<1x16xf32>
      tpu.vector_store %arg15[%swap3A, %swap3A_184], %swap3A_187 {strides = array<i32>} : memref<128x128xf32, #tpu.memory_space<vmem>>, vector<1x16xf32>,
      %get3A_188 = arith.index_cast %scan3A_171 : i32 to index
      %get3A_189 = arith.constant 16 : index
      %get3A_190 = tpu.vector_load %arg15[%get3A_188, %get3A_189] {strides = array<i32>} : memref<128x128xf32, #tpu.memory_space<vmem>>, vector<1x16xf32>,
      %get3A_191 = vector.shape_cast %get3A_190 : vector<1x16xf32> to vector<16xf32>
      %mul3A_192 = arith.mulf %get3A_191, %div3A_178 : vector<16xf32>
      %swap3A_193 = arith.index_cast %scan3A_171 : i32 to index
      %swap3A_194 = arith.constant 16 : index
      %swap3A_195 = tpu.vector_load %arg15[%swap3A_193, %swap3A_194] {strides = array<i32>} : memref<128x128xf32, #tpu.memory_space<vmem>>, vector<1x16xf32>,
      %swap3A_196 = vector.shape_cast %swap3A_195 : vector<1x16xf32> to vector<16xf32>
      %swap3A_197 = vector.shape_cast %mul3A_192 : vector<16xf32> to vector<1x16xf32>
      tpu.vector_store %arg15[%swap3A_193, %swap3A_194], %swap3A_197 {strides = array<i32>} : memref<128x128xf32, #tpu.memory_space<vmem>>, vector<1x16xf32>,
      %get3A_198 = arith.index_cast %scan3A_171 : i32 to index
      %get3A_199 = arith.constant 32 : index
      %get3A_200 = tpu.vector_load %arg15[%get3A_198, %get3A_199] {strides = array<i32>} : memref<128x128xf32, #tpu.memory_space<vmem>>, vector<1x16xf32>,
      %get3A_201 = vector.shape_cast %get3A_200 : vector<1x16xf32> to vector<16xf32>
      %mul3A_202 = arith.mulf %get3A_201, %div3A_178 : vector<16xf32>
      %swap3A_203 = arith.index_cast %scan3A_171 : i32 to index
      %swap3A_204 = arith.constant 32 : index
      %swap3A_205 = tpu.vector_load %arg15[%swap3A_203, %swap3A_204] {strides = array<i32>} : memref<128x128xf32, #tpu.memory_space<vmem>>, vector<1x16xf32>,
      %swap3A_206 = vector.shape_cast %swap3A_205 : vector<1x16xf32> to vector<16xf32>
      %swap3A_207 = vector.shape_cast %mul3A_202 : vector<16xf32> to vector<1x16xf32>
      tpu.vector_store %arg15[%swap3A_203, %swap3A_204], %swap3A_207 {strides = array<i32>} : memref<128x128xf32, #tpu.memory_space<vmem>>, vector<1x16xf32>,
      %get3A_208 = arith.index_cast %scan3A_171 : i32 to index
      %get3A_209 = arith.constant 48 : index
      %get3A_210 = tpu.vector_load %arg15[%get3A_208, %get3A_209] {strides = array<i32>} : memref<128x128xf32, #tpu.memory_space<vmem>>, vector<1x16xf32>,
      %get3A_211 = vector.shape_cast %get3A_210 : vector<1x16xf32> to vector<16xf32>
      %mul3A_212 = arith.mulf %get3A_211, %div3A_178 : vector<16xf32>
      %swap3A_213 = arith.index_cast %scan3A_171 : i32 to index
      %swap3A_214 = arith.constant 48 : index
      %swap3A_215 = tpu.vector_load %arg15[%swap3A_213, %swap3A_214] {strides = array<i32>} : memref<128x128xf32, #tpu.memory_space<vmem>>, vector<1x16xf32>,
      %swap3A_216 = vector.shape_cast %swap3A_215 : vector<1x16xf32> to vector<16xf32>
      %swap3A_217 = vector.shape_cast %mul3A_212 : vector<16xf32> to vector<1x16xf32>
      tpu.vector_store %arg15[%swap3A_213, %swap3A_214], %swap3A_217 {strides = array<i32>} : memref<128x128xf32, #tpu.memory_space<vmem>>, vector<1x16xf32>,
      %get3A_218 = arith.index_cast %scan3A_171 : i32 to index
      %get3A_219 = arith.constant 64 : index
      %get3A_220 = tpu.vector_load %arg15[%get3A_218, %get3A_219] {strides = array<i32>} : memref<128x128xf32, #tpu.memory_space<vmem>>, vector<1x16xf32>,
      %get3A_221 = vector.shape_cast %get3A_220 : vector<1x16xf32> to vector<16xf32>
      %mul3A_222 = arith.mulf %get3A_221, %div3A_178 : vector<16xf32>
      %swap3A_223 = arith.index_cast %scan3A_171 : i32 to index
      %swap3A_224 = arith.constant 64 : index
      %swap3A_225 = tpu.vector_load %arg15[%swap3A_223, %swap3A_224] {strides = array<i32>} : memref<128x128xf32, #tpu.memory_space<vmem>>, vector<1x16xf32>,
      %swap3A_226 = vector.shape_cast %swap3A_225 : vector<1x16xf32> to vector<16xf32>
      %swap3A_227 = vector.shape_cast %mul3A_222 : vector<16xf32> to vector<1x16xf32>
      tpu.vector_store %arg15[%swap3A_223, %swap3A_224], %swap3A_227 {strides = array<i32>} : memref<128x128xf32, #tpu.memory_space<vmem>>, vector<1x16xf32>,
      %get3A_228 = arith.index_cast %scan3A_171 : i32 to index
      %get3A_229 = arith.constant 80 : index
      %get3A_230 = tpu.vector_load %arg15[%get3A_228, %get3A_229] {strides = array<i32>} : memref<128x128xf32, #tpu.memory_space<vmem>>, vector<1x16xf32>,
      %get3A_231 = vector.shape_cast %get3A_230 : vector<1x16xf32> to vector<16xf32>
      %mul3A_232 = arith.mulf %get3A_231, %div3A_178 : vector<16xf32>
      %swap3A_233 = arith.index_cast %scan3A_171 : i32 to index
      %swap3A_234 = arith.constant 80 : index
      %swap3A_235 = tpu.vector_load %arg15[%swap3A_233, %swap3A_234] {strides = array<i32>} : memref<128x128xf32, #tpu.memory_space<vmem>>, vector<1x16xf32>,
      %swap3A_236 = vector.shape_cast %swap3A_235 : vector<1x16xf32> to vector<16xf32>
      %swap3A_237 = vector.shape_cast %mul3A_232 : vector<16xf32> to vector<1x16xf32>
      tpu.vector_store %arg15[%swap3A_233, %swap3A_234], %swap3A_237 {strides = array<i32>} : memref<128x128xf32, #tpu.memory_space<vmem>>, vector<1x16xf32>,
      %get3A_238 = arith.index_cast %scan3A_171 : i32 to index
      %get3A_239 = arith.constant 96 : index
      %get3A_240 = tpu.vector_load %arg15[%get3A_238, %get3A_239] {strides = array<i32>} : memref<128x128xf32, #tpu.memory_space<vmem>>, vector<1x16xf32>,
      %get3A_241 = vector.shape_cast %get3A_240 : vector<1x16xf32> to vector<16xf32>
      %mul3A_242 = arith.mulf %get3A_241, %div3A_178 : vector<16xf32>
      %swap3A_243 = arith.index_cast %scan3A_171 : i32 to index
      %swap3A_244 = arith.constant 96 : index
      %swap3A_245 = tpu.vector_load %arg15[%swap3A_243, %swap3A_244] {strides = array<i32>} : memref<128x128xf32, #tpu.memory_space<vmem>>, vector<1x16xf32>,
      %swap3A_246 = vector.shape_cast %swap3A_245 : vector<1x16xf32> to vector<16xf32>
      %swap3A_247 = vector.shape_cast %mul3A_242 : vector<16xf32> to vector<1x16xf32>
      tpu.vector_store %arg15[%swap3A_243, %swap3A_244], %swap3A_247 {strides = array<i32>} : memref<128x128xf32, #tpu.memory_space<vmem>>, vector<1x16xf32>,
      %get3A_248 = arith.index_cast %scan3A_171 : i32 to index
      %get3A_249 = arith.constant 112 : index
      %get3A_250 = tpu.vector_load %arg15[%get3A_248, %get3A_249] {strides = array<i32>} : memref<128x128xf32, #tpu.memory_space<vmem>>, vector<1x16xf32>,
      %get3A_251 = vector.shape_cast %get3A_250 : vector<1x16xf32> to vector<16xf32>
      %mul3A_252 = arith.mulf %get3A_251, %div3A_178 : vector<16xf32>
      %swap3A_253 = arith.index_cast %scan3A_171 : i32 to index
      %swap3A_254 = arith.constant 112 : index
      %swap3A_255 = tpu.vector_load %arg15[%swap3A_253, %swap3A_254] {strides = array<i32>} : memref<128x128xf32, #tpu.memory_space<vmem>>, vector<1x16xf32>,
      %swap3A_256 = vector.shape_cast %swap3A_255 : vector<1x16xf32> to vector<16xf32>
      %swap3A_257 = vector.shape_cast %mul3A_252 : vector<16xf32> to vector<1x16xf32>
      tpu.vector_store %arg15[%swap3A_253, %swap3A_254], %swap3A_257 {strides = array<i32>} : memref<128x128xf32, #tpu.memory_space<vmem>>, vector<1x16xf32>,
    }
    %scan3A_64 = arith.constant 128 : i32
    %eq3A_65 = arith.constant 0 : i32
    %eq3A_66 = arith.cmpi eq, %arg0, %eq3A_65 : i32
    %convert_element_type3A_67 = arith.extui %eq3A_66 : i1 to i32
    %cond3A_68 = arith.constant 0 : i32
    %cond3A_69 = arith.cmpi ne, %convert_element_type3A_67, %cond3A_68 : i32
    scf.if %cond3A_69 {
      %mul3A_171 = arith.constant 640 : i32
      %mul3A_172 = arith.muli %arg1, %mul3A_171 : i32
      %add3A_173 = arith.constant 0 : i32
      %add3A_174 = arith.addi %mul3A_172, %add3A_173 : i32
      "tpu.region"() ({
        %run_scoped3A = tpu.sem_alloc : memref<!tpu.dma_semaphore, #tpu.memory_space<semaphore_mem>>
        %dma_start3A = arith.constant 0 : i32
        %dma_start3A_175 = tpu.memref_slice %arg7[%add3A_174, %dma_start3A] : memref<10240x128xf32, #tpu.memory_space<hbm>> -> memref<128x128xf32, #tpu.memory_space<hbm>>
        %dma_start3A_176 = arith.constant 0 : i32
        %dma_start3A_177 = tpu.memref_slice %arg7[%add3A_174, %dma_start3A_176] : memref<10240x128xf32, #tpu.memory_space<hbm>> -> memref<128x128xf32, #tpu.memory_space<hbm>>
        tpu.enqueue_dma source(%arg15 : memref<128x128xf32, #tpu.memory_space<vmem>>) target(%dma_start3A_177 : memref<128x128xf32, #tpu.memory_space<hbm>>) target_semaphore(%run_scoped3A : memref<!tpu.dma_semaphore, #tpu.memory_space<semaphore_mem>>)
        %dma_wait3A = arith.constant 0 : i32
        %dma_wait3A_178 = tpu.memref_slice %arg7[%add3A_174, %dma_wait3A] : memref<10240x128xf32, #tpu.memory_space<hbm>> -> memref<128x128xf32, #tpu.memory_space<hbm>>
        %dma_wait3A_179 = arith.constant 0 : i32
        %dma_wait3A_180 = tpu.memref_slice %arg7[%add3A_174, %dma_wait3A_179] : memref<10240x128xf32, #tpu.memory_space<hbm>> -> memref<128x128xf32, #tpu.memory_space<hbm>>
        tpu.wait_dma2 semaphore(%run_scoped3A : memref<!tpu.dma_semaphore, #tpu.memory_space<semaphore_mem>>) src(%arg15 : memref<128x128xf32, #tpu.memory_space<vmem>>) dst(%dma_wait3A_180 : memref<128x128xf32, #tpu.memory_space<hbm>>)
        tpu.yield
      }) : () -> ()
    } else {
    }
    %eq3A_70 = arith.constant 1 : i32
    %eq3A_71 = arith.cmpi eq, %arg0, %eq3A_70 : i32
    %convert_element_type3A_72 = arith.extui %eq3A_71 : i1 to i32
    %cond3A_73 = arith.constant 0 : i32
    %cond3A_74 = arith.cmpi ne, %convert_element_type3A_72, %cond3A_73 : i32
    scf.if %cond3A_74 {
      %mul3A_171 = arith.constant 640 : i32
      %mul3A_172 = arith.muli %arg1, %mul3A_171 : i32
      %add3A_173 = arith.constant 0 : i32
      %add3A_174 = arith.addi %mul3A_172, %add3A_173 : i32
      "tpu.region"() ({
        %run_scoped3A = tpu.sem_alloc : memref<!tpu.dma_semaphore, #tpu.memory_space<semaphore_mem>>
        %dma_start3A = arith.constant 0 : i32
        %dma_start3A_175 = tpu.memref_slice %arg8[%add3A_174, %dma_start3A] : memref<10240x128xf32, #tpu.memory_space<hbm>> -> memref<128x128xf32, #tpu.memory_space<hbm>>
        %dma_start3A_176 = arith.constant 0 : i32
        %dma_start3A_177 = tpu.memref_slice %arg8[%add3A_174, %dma_start3A_176] : memref<10240x128xf32, #tpu.memory_space<hbm>> -> memref<128x128xf32, #tpu.memory_space<hbm>>
        tpu.enqueue_dma source(%arg15 : memref<128x128xf32, #tpu.memory_space<vmem>>) target(%dma_start3A_177 : memref<128x128xf32, #tpu.memory_space<hbm>>) target_semaphore(%run_scoped3A : memref<!tpu.dma_semaphore, #tpu.memory_space<semaphore_mem>>)
        %dma_wait3A = arith.constant 0 : i32
        %dma_wait3A_178 = tpu.memref_slice %arg8[%add3A_174, %dma_wait3A] : memref<10240x128xf32, #tpu.memory_space<hbm>> -> memref<128x128xf32, #tpu.memory_space<hbm>>
        %dma_wait3A_179 = arith.constant 0 : i32
        %dma_wait3A_180 = tpu.memref_slice %arg8[%add3A_174, %dma_wait3A_179] : memref<10240x128xf32, #tpu.memory_space<hbm>> -> memref<128x128xf32, #tpu.memory_space<hbm>>
        tpu.wait_dma2 semaphore(%run_scoped3A : memref<!tpu.dma_semaphore, #tpu.memory_space<semaphore_mem>>) src(%arg15 : memref<128x128xf32, #tpu.memory_space<vmem>>) dst(%dma_wait3A_180 : memref<128x128xf32, #tpu.memory_space<hbm>>)
        tpu.yield
      }) : () -> ()
    } else {
    }
    %mul3A_75 = arith.constant 640 : i32
    %mul3A_76 = arith.muli %arg1, %mul3A_75 : i32
    %add3A_77 = arith.constant 128 : i32
    %add3A_78 = arith.addi %mul3A_76, %add3A_77 : i32
    "tpu.region"() ({
      %run_scoped3A = tpu.sem_alloc : memref<!tpu.dma_semaphore, #tpu.memory_space<semaphore_mem>>
      %dma_start3A = arith.constant 0 : i32
      %dma_start3A_171 = tpu.memref_slice %arg9[%add3A_78, %dma_start3A] : memref<10240x128xf32, #tpu.memory_space<vmem_shared>> -> memref<128x128xf32, #tpu.memory_space<vmem_shared>>
      %dma_start3A_172 = arith.constant 0 : i32
      %dma_start3A_173 = tpu.memref_slice %arg9[%add3A_78, %dma_start3A_172] : memref<10240x128xf32, #tpu.memory_space<vmem_shared>> -> memref<128x128xf32, #tpu.memory_space<vmem_shared>>
      tpu.enqueue_dma source(%dma_start3A_173 : memref<128x128xf32, #tpu.memory_space<vmem_shared>>) target(%arg15 : memref<128x128xf32, #tpu.memory_space<vmem>>) target_semaphore(%run_scoped3A : memref<!tpu.dma_semaphore, #tpu.memory_space<semaphore_mem>>)
      %dma_wait3A = arith.constant 0 : i32
      %dma_wait3A_174 = tpu.memref_slice %arg9[%add3A_78, %dma_wait3A] : memref<10240x128xf32, #tpu.memory_space<vmem_shared>> -> memref<128x128xf32, #tpu.memory_space<vmem_shared>>
      %dma_wait3A_175 = arith.constant 0 : i32
      %dma_wait3A_176 = tpu.memref_slice %arg9[%add3A_78, %dma_wait3A_175] : memref<10240x128xf32, #tpu.memory_space<vmem_shared>> -> memref<128x128xf32, #tpu.memory_space<vmem_shared>>
      tpu.wait_dma2 semaphore(%run_scoped3A : memref<!tpu.dma_semaphore, #tpu.memory_space<semaphore_mem>>) src(%dma_wait3A_176 : memref<128x128xf32, #tpu.memory_space<vmem_shared>>) dst(%arg15 : memref<128x128xf32, #tpu.memory_space<vmem>>)
      tpu.yield
    }) : () -> ()
    %mul3A_79 = arith.constant 640 : i32
    %mul3A_80 = arith.muli %arg1, %mul3A_79 : i32
    %add3A_81 = arith.constant 128 : i32
    %add3A_82 = arith.addi %mul3A_80, %add3A_81 : i32
    "tpu.region"() ({
      %run_scoped3A = tpu.sem_alloc : memref<!tpu.dma_semaphore, #tpu.memory_space<semaphore_mem>>
      %dma_start3A = arith.constant 0 : i32
      %dma_start3A_171 = tpu.memref_slice %arg10[%add3A_82, %dma_start3A] : memref<10240x16xf32, #tpu.memory_space<vmem_shared>> -> memref<128x16xf32, #tpu.memory_space<vmem_shared>>
      %dma_start3A_172 = arith.constant 0 : i32
      %dma_start3A_173 = tpu.memref_slice %arg10[%add3A_82, %dma_start3A_172] : memref<10240x16xf32, #tpu.memory_space<vmem_shared>> -> memref<128x16xf32, #tpu.memory_space<vmem_shared>>
      tpu.enqueue_dma source(%dma_start3A_173 : memref<128x16xf32, #tpu.memory_space<vmem_shared>>) target(%arg18 : memref<128x16xf32, #tpu.memory_space<vmem>>) target_semaphore(%run_scoped3A : memref<!tpu.dma_semaphore, #tpu.memory_space<semaphore_mem>>)
      %dma_wait3A = arith.constant 0 : i32
      %dma_wait3A_174 = tpu.memref_slice %arg10[%add3A_82, %dma_wait3A] : memref<10240x16xf32, #tpu.memory_space<vmem_shared>> -> memref<128x16xf32, #tpu.memory_space<vmem_shared>>
      %dma_wait3A_175 = arith.constant 0 : i32
      %dma_wait3A_176 = tpu.memref_slice %arg10[%add3A_82, %dma_wait3A_175] : memref<10240x16xf32, #tpu.memory_space<vmem_shared>> -> memref<128x16xf32, #tpu.memory_space<vmem_shared>>
      tpu.wait_dma2 semaphore(%run_scoped3A : memref<!tpu.dma_semaphore, #tpu.memory_space<semaphore_mem>>) src(%dma_wait3A_176 : memref<128x16xf32, #tpu.memory_space<vmem_shared>>) dst(%arg18 : memref<128x16xf32, #tpu.memory_space<vmem>>)
      tpu.yield
    }) : () -> ()
    %scan3A_83 = arith.constant 0 : i32
    %scan3A_84 = arith.constant 0 : i32
    %scan3A_85 = arith.constant 128 : i32
    %scan3A_86 = arith.addi %scan3A_84, %scan3A_85 : i32
    %scan3A_87 = arith.constant 1 : i32
    scf.for %scan3A_171 = %scan3A_84 to %scan3A_86 step %scan3A_87  : i32 {
      %get3A = arith.index_cast %scan3A_171 : i32 to index
      %get3A_172 = arith.constant 0 : index
      %get3A_173 = tpu.vector_load %arg18[%get3A, %get3A_172] {strides = array<i32>} : memref<128x16xf32, #tpu.memory_space<vmem>>, vector<1x16xf32>,
      %get3A_174 = vector.shape_cast %get3A_173 : vector<1x16xf32> to vector<16xf32>
      %max3A = arith.constant 1.000000e+00 : f32
      %max3A_175 = vector.broadcast %max3A : f32 to vector<16xf32>
      %max3A_176 = arith.maximumf %get3A_174, %max3A_175 : vector<16xf32>
      %div3A = arith.constant 1.000000e+00 : f32
      %div3A_177 = vector.broadcast %div3A : f32 to vector<16xf32>
      %div3A_178 = arith.divf %div3A_177, %max3A_176 : vector<16xf32>
      %get3A_179 = arith.index_cast %scan3A_171 : i32 to index
      %get3A_180 = arith.constant 0 : index
      %get3A_181 = tpu.vector_load %arg15[%get3A_179, %get3A_180] {strides = array<i32>} : memref<128x128xf32, #tpu.memory_space<vmem>>, vector<1x16xf32>,
      %get3A_182 = vector.shape_cast %get3A_181 : vector<1x16xf32> to vector<16xf32>
      %mul3A_183 = arith.mulf %get3A_182, %div3A_178 : vector<16xf32>
      %swap3A = arith.index_cast %scan3A_171 : i32 to index
      %swap3A_184 = arith.constant 0 : index
      %swap3A_185 = tpu.vector_load %arg15[%swap3A, %swap3A_184] {strides = array<i32>} : memref<128x128xf32, #tpu.memory_space<vmem>>, vector<1x16xf32>,
      %swap3A_186 = vector.shape_cast %swap3A_185 : vector<1x16xf32> to vector<16xf32>
      %swap3A_187 = vector.shape_cast %mul3A_183 : vector<16xf32> to vector<1x16xf32>
      tpu.vector_store %arg15[%swap3A, %swap3A_184], %swap3A_187 {strides = array<i32>} : memref<128x128xf32, #tpu.memory_space<vmem>>, vector<1x16xf32>,
      %get3A_188 = arith.index_cast %scan3A_171 : i32 to index
      %get3A_189 = arith.constant 16 : index
      %get3A_190 = tpu.vector_load %arg15[%get3A_188, %get3A_189] {strides = array<i32>} : memref<128x128xf32, #tpu.memory_space<vmem>>, vector<1x16xf32>,
      %get3A_191 = vector.shape_cast %get3A_190 : vector<1x16xf32> to vector<16xf32>
      %mul3A_192 = arith.mulf %get3A_191, %div3A_178 : vector<16xf32>
      %swap3A_193 = arith.index_cast %scan3A_171 : i32 to index
      %swap3A_194 = arith.constant 16 : index
      %swap3A_195 = tpu.vector_load %arg15[%swap3A_193, %swap3A_194] {strides = array<i32>} : memref<128x128xf32, #tpu.memory_space<vmem>>, vector<1x16xf32>,
      %swap3A_196 = vector.shape_cast %swap3A_195 : vector<1x16xf32> to vector<16xf32>
      %swap3A_197 = vector.shape_cast %mul3A_192 : vector<16xf32> to vector<1x16xf32>
      tpu.vector_store %arg15[%swap3A_193, %swap3A_194], %swap3A_197 {strides = array<i32>} : memref<128x128xf32, #tpu.memory_space<vmem>>, vector<1x16xf32>,
      %get3A_198 = arith.index_cast %scan3A_171 : i32 to index
      %get3A_199 = arith.constant 32 : index
      %get3A_200 = tpu.vector_load %arg15[%get3A_198, %get3A_199] {strides = array<i32>} : memref<128x128xf32, #tpu.memory_space<vmem>>, vector<1x16xf32>,
      %get3A_201 = vector.shape_cast %get3A_200 : vector<1x16xf32> to vector<16xf32>
      %mul3A_202 = arith.mulf %get3A_201, %div3A_178 : vector<16xf32>
      %swap3A_203 = arith.index_cast %scan3A_171 : i32 to index
      %swap3A_204 = arith.constant 32 : index
      %swap3A_205 = tpu.vector_load %arg15[%swap3A_203, %swap3A_204] {strides = array<i32>} : memref<128x128xf32, #tpu.memory_space<vmem>>, vector<1x16xf32>,
      %swap3A_206 = vector.shape_cast %swap3A_205 : vector<1x16xf32> to vector<16xf32>
      %swap3A_207 = vector.shape_cast %mul3A_202 : vector<16xf32> to vector<1x16xf32>
      tpu.vector_store %arg15[%swap3A_203, %swap3A_204], %swap3A_207 {strides = array<i32>} : memref<128x128xf32, #tpu.memory_space<vmem>>, vector<1x16xf32>,
      %get3A_208 = arith.index_cast %scan3A_171 : i32 to index
      %get3A_209 = arith.constant 48 : index
      %get3A_210 = tpu.vector_load %arg15[%get3A_208, %get3A_209] {strides = array<i32>} : memref<128x128xf32, #tpu.memory_space<vmem>>, vector<1x16xf32>,
      %get3A_211 = vector.shape_cast %get3A_210 : vector<1x16xf32> to vector<16xf32>
      %mul3A_212 = arith.mulf %get3A_211, %div3A_178 : vector<16xf32>
      %swap3A_213 = arith.index_cast %scan3A_171 : i32 to index
      %swap3A_214 = arith.constant 48 : index
      %swap3A_215 = tpu.vector_load %arg15[%swap3A_213, %swap3A_214] {strides = array<i32>} : memref<128x128xf32, #tpu.memory_space<vmem>>, vector<1x16xf32>,
      %swap3A_216 = vector.shape_cast %swap3A_215 : vector<1x16xf32> to vector<16xf32>
      %swap3A_217 = vector.shape_cast %mul3A_212 : vector<16xf32> to vector<1x16xf32>
      tpu.vector_store %arg15[%swap3A_213, %swap3A_214], %swap3A_217 {strides = array<i32>} : memref<128x128xf32, #tpu.memory_space<vmem>>, vector<1x16xf32>,
      %get3A_218 = arith.index_cast %scan3A_171 : i32 to index
      %get3A_219 = arith.constant 64 : index
      %get3A_220 = tpu.vector_load %arg15[%get3A_218, %get3A_219] {strides = array<i32>} : memref<128x128xf32, #tpu.memory_space<vmem>>, vector<1x16xf32>,
      %get3A_221 = vector.shape_cast %get3A_220 : vector<1x16xf32> to vector<16xf32>
      %mul3A_222 = arith.mulf %get3A_221, %div3A_178 : vector<16xf32>
      %swap3A_223 = arith.index_cast %scan3A_171 : i32 to index
      %swap3A_224 = arith.constant 64 : index
      %swap3A_225 = tpu.vector_load %arg15[%swap3A_223, %swap3A_224] {strides = array<i32>} : memref<128x128xf32, #tpu.memory_space<vmem>>, vector<1x16xf32>,
      %swap3A_226 = vector.shape_cast %swap3A_225 : vector<1x16xf32> to vector<16xf32>
      %swap3A_227 = vector.shape_cast %mul3A_222 : vector<16xf32> to vector<1x16xf32>
      tpu.vector_store %arg15[%swap3A_223, %swap3A_224], %swap3A_227 {strides = array<i32>} : memref<128x128xf32, #tpu.memory_space<vmem>>, vector<1x16xf32>,
      %get3A_228 = arith.index_cast %scan3A_171 : i32 to index
      %get3A_229 = arith.constant 80 : index
      %get3A_230 = tpu.vector_load %arg15[%get3A_228, %get3A_229] {strides = array<i32>} : memref<128x128xf32, #tpu.memory_space<vmem>>, vector<1x16xf32>,
      %get3A_231 = vector.shape_cast %get3A_230 : vector<1x16xf32> to vector<16xf32>
      %mul3A_232 = arith.mulf %get3A_231, %div3A_178 : vector<16xf32>
      %swap3A_233 = arith.index_cast %scan3A_171 : i32 to index
      %swap3A_234 = arith.constant 80 : index
      %swap3A_235 = tpu.vector_load %arg15[%swap3A_233, %swap3A_234] {strides = array<i32>} : memref<128x128xf32, #tpu.memory_space<vmem>>, vector<1x16xf32>,
      %swap3A_236 = vector.shape_cast %swap3A_235 : vector<1x16xf32> to vector<16xf32>
      %swap3A_237 = vector.shape_cast %mul3A_232 : vector<16xf32> to vector<1x16xf32>
      tpu.vector_store %arg15[%swap3A_233, %swap3A_234], %swap3A_237 {strides = array<i32>} : memref<128x128xf32, #tpu.memory_space<vmem>>, vector<1x16xf32>,
      %get3A_238 = arith.index_cast %scan3A_171 : i32 to index
      %get3A_239 = arith.constant 96 : index
      %get3A_240 = tpu.vector_load %arg15[%get3A_238, %get3A_239] {strides = array<i32>} : memref<128x128xf32, #tpu.memory_space<vmem>>, vector<1x16xf32>,
      %get3A_241 = vector.shape_cast %get3A_240 : vector<1x16xf32> to vector<16xf32>
      %mul3A_242 = arith.mulf %get3A_241, %div3A_178 : vector<16xf32>
      %swap3A_243 = arith.index_cast %scan3A_171 : i32 to index
      %swap3A_244 = arith.constant 96 : index
      %swap3A_245 = tpu.vector_load %arg15[%swap3A_243, %swap3A_244] {strides = array<i32>} : memref<128x128xf32, #tpu.memory_space<vmem>>, vector<1x16xf32>,
      %swap3A_246 = vector.shape_cast %swap3A_245 : vector<1x16xf32> to vector<16xf32>
      %swap3A_247 = vector.shape_cast %mul3A_242 : vector<16xf32> to vector<1x16xf32>
      tpu.vector_store %arg15[%swap3A_243, %swap3A_244], %swap3A_247 {strides = array<i32>} : memref<128x128xf32, #tpu.memory_space<vmem>>, vector<1x16xf32>,
      %get3A_248 = arith.index_cast %scan3A_171 : i32 to index
      %get3A_249 = arith.constant 112 : index
      %get3A_250 = tpu.vector_load %arg15[%get3A_248, %get3A_249] {strides = array<i32>} : memref<128x128xf32, #tpu.memory_space<vmem>>, vector<1x16xf32>,
      %get3A_251 = vector.shape_cast %get3A_250 : vector<1x16xf32> to vector<16xf32>
      %mul3A_252 = arith.mulf %get3A_251, %div3A_178 : vector<16xf32>
      %swap3A_253 = arith.index_cast %scan3A_171 : i32 to index
      %swap3A_254 = arith.constant 112 : index
      %swap3A_255 = tpu.vector_load %arg15[%swap3A_253, %swap3A_254] {strides = array<i32>} : memref<128x128xf32, #tpu.memory_space<vmem>>, vector<1x16xf32>,
      %swap3A_256 = vector.shape_cast %swap3A_255 : vector<1x16xf32> to vector<16xf32>
      %swap3A_257 = vector.shape_cast %mul3A_252 : vector<16xf32> to vector<1x16xf32>
      tpu.vector_store %arg15[%swap3A_253, %swap3A_254], %swap3A_257 {strides = array<i32>} : memref<128x128xf32, #tpu.memory_space<vmem>>, vector<1x16xf32>,
    }
    %scan3A_88 = arith.constant 128 : i32
    %eq3A_89 = arith.constant 0 : i32
    %eq3A_90 = arith.cmpi eq, %arg0, %eq3A_89 : i32
    %convert_element_type3A_91 = arith.extui %eq3A_90 : i1 to i32
    %cond3A_92 = arith.constant 0 : i32
    %cond3A_93 = arith.cmpi ne, %convert_element_type3A_91, %cond3A_92 : i32
    scf.if %cond3A_93 {
      %mul3A_171 = arith.constant 640 : i32
      %mul3A_172 = arith.muli %arg1, %mul3A_171 : i32
      %add3A_173 = arith.constant 128 : i32
      %add3A_174 = arith.addi %mul3A_172, %add3A_173 : i32
      "tpu.region"() ({
        %run_scoped3A = tpu.sem_alloc : memref<!tpu.dma_semaphore, #tpu.memory_space<semaphore_mem>>
        %dma_start3A = arith.constant 0 : i32
        %dma_start3A_175 = tpu.memref_slice %arg7[%add3A_174, %dma_start3A] : memref<10240x128xf32, #tpu.memory_space<hbm>> -> memref<128x128xf32, #tpu.memory_space<hbm>>
        %dma_start3A_176 = arith.constant 0 : i32
        %dma_start3A_177 = tpu.memref_slice %arg7[%add3A_174, %dma_start3A_176] : memref<10240x128xf32, #tpu.memory_space<hbm>> -> memref<128x128xf32, #tpu.memory_space<hbm>>
        tpu.enqueue_dma source(%arg15 : memref<128x128xf32, #tpu.memory_space<vmem>>) target(%dma_start3A_177 : memref<128x128xf32, #tpu.memory_space<hbm>>) target_semaphore(%run_scoped3A : memref<!tpu.dma_semaphore, #tpu.memory_space<semaphore_mem>>)
        %dma_wait3A = arith.constant 0 : i32
        %dma_wait3A_178 = tpu.memref_slice %arg7[%add3A_174, %dma_wait3A] : memref<10240x128xf32, #tpu.memory_space<hbm>> -> memref<128x128xf32, #tpu.memory_space<hbm>>
        %dma_wait3A_179 = arith.constant 0 : i32
        %dma_wait3A_180 = tpu.memref_slice %arg7[%add3A_174, %dma_wait3A_179] : memref<10240x128xf32, #tpu.memory_space<hbm>> -> memref<128x128xf32, #tpu.memory_space<hbm>>
        tpu.wait_dma2 semaphore(%run_scoped3A : memref<!tpu.dma_semaphore, #tpu.memory_space<semaphore_mem>>) src(%arg15 : memref<128x128xf32, #tpu.memory_space<vmem>>) dst(%dma_wait3A_180 : memref<128x128xf32, #tpu.memory_space<hbm>>)
        tpu.yield
      }) : () -> ()
    } else {
    }
    %eq3A_94 = arith.constant 1 : i32
    %eq3A_95 = arith.cmpi eq, %arg0, %eq3A_94 : i32
    %convert_element_type3A_96 = arith.extui %eq3A_95 : i1 to i32
    %cond3A_97 = arith.constant 0 : i32
    %cond3A_98 = arith.cmpi ne, %convert_element_type3A_96, %cond3A_97 : i32
    scf.if %cond3A_98 {
      %mul3A_171 = arith.constant 640 : i32
      %mul3A_172 = arith.muli %arg1, %mul3A_171 : i32
      %add3A_173 = arith.constant 128 : i32
      %add3A_174 = arith.addi %mul3A_172, %add3A_173 : i32
      "tpu.region"() ({
        %run_scoped3A = tpu.sem_alloc : memref<!tpu.dma_semaphore, #tpu.memory_space<semaphore_mem>>
        %dma_start3A = arith.constant 0 : i32
        %dma_start3A_175 = tpu.memref_slice %arg8[%add3A_174, %dma_start3A] : memref<10240x128xf32, #tpu.memory_space<hbm>> -> memref<128x128xf32, #tpu.memory_space<hbm>>
        %dma_start3A_176 = arith.constant 0 : i32
        %dma_start3A_177 = tpu.memref_slice %arg8[%add3A_174, %dma_start3A_176] : memref<10240x128xf32, #tpu.memory_space<hbm>> -> memref<128x128xf32, #tpu.memory_space<hbm>>
        tpu.enqueue_dma source(%arg15 : memref<128x128xf32, #tpu.memory_space<vmem>>) target(%dma_start3A_177 : memref<128x128xf32, #tpu.memory_space<hbm>>) target_semaphore(%run_scoped3A : memref<!tpu.dma_semaphore, #tpu.memory_space<semaphore_mem>>)
        %dma_wait3A = arith.constant 0 : i32
        %dma_wait3A_178 = tpu.memref_slice %arg8[%add3A_174, %dma_wait3A] : memref<10240x128xf32, #tpu.memory_space<hbm>> -> memref<128x128xf32, #tpu.memory_space<hbm>>
        %dma_wait3A_179 = arith.constant 0 : i32
        %dma_wait3A_180 = tpu.memref_slice %arg8[%add3A_174, %dma_wait3A_179] : memref<10240x128xf32, #tpu.memory_space<hbm>> -> memref<128x128xf32, #tpu.memory_space<hbm>>
        tpu.wait_dma2 semaphore(%run_scoped3A : memref<!tpu.dma_semaphore, #tpu.memory_space<semaphore_mem>>) src(%arg15 : memref<128x128xf32, #tpu.memory_space<vmem>>) dst(%dma_wait3A_180 : memref<128x128xf32, #tpu.memory_space<hbm>>)
        tpu.yield
      }) : () -> ()
    } else {
    }
    %mul3A_99 = arith.constant 640 : i32
    %mul3A_100 = arith.muli %arg1, %mul3A_99 : i32
    %add3A_101 = arith.constant 256 : i32
    %add3A_102 = arith.addi %mul3A_100, %add3A_101 : i32
    "tpu.region"() ({
      %run_scoped3A = tpu.sem_alloc : memref<!tpu.dma_semaphore, #tpu.memory_space<semaphore_mem>>
      %dma_start3A = arith.constant 0 : i32
      %dma_start3A_171 = tpu.memref_slice %arg9[%add3A_102, %dma_start3A] : memref<10240x128xf32, #tpu.memory_space<vmem_shared>> -> memref<128x128xf32, #tpu.memory_space<vmem_shared>>
      %dma_start3A_172 = arith.constant 0 : i32
      %dma_start3A_173 = tpu.memref_slice %arg9[%add3A_102, %dma_start3A_172] : memref<10240x128xf32, #tpu.memory_space<vmem_shared>> -> memref<128x128xf32, #tpu.memory_space<vmem_shared>>
      tpu.enqueue_dma source(%dma_start3A_173 : memref<128x128xf32, #tpu.memory_space<vmem_shared>>) target(%arg15 : memref<128x128xf32, #tpu.memory_space<vmem>>) target_semaphore(%run_scoped3A : memref<!tpu.dma_semaphore, #tpu.memory_space<semaphore_mem>>)
      %dma_wait3A = arith.constant 0 : i32
      %dma_wait3A_174 = tpu.memref_slice %arg9[%add3A_102, %dma_wait3A] : memref<10240x128xf32, #tpu.memory_space<vmem_shared>> -> memref<128x128xf32, #tpu.memory_space<vmem_shared>>
      %dma_wait3A_175 = arith.constant 0 : i32
      %dma_wait3A_176 = tpu.memref_slice %arg9[%add3A_102, %dma_wait3A_175] : memref<10240x128xf32, #tpu.memory_space<vmem_shared>> -> memref<128x128xf32, #tpu.memory_space<vmem_shared>>
      tpu.wait_dma2 semaphore(%run_scoped3A : memref<!tpu.dma_semaphore, #tpu.memory_space<semaphore_mem>>) src(%dma_wait3A_176 : memref<128x128xf32, #tpu.memory_space<vmem_shared>>) dst(%arg15 : memref<128x128xf32, #tpu.memory_space<vmem>>)
      tpu.yield
    }) : () -> ()
    %mul3A_103 = arith.constant 640 : i32
    %mul3A_104 = arith.muli %arg1, %mul3A_103 : i32
    %add3A_105 = arith.constant 256 : i32
    %add3A_106 = arith.addi %mul3A_104, %add3A_105 : i32
    "tpu.region"() ({
      %run_scoped3A = tpu.sem_alloc : memref<!tpu.dma_semaphore, #tpu.memory_space<semaphore_mem>>
      %dma_start3A = arith.constant 0 : i32
      %dma_start3A_171 = tpu.memref_slice %arg10[%add3A_106, %dma_start3A] : memref<10240x16xf32, #tpu.memory_space<vmem_shared>> -> memref<128x16xf32, #tpu.memory_space<vmem_shared>>
      %dma_start3A_172 = arith.constant 0 : i32
      %dma_start3A_173 = tpu.memref_slice %arg10[%add3A_106, %dma_start3A_172] : memref<10240x16xf32, #tpu.memory_space<vmem_shared>> -> memref<128x16xf32, #tpu.memory_space<vmem_shared>>
      tpu.enqueue_dma source(%dma_start3A_173 : memref<128x16xf32, #tpu.memory_space<vmem_shared>>) target(%arg18 : memref<128x16xf32, #tpu.memory_space<vmem>>) target_semaphore(%run_scoped3A : memref<!tpu.dma_semaphore, #tpu.memory_space<semaphore_mem>>)
      %dma_wait3A = arith.constant 0 : i32
      %dma_wait3A_174 = tpu.memref_slice %arg10[%add3A_106, %dma_wait3A] : memref<10240x16xf32, #tpu.memory_space<vmem_shared>> -> memref<128x16xf32, #tpu.memory_space<vmem_shared>>
      %dma_wait3A_175 = arith.constant 0 : i32
      %dma_wait3A_176 = tpu.memref_slice %arg10[%add3A_106, %dma_wait3A_175] : memref<10240x16xf32, #tpu.memory_space<vmem_shared>> -> memref<128x16xf32, #tpu.memory_space<vmem_shared>>
      tpu.wait_dma2 semaphore(%run_scoped3A : memref<!tpu.dma_semaphore, #tpu.memory_space<semaphore_mem>>) src(%dma_wait3A_176 : memref<128x16xf32, #tpu.memory_space<vmem_shared>>) dst(%arg18 : memref<128x16xf32, #tpu.memory_space<vmem>>)
      tpu.yield
    }) : () -> ()
    %scan3A_107 = arith.constant 0 : i32
    %scan3A_108 = arith.constant 0 : i32
    %scan3A_109 = arith.constant 128 : i32
    %scan3A_110 = arith.addi %scan3A_108, %scan3A_109 : i32
    %scan3A_111 = arith.constant 1 : i32
    scf.for %scan3A_171 = %scan3A_108 to %scan3A_110 step %scan3A_111  : i32 {
      %get3A = arith.index_cast %scan3A_171 : i32 to index
      %get3A_172 = arith.constant 0 : index
      %get3A_173 = tpu.vector_load %arg18[%get3A, %get3A_172] {strides = array<i32>} : memref<128x16xf32, #tpu.memory_space<vmem>>, vector<1x16xf32>,
      %get3A_174 = vector.shape_cast %get3A_173 : vector<1x16xf32> to vector<16xf32>
      %max3A = arith.constant 1.000000e+00 : f32
      %max3A_175 = vector.broadcast %max3A : f32 to vector<16xf32>
      %max3A_176 = arith.maximumf %get3A_174, %max3A_175 : vector<16xf32>
      %div3A = arith.constant 1.000000e+00 : f32
      %div3A_177 = vector.broadcast %div3A : f32 to vector<16xf32>
      %div3A_178 = arith.divf %div3A_177, %max3A_176 : vector<16xf32>
      %get3A_179 = arith.index_cast %scan3A_171 : i32 to index
      %get3A_180 = arith.constant 0 : index
      %get3A_181 = tpu.vector_load %arg15[%get3A_179, %get3A_180] {strides = array<i32>} : memref<128x128xf32, #tpu.memory_space<vmem>>, vector<1x16xf32>,
      %get3A_182 = vector.shape_cast %get3A_181 : vector<1x16xf32> to vector<16xf32>
      %mul3A_183 = arith.mulf %get3A_182, %div3A_178 : vector<16xf32>
      %swap3A = arith.index_cast %scan3A_171 : i32 to index
      %swap3A_184 = arith.constant 0 : index
      %swap3A_185 = tpu.vector_load %arg15[%swap3A, %swap3A_184] {strides = array<i32>} : memref<128x128xf32, #tpu.memory_space<vmem>>, vector<1x16xf32>,
      %swap3A_186 = vector.shape_cast %swap3A_185 : vector<1x16xf32> to vector<16xf32>
      %swap3A_187 = vector.shape_cast %mul3A_183 : vector<16xf32> to vector<1x16xf32>
      tpu.vector_store %arg15[%swap3A, %swap3A_184], %swap3A_187 {strides = array<i32>} : memref<128x128xf32, #tpu.memory_space<vmem>>, vector<1x16xf32>,
      %get3A_188 = arith.index_cast %scan3A_171 : i32 to index
      %get3A_189 = arith.constant 16 : index
      %get3A_190 = tpu.vector_load %arg15[%get3A_188, %get3A_189] {strides = array<i32>} : memref<128x128xf32, #tpu.memory_space<vmem>>, vector<1x16xf32>,
      %get3A_191 = vector.shape_cast %get3A_190 : vector<1x16xf32> to vector<16xf32>
      %mul3A_192 = arith.mulf %get3A_191, %div3A_178 : vector<16xf32>
      %swap3A_193 = arith.index_cast %scan3A_171 : i32 to index
      %swap3A_194 = arith.constant 16 : index
      %swap3A_195 = tpu.vector_load %arg15[%swap3A_193, %swap3A_194] {strides = array<i32>} : memref<128x128xf32, #tpu.memory_space<vmem>>, vector<1x16xf32>,
      %swap3A_196 = vector.shape_cast %swap3A_195 : vector<1x16xf32> to vector<16xf32>
      %swap3A_197 = vector.shape_cast %mul3A_192 : vector<16xf32> to vector<1x16xf32>
      tpu.vector_store %arg15[%swap3A_193, %swap3A_194], %swap3A_197 {strides = array<i32>} : memref<128x128xf32, #tpu.memory_space<vmem>>, vector<1x16xf32>,
      %get3A_198 = arith.index_cast %scan3A_171 : i32 to index
      %get3A_199 = arith.constant 32 : index
      %get3A_200 = tpu.vector_load %arg15[%get3A_198, %get3A_199] {strides = array<i32>} : memref<128x128xf32, #tpu.memory_space<vmem>>, vector<1x16xf32>,
      %get3A_201 = vector.shape_cast %get3A_200 : vector<1x16xf32> to vector<16xf32>
      %mul3A_202 = arith.mulf %get3A_201, %div3A_178 : vector<16xf32>
      %swap3A_203 = arith.index_cast %scan3A_171 : i32 to index
      %swap3A_204 = arith.constant 32 : index
      %swap3A_205 = tpu.vector_load %arg15[%swap3A_203, %swap3A_204] {strides = array<i32>} : memref<128x128xf32, #tpu.memory_space<vmem>>, vector<1x16xf32>,
      %swap3A_206 = vector.shape_cast %swap3A_205 : vector<1x16xf32> to vector<16xf32>
      %swap3A_207 = vector.shape_cast %mul3A_202 : vector<16xf32> to vector<1x16xf32>
      tpu.vector_store %arg15[%swap3A_203, %swap3A_204], %swap3A_207 {strides = array<i32>} : memref<128x128xf32, #tpu.memory_space<vmem>>, vector<1x16xf32>,
      %get3A_208 = arith.index_cast %scan3A_171 : i32 to index
      %get3A_209 = arith.constant 48 : index
      %get3A_210 = tpu.vector_load %arg15[%get3A_208, %get3A_209] {strides = array<i32>} : memref<128x128xf32, #tpu.memory_space<vmem>>, vector<1x16xf32>,
      %get3A_211 = vector.shape_cast %get3A_210 : vector<1x16xf32> to vector<16xf32>
      %mul3A_212 = arith.mulf %get3A_211, %div3A_178 : vector<16xf32>
      %swap3A_213 = arith.index_cast %scan3A_171 : i32 to index
      %swap3A_214 = arith.constant 48 : index
      %swap3A_215 = tpu.vector_load %arg15[%swap3A_213, %swap3A_214] {strides = array<i32>} : memref<128x128xf32, #tpu.memory_space<vmem>>, vector<1x16xf32>,
      %swap3A_216 = vector.shape_cast %swap3A_215 : vector<1x16xf32> to vector<16xf32>
      %swap3A_217 = vector.shape_cast %mul3A_212 : vector<16xf32> to vector<1x16xf32>
      tpu.vector_store %arg15[%swap3A_213, %swap3A_214], %swap3A_217 {strides = array<i32>} : memref<128x128xf32, #tpu.memory_space<vmem>>, vector<1x16xf32>,
      %get3A_218 = arith.index_cast %scan3A_171 : i32 to index
      %get3A_219 = arith.constant 64 : index
      %get3A_220 = tpu.vector_load %arg15[%get3A_218, %get3A_219] {strides = array<i32>} : memref<128x128xf32, #tpu.memory_space<vmem>>, vector<1x16xf32>,
      %get3A_221 = vector.shape_cast %get3A_220 : vector<1x16xf32> to vector<16xf32>
      %mul3A_222 = arith.mulf %get3A_221, %div3A_178 : vector<16xf32>
      %swap3A_223 = arith.index_cast %scan3A_171 : i32 to index
      %swap3A_224 = arith.constant 64 : index
      %swap3A_225 = tpu.vector_load %arg15[%swap3A_223, %swap3A_224] {strides = array<i32>} : memref<128x128xf32, #tpu.memory_space<vmem>>, vector<1x16xf32>,
      %swap3A_226 = vector.shape_cast %swap3A_225 : vector<1x16xf32> to vector<16xf32>
      %swap3A_227 = vector.shape_cast %mul3A_222 : vector<16xf32> to vector<1x16xf32>
      tpu.vector_store %arg15[%swap3A_223, %swap3A_224], %swap3A_227 {strides = array<i32>} : memref<128x128xf32, #tpu.memory_space<vmem>>, vector<1x16xf32>,
      %get3A_228 = arith.index_cast %scan3A_171 : i32 to index
      %get3A_229 = arith.constant 80 : index
      %get3A_230 = tpu.vector_load %arg15[%get3A_228, %get3A_229] {strides = array<i32>} : memref<128x128xf32, #tpu.memory_space<vmem>>, vector<1x16xf32>,
      %get3A_231 = vector.shape_cast %get3A_230 : vector<1x16xf32> to vector<16xf32>
      %mul3A_232 = arith.mulf %get3A_231, %div3A_178 : vector<16xf32>
      %swap3A_233 = arith.index_cast %scan3A_171 : i32 to index
      %swap3A_234 = arith.constant 80 : index
      %swap3A_235 = tpu.vector_load %arg15[%swap3A_233, %swap3A_234] {strides = array<i32>} : memref<128x128xf32, #tpu.memory_space<vmem>>, vector<1x16xf32>,
      %swap3A_236 = vector.shape_cast %swap3A_235 : vector<1x16xf32> to vector<16xf32>
      %swap3A_237 = vector.shape_cast %mul3A_232 : vector<16xf32> to vector<1x16xf32>
      tpu.vector_store %arg15[%swap3A_233, %swap3A_234], %swap3A_237 {strides = array<i32>} : memref<128x128xf32, #tpu.memory_space<vmem>>, vector<1x16xf32>,
      %get3A_238 = arith.index_cast %scan3A_171 : i32 to index
      %get3A_239 = arith.constant 96 : index
      %get3A_240 = tpu.vector_load %arg15[%get3A_238, %get3A_239] {strides = array<i32>} : memref<128x128xf32, #tpu.memory_space<vmem>>, vector<1x16xf32>,
      %get3A_241 = vector.shape_cast %get3A_240 : vector<1x16xf32> to vector<16xf32>
      %mul3A_242 = arith.mulf %get3A_241, %div3A_178 : vector<16xf32>
      %swap3A_243 = arith.index_cast %scan3A_171 : i32 to index
      %swap3A_244 = arith.constant 96 : index
      %swap3A_245 = tpu.vector_load %arg15[%swap3A_243, %swap3A_244] {strides = array<i32>} : memref<128x128xf32, #tpu.memory_space<vmem>>, vector<1x16xf32>,
      %swap3A_246 = vector.shape_cast %swap3A_245 : vector<1x16xf32> to vector<16xf32>
      %swap3A_247 = vector.shape_cast %mul3A_242 : vector<16xf32> to vector<1x16xf32>
      tpu.vector_store %arg15[%swap3A_243, %swap3A_244], %swap3A_247 {strides = array<i32>} : memref<128x128xf32, #tpu.memory_space<vmem>>, vector<1x16xf32>,
      %get3A_248 = arith.index_cast %scan3A_171 : i32 to index
      %get3A_249 = arith.constant 112 : index
      %get3A_250 = tpu.vector_load %arg15[%get3A_248, %get3A_249] {strides = array<i32>} : memref<128x128xf32, #tpu.memory_space<vmem>>, vector<1x16xf32>,
      %get3A_251 = vector.shape_cast %get3A_250 : vector<1x16xf32> to vector<16xf32>
      %mul3A_252 = arith.mulf %get3A_251, %div3A_178 : vector<16xf32>
      %swap3A_253 = arith.index_cast %scan3A_171 : i32 to index
      %swap3A_254 = arith.constant 112 : index
      %swap3A_255 = tpu.vector_load %arg15[%swap3A_253, %swap3A_254] {strides = array<i32>} : memref<128x128xf32, #tpu.memory_space<vmem>>, vector<1x16xf32>,
      %swap3A_256 = vector.shape_cast %swap3A_255 : vector<1x16xf32> to vector<16xf32>
      %swap3A_257 = vector.shape_cast %mul3A_252 : vector<16xf32> to vector<1x16xf32>
      tpu.vector_store %arg15[%swap3A_253, %swap3A_254], %swap3A_257 {strides = array<i32>} : memref<128x128xf32, #tpu.memory_space<vmem>>, vector<1x16xf32>,
    }
    %scan3A_112 = arith.constant 128 : i32
    %eq3A_113 = arith.constant 0 : i32
    %eq3A_114 = arith.cmpi eq, %arg0, %eq3A_113 : i32
    %convert_element_type3A_115 = arith.extui %eq3A_114 : i1 to i32
    %cond3A_116 = arith.constant 0 : i32
    %cond3A_117 = arith.cmpi ne, %convert_element_type3A_115, %cond3A_116 : i32
    scf.if %cond3A_117 {
      %mul3A_171 = arith.constant 640 : i32
      %mul3A_172 = arith.muli %arg1, %mul3A_171 : i32
      %add3A_173 = arith.constant 256 : i32
      %add3A_174 = arith.addi %mul3A_172, %add3A_173 : i32
      "tpu.region"() ({
        %run_scoped3A = tpu.sem_alloc : memref<!tpu.dma_semaphore, #tpu.memory_space<semaphore_mem>>
        %dma_start3A = arith.constant 0 : i32
        %dma_start3A_175 = tpu.memref_slice %arg7[%add3A_174, %dma_start3A] : memref<10240x128xf32, #tpu.memory_space<hbm>> -> memref<128x128xf32, #tpu.memory_space<hbm>>
        %dma_start3A_176 = arith.constant 0 : i32
        %dma_start3A_177 = tpu.memref_slice %arg7[%add3A_174, %dma_start3A_176] : memref<10240x128xf32, #tpu.memory_space<hbm>> -> memref<128x128xf32, #tpu.memory_space<hbm>>
        tpu.enqueue_dma source(%arg15 : memref<128x128xf32, #tpu.memory_space<vmem>>) target(%dma_start3A_177 : memref<128x128xf32, #tpu.memory_space<hbm>>) target_semaphore(%run_scoped3A : memref<!tpu.dma_semaphore, #tpu.memory_space<semaphore_mem>>)
        %dma_wait3A = arith.constant 0 : i32
        %dma_wait3A_178 = tpu.memref_slice %arg7[%add3A_174, %dma_wait3A] : memref<10240x128xf32, #tpu.memory_space<hbm>> -> memref<128x128xf32, #tpu.memory_space<hbm>>
        %dma_wait3A_179 = arith.constant 0 : i32
        %dma_wait3A_180 = tpu.memref_slice %arg7[%add3A_174, %dma_wait3A_179] : memref<10240x128xf32, #tpu.memory_space<hbm>> -> memref<128x128xf32, #tpu.memory_space<hbm>>
        tpu.wait_dma2 semaphore(%run_scoped3A : memref<!tpu.dma_semaphore, #tpu.memory_space<semaphore_mem>>) src(%arg15 : memref<128x128xf32, #tpu.memory_space<vmem>>) dst(%dma_wait3A_180 : memref<128x128xf32, #tpu.memory_space<hbm>>)
        tpu.yield
      }) : () -> ()
    } else {
    }
    %eq3A_118 = arith.constant 1 : i32
    %eq3A_119 = arith.cmpi eq, %arg0, %eq3A_118 : i32
    %convert_element_type3A_120 = arith.extui %eq3A_119 : i1 to i32
    %cond3A_121 = arith.constant 0 : i32
    %cond3A_122 = arith.cmpi ne, %convert_element_type3A_120, %cond3A_121 : i32
    scf.if %cond3A_122 {
      %mul3A_171 = arith.constant 640 : i32
      %mul3A_172 = arith.muli %arg1, %mul3A_171 : i32
      %add3A_173 = arith.constant 256 : i32
      %add3A_174 = arith.addi %mul3A_172, %add3A_173 : i32
      "tpu.region"() ({
        %run_scoped3A = tpu.sem_alloc : memref<!tpu.dma_semaphore, #tpu.memory_space<semaphore_mem>>
        %dma_start3A = arith.constant 0 : i32
        %dma_start3A_175 = tpu.memref_slice %arg8[%add3A_174, %dma_start3A] : memref<10240x128xf32, #tpu.memory_space<hbm>> -> memref<128x128xf32, #tpu.memory_space<hbm>>
        %dma_start3A_176 = arith.constant 0 : i32
        %dma_start3A_177 = tpu.memref_slice %arg8[%add3A_174, %dma_start3A_176] : memref<10240x128xf32, #tpu.memory_space<hbm>> -> memref<128x128xf32, #tpu.memory_space<hbm>>
        tpu.enqueue_dma source(%arg15 : memref<128x128xf32, #tpu.memory_space<vmem>>) target(%dma_start3A_177 : memref<128x128xf32, #tpu.memory_space<hbm>>) target_semaphore(%run_scoped3A : memref<!tpu.dma_semaphore, #tpu.memory_space<semaphore_mem>>)
        %dma_wait3A = arith.constant 0 : i32
        %dma_wait3A_178 = tpu.memref_slice %arg8[%add3A_174, %dma_wait3A] : memref<10240x128xf32, #tpu.memory_space<hbm>> -> memref<128x128xf32, #tpu.memory_space<hbm>>
        %dma_wait3A_179 = arith.constant 0 : i32
        %dma_wait3A_180 = tpu.memref_slice %arg8[%add3A_174, %dma_wait3A_179] : memref<10240x128xf32, #tpu.memory_space<hbm>> -> memref<128x128xf32, #tpu.memory_space<hbm>>
        tpu.wait_dma2 semaphore(%run_scoped3A : memref<!tpu.dma_semaphore, #tpu.memory_space<semaphore_mem>>) src(%arg15 : memref<128x128xf32, #tpu.memory_space<vmem>>) dst(%dma_wait3A_180 : memref<128x128xf32, #tpu.memory_space<hbm>>)
        tpu.yield
      }) : () -> ()
    } else {
    }
    %mul3A_123 = arith.constant 640 : i32
    %mul3A_124 = arith.muli %arg1, %mul3A_123 : i32
    %add3A_125 = arith.constant 384 : i32
    %add3A_126 = arith.addi %mul3A_124, %add3A_125 : i32
    "tpu.region"() ({
      %run_scoped3A = tpu.sem_alloc : memref<!tpu.dma_semaphore, #tpu.memory_space<semaphore_mem>>
      %dma_start3A = arith.constant 0 : i32
      %dma_start3A_171 = tpu.memref_slice %arg9[%add3A_126, %dma_start3A] : memref<10240x128xf32, #tpu.memory_space<vmem_shared>> -> memref<128x128xf32, #tpu.memory_space<vmem_shared>>
      %dma_start3A_172 = arith.constant 0 : i32
      %dma_start3A_173 = tpu.memref_slice %arg9[%add3A_126, %dma_start3A_172] : memref<10240x128xf32, #tpu.memory_space<vmem_shared>> -> memref<128x128xf32, #tpu.memory_space<vmem_shared>>
      tpu.enqueue_dma source(%dma_start3A_173 : memref<128x128xf32, #tpu.memory_space<vmem_shared>>) target(%arg15 : memref<128x128xf32, #tpu.memory_space<vmem>>) target_semaphore(%run_scoped3A : memref<!tpu.dma_semaphore, #tpu.memory_space<semaphore_mem>>)
      %dma_wait3A = arith.constant 0 : i32
      %dma_wait3A_174 = tpu.memref_slice %arg9[%add3A_126, %dma_wait3A] : memref<10240x128xf32, #tpu.memory_space<vmem_shared>> -> memref<128x128xf32, #tpu.memory_space<vmem_shared>>
      %dma_wait3A_175 = arith.constant 0 : i32
      %dma_wait3A_176 = tpu.memref_slice %arg9[%add3A_126, %dma_wait3A_175] : memref<10240x128xf32, #tpu.memory_space<vmem_shared>> -> memref<128x128xf32, #tpu.memory_space<vmem_shared>>
      tpu.wait_dma2 semaphore(%run_scoped3A : memref<!tpu.dma_semaphore, #tpu.memory_space<semaphore_mem>>) src(%dma_wait3A_176 : memref<128x128xf32, #tpu.memory_space<vmem_shared>>) dst(%arg15 : memref<128x128xf32, #tpu.memory_space<vmem>>)
      tpu.yield
    }) : () -> ()
    %mul3A_127 = arith.constant 640 : i32
    %mul3A_128 = arith.muli %arg1, %mul3A_127 : i32
    %add3A_129 = arith.constant 384 : i32
    %add3A_130 = arith.addi %mul3A_128, %add3A_129 : i32
    "tpu.region"() ({
      %run_scoped3A = tpu.sem_alloc : memref<!tpu.dma_semaphore, #tpu.memory_space<semaphore_mem>>
      %dma_start3A = arith.constant 0 : i32
      %dma_start3A_171 = tpu.memref_slice %arg10[%add3A_130, %dma_start3A] : memref<10240x16xf32, #tpu.memory_space<vmem_shared>> -> memref<128x16xf32, #tpu.memory_space<vmem_shared>>
      %dma_start3A_172 = arith.constant 0 : i32
      %dma_start3A_173 = tpu.memref_slice %arg10[%add3A_130, %dma_start3A_172] : memref<10240x16xf32, #tpu.memory_space<vmem_shared>> -> memref<128x16xf32, #tpu.memory_space<vmem_shared>>
      tpu.enqueue_dma source(%dma_start3A_173 : memref<128x16xf32, #tpu.memory_space<vmem_shared>>) target(%arg18 : memref<128x16xf32, #tpu.memory_space<vmem>>) target_semaphore(%run_scoped3A : memref<!tpu.dma_semaphore, #tpu.memory_space<semaphore_mem>>)
      %dma_wait3A = arith.constant 0 : i32
      %dma_wait3A_174 = tpu.memref_slice %arg10[%add3A_130, %dma_wait3A] : memref<10240x16xf32, #tpu.memory_space<vmem_shared>> -> memref<128x16xf32, #tpu.memory_space<vmem_shared>>
      %dma_wait3A_175 = arith.constant 0 : i32
      %dma_wait3A_176 = tpu.memref_slice %arg10[%add3A_130, %dma_wait3A_175] : memref<10240x16xf32, #tpu.memory_space<vmem_shared>> -> memref<128x16xf32, #tpu.memory_space<vmem_shared>>
      tpu.wait_dma2 semaphore(%run_scoped3A : memref<!tpu.dma_semaphore, #tpu.memory_space<semaphore_mem>>) src(%dma_wait3A_176 : memref<128x16xf32, #tpu.memory_space<vmem_shared>>) dst(%arg18 : memref<128x16xf32, #tpu.memory_space<vmem>>)
      tpu.yield
    }) : () -> ()
    %scan3A_131 = arith.constant 0 : i32
    %scan3A_132 = arith.constant 0 : i32
    %scan3A_133 = arith.constant 128 : i32
    %scan3A_134 = arith.addi %scan3A_132, %scan3A_133 : i32
    %scan3A_135 = arith.constant 1 : i32
    scf.for %scan3A_171 = %scan3A_132 to %scan3A_134 step %scan3A_135  : i32 {
      %get3A = arith.index_cast %scan3A_171 : i32 to index
      %get3A_172 = arith.constant 0 : index
      %get3A_173 = tpu.vector_load %arg18[%get3A, %get3A_172] {strides = array<i32>} : memref<128x16xf32, #tpu.memory_space<vmem>>, vector<1x16xf32>,
      %get3A_174 = vector.shape_cast %get3A_173 : vector<1x16xf32> to vector<16xf32>
      %max3A = arith.constant 1.000000e+00 : f32
      %max3A_175 = vector.broadcast %max3A : f32 to vector<16xf32>
      %max3A_176 = arith.maximumf %get3A_174, %max3A_175 : vector<16xf32>
      %div3A = arith.constant 1.000000e+00 : f32
      %div3A_177 = vector.broadcast %div3A : f32 to vector<16xf32>
      %div3A_178 = arith.divf %div3A_177, %max3A_176 : vector<16xf32>
      %get3A_179 = arith.index_cast %scan3A_171 : i32 to index
      %get3A_180 = arith.constant 0 : index
      %get3A_181 = tpu.vector_load %arg15[%get3A_179, %get3A_180] {strides = array<i32>} : memref<128x128xf32, #tpu.memory_space<vmem>>, vector<1x16xf32>,
      %get3A_182 = vector.shape_cast %get3A_181 : vector<1x16xf32> to vector<16xf32>
      %mul3A_183 = arith.mulf %get3A_182, %div3A_178 : vector<16xf32>
      %swap3A = arith.index_cast %scan3A_171 : i32 to index
      %swap3A_184 = arith.constant 0 : index
      %swap3A_185 = tpu.vector_load %arg15[%swap3A, %swap3A_184] {strides = array<i32>} : memref<128x128xf32, #tpu.memory_space<vmem>>, vector<1x16xf32>,
      %swap3A_186 = vector.shape_cast %swap3A_185 : vector<1x16xf32> to vector<16xf32>
      %swap3A_187 = vector.shape_cast %mul3A_183 : vector<16xf32> to vector<1x16xf32>
      tpu.vector_store %arg15[%swap3A, %swap3A_184], %swap3A_187 {strides = array<i32>} : memref<128x128xf32, #tpu.memory_space<vmem>>, vector<1x16xf32>,
      %get3A_188 = arith.index_cast %scan3A_171 : i32 to index
      %get3A_189 = arith.constant 16 : index
      %get3A_190 = tpu.vector_load %arg15[%get3A_188, %get3A_189] {strides = array<i32>} : memref<128x128xf32, #tpu.memory_space<vmem>>, vector<1x16xf32>,
      %get3A_191 = vector.shape_cast %get3A_190 : vector<1x16xf32> to vector<16xf32>
      %mul3A_192 = arith.mulf %get3A_191, %div3A_178 : vector<16xf32>
      %swap3A_193 = arith.index_cast %scan3A_171 : i32 to index
      %swap3A_194 = arith.constant 16 : index
      %swap3A_195 = tpu.vector_load %arg15[%swap3A_193, %swap3A_194] {strides = array<i32>} : memref<128x128xf32, #tpu.memory_space<vmem>>, vector<1x16xf32>,
      %swap3A_196 = vector.shape_cast %swap3A_195 : vector<1x16xf32> to vector<16xf32>
      %swap3A_197 = vector.shape_cast %mul3A_192 : vector<16xf32> to vector<1x16xf32>
      tpu.vector_store %arg15[%swap3A_193, %swap3A_194], %swap3A_197 {strides = array<i32>} : memref<128x128xf32, #tpu.memory_space<vmem>>, vector<1x16xf32>,
      %get3A_198 = arith.index_cast %scan3A_171 : i32 to index
      %get3A_199 = arith.constant 32 : index
      %get3A_200 = tpu.vector_load %arg15[%get3A_198, %get3A_199] {strides = array<i32>} : memref<128x128xf32, #tpu.memory_space<vmem>>, vector<1x16xf32>,
      %get3A_201 = vector.shape_cast %get3A_200 : vector<1x16xf32> to vector<16xf32>
      %mul3A_202 = arith.mulf %get3A_201, %div3A_178 : vector<16xf32>
      %swap3A_203 = arith.index_cast %scan3A_171 : i32 to index
      %swap3A_204 = arith.constant 32 : index
      %swap3A_205 = tpu.vector_load %arg15[%swap3A_203, %swap3A_204] {strides = array<i32>} : memref<128x128xf32, #tpu.memory_space<vmem>>, vector<1x16xf32>,
      %swap3A_206 = vector.shape_cast %swap3A_205 : vector<1x16xf32> to vector<16xf32>
      %swap3A_207 = vector.shape_cast %mul3A_202 : vector<16xf32> to vector<1x16xf32>
      tpu.vector_store %arg15[%swap3A_203, %swap3A_204], %swap3A_207 {strides = array<i32>} : memref<128x128xf32, #tpu.memory_space<vmem>>, vector<1x16xf32>,
      %get3A_208 = arith.index_cast %scan3A_171 : i32 to index
      %get3A_209 = arith.constant 48 : index
      %get3A_210 = tpu.vector_load %arg15[%get3A_208, %get3A_209] {strides = array<i32>} : memref<128x128xf32, #tpu.memory_space<vmem>>, vector<1x16xf32>,
      %get3A_211 = vector.shape_cast %get3A_210 : vector<1x16xf32> to vector<16xf32>
      %mul3A_212 = arith.mulf %get3A_211, %div3A_178 : vector<16xf32>
      %swap3A_213 = arith.index_cast %scan3A_171 : i32 to index
      %swap3A_214 = arith.constant 48 : index
      %swap3A_215 = tpu.vector_load %arg15[%swap3A_213, %swap3A_214] {strides = array<i32>} : memref<128x128xf32, #tpu.memory_space<vmem>>, vector<1x16xf32>,
      %swap3A_216 = vector.shape_cast %swap3A_215 : vector<1x16xf32> to vector<16xf32>
      %swap3A_217 = vector.shape_cast %mul3A_212 : vector<16xf32> to vector<1x16xf32>
      tpu.vector_store %arg15[%swap3A_213, %swap3A_214], %swap3A_217 {strides = array<i32>} : memref<128x128xf32, #tpu.memory_space<vmem>>, vector<1x16xf32>,
      %get3A_218 = arith.index_cast %scan3A_171 : i32 to index
      %get3A_219 = arith.constant 64 : index
      %get3A_220 = tpu.vector_load %arg15[%get3A_218, %get3A_219] {strides = array<i32>} : memref<128x128xf32, #tpu.memory_space<vmem>>, vector<1x16xf32>,
      %get3A_221 = vector.shape_cast %get3A_220 : vector<1x16xf32> to vector<16xf32>
      %mul3A_222 = arith.mulf %get3A_221, %div3A_178 : vector<16xf32>
      %swap3A_223 = arith.index_cast %scan3A_171 : i32 to index
      %swap3A_224 = arith.constant 64 : index
      %swap3A_225 = tpu.vector_load %arg15[%swap3A_223, %swap3A_224] {strides = array<i32>} : memref<128x128xf32, #tpu.memory_space<vmem>>, vector<1x16xf32>,
      %swap3A_226 = vector.shape_cast %swap3A_225 : vector<1x16xf32> to vector<16xf32>
      %swap3A_227 = vector.shape_cast %mul3A_222 : vector<16xf32> to vector<1x16xf32>
      tpu.vector_store %arg15[%swap3A_223, %swap3A_224], %swap3A_227 {strides = array<i32>} : memref<128x128xf32, #tpu.memory_space<vmem>>, vector<1x16xf32>,
      %get3A_228 = arith.index_cast %scan3A_171 : i32 to index
      %get3A_229 = arith.constant 80 : index
      %get3A_230 = tpu.vector_load %arg15[%get3A_228, %get3A_229] {strides = array<i32>} : memref<128x128xf32, #tpu.memory_space<vmem>>, vector<1x16xf32>,
      %get3A_231 = vector.shape_cast %get3A_230 : vector<1x16xf32> to vector<16xf32>
      %mul3A_232 = arith.mulf %get3A_231, %div3A_178 : vector<16xf32>
      %swap3A_233 = arith.index_cast %scan3A_171 : i32 to index
      %swap3A_234 = arith.constant 80 : index
      %swap3A_235 = tpu.vector_load %arg15[%swap3A_233, %swap3A_234] {strides = array<i32>} : memref<128x128xf32, #tpu.memory_space<vmem>>, vector<1x16xf32>,
      %swap3A_236 = vector.shape_cast %swap3A_235 : vector<1x16xf32> to vector<16xf32>
      %swap3A_237 = vector.shape_cast %mul3A_232 : vector<16xf32> to vector<1x16xf32>
      tpu.vector_store %arg15[%swap3A_233, %swap3A_234], %swap3A_237 {strides = array<i32>} : memref<128x128xf32, #tpu.memory_space<vmem>>, vector<1x16xf32>,
      %get3A_238 = arith.index_cast %scan3A_171 : i32 to index
      %get3A_239 = arith.constant 96 : index
      %get3A_240 = tpu.vector_load %arg15[%get3A_238, %get3A_239] {strides = array<i32>} : memref<128x128xf32, #tpu.memory_space<vmem>>, vector<1x16xf32>,
      %get3A_241 = vector.shape_cast %get3A_240 : vector<1x16xf32> to vector<16xf32>
      %mul3A_242 = arith.mulf %get3A_241, %div3A_178 : vector<16xf32>
      %swap3A_243 = arith.index_cast %scan3A_171 : i32 to index
      %swap3A_244 = arith.constant 96 : index
      %swap3A_245 = tpu.vector_load %arg15[%swap3A_243, %swap3A_244] {strides = array<i32>} : memref<128x128xf32, #tpu.memory_space<vmem>>, vector<1x16xf32>,
      %swap3A_246 = vector.shape_cast %swap3A_245 : vector<1x16xf32> to vector<16xf32>
      %swap3A_247 = vector.shape_cast %mul3A_242 : vector<16xf32> to vector<1x16xf32>
      tpu.vector_store %arg15[%swap3A_243, %swap3A_244], %swap3A_247 {strides = array<i32>} : memref<128x128xf32, #tpu.memory_space<vmem>>, vector<1x16xf32>,
      %get3A_248 = arith.index_cast %scan3A_171 : i32 to index
      %get3A_249 = arith.constant 112 : index
      %get3A_250 = tpu.vector_load %arg15[%get3A_248, %get3A_249] {strides = array<i32>} : memref<128x128xf32, #tpu.memory_space<vmem>>, vector<1x16xf32>,
      %get3A_251 = vector.shape_cast %get3A_250 : vector<1x16xf32> to vector<16xf32>
      %mul3A_252 = arith.mulf %get3A_251, %div3A_178 : vector<16xf32>
      %swap3A_253 = arith.index_cast %scan3A_171 : i32 to index
      %swap3A_254 = arith.constant 112 : index
      %swap3A_255 = tpu.vector_load %arg15[%swap3A_253, %swap3A_254] {strides = array<i32>} : memref<128x128xf32, #tpu.memory_space<vmem>>, vector<1x16xf32>,
      %swap3A_256 = vector.shape_cast %swap3A_255 : vector<1x16xf32> to vector<16xf32>
      %swap3A_257 = vector.shape_cast %mul3A_252 : vector<16xf32> to vector<1x16xf32>
      tpu.vector_store %arg15[%swap3A_253, %swap3A_254], %swap3A_257 {strides = array<i32>} : memref<128x128xf32, #tpu.memory_space<vmem>>, vector<1x16xf32>,
    }
    %scan3A_136 = arith.constant 128 : i32
    %eq3A_137 = arith.constant 0 : i32
    %eq3A_138 = arith.cmpi eq, %arg0, %eq3A_137 : i32
    %convert_element_type3A_139 = arith.extui %eq3A_138 : i1 to i32
    %cond3A_140 = arith.constant 0 : i32
    %cond3A_141 = arith.cmpi ne, %convert_element_type3A_139, %cond3A_140 : i32
    scf.if %cond3A_141 {
      %mul3A_171 = arith.constant 640 : i32
      %mul3A_172 = arith.muli %arg1, %mul3A_171 : i32
      %add3A_173 = arith.constant 384 : i32
      %add3A_174 = arith.addi %mul3A_172, %add3A_173 : i32
      "tpu.region"() ({
        %run_scoped3A = tpu.sem_alloc : memref<!tpu.dma_semaphore, #tpu.memory_space<semaphore_mem>>
        %dma_start3A = arith.constant 0 : i32
        %dma_start3A_175 = tpu.memref_slice %arg7[%add3A_174, %dma_start3A] : memref<10240x128xf32, #tpu.memory_space<hbm>> -> memref<128x128xf32, #tpu.memory_space<hbm>>
        %dma_start3A_176 = arith.constant 0 : i32
        %dma_start3A_177 = tpu.memref_slice %arg7[%add3A_174, %dma_start3A_176] : memref<10240x128xf32, #tpu.memory_space<hbm>> -> memref<128x128xf32, #tpu.memory_space<hbm>>
        tpu.enqueue_dma source(%arg15 : memref<128x128xf32, #tpu.memory_space<vmem>>) target(%dma_start3A_177 : memref<128x128xf32, #tpu.memory_space<hbm>>) target_semaphore(%run_scoped3A : memref<!tpu.dma_semaphore, #tpu.memory_space<semaphore_mem>>)
        %dma_wait3A = arith.constant 0 : i32
        %dma_wait3A_178 = tpu.memref_slice %arg7[%add3A_174, %dma_wait3A] : memref<10240x128xf32, #tpu.memory_space<hbm>> -> memref<128x128xf32, #tpu.memory_space<hbm>>
        %dma_wait3A_179 = arith.constant 0 : i32
        %dma_wait3A_180 = tpu.memref_slice %arg7[%add3A_174, %dma_wait3A_179] : memref<10240x128xf32, #tpu.memory_space<hbm>> -> memref<128x128xf32, #tpu.memory_space<hbm>>
        tpu.wait_dma2 semaphore(%run_scoped3A : memref<!tpu.dma_semaphore, #tpu.memory_space<semaphore_mem>>) src(%arg15 : memref<128x128xf32, #tpu.memory_space<vmem>>) dst(%dma_wait3A_180 : memref<128x128xf32, #tpu.memory_space<hbm>>)
        tpu.yield
      }) : () -> ()
    } else {
    }
    %eq3A_142 = arith.constant 1 : i32
    %eq3A_143 = arith.cmpi eq, %arg0, %eq3A_142 : i32
    %convert_element_type3A_144 = arith.extui %eq3A_143 : i1 to i32
    %cond3A_145 = arith.constant 0 : i32
    %cond3A_146 = arith.cmpi ne, %convert_element_type3A_144, %cond3A_145 : i32
    scf.if %cond3A_146 {
      %mul3A_171 = arith.constant 640 : i32
      %mul3A_172 = arith.muli %arg1, %mul3A_171 : i32
      %add3A_173 = arith.constant 384 : i32
      %add3A_174 = arith.addi %mul3A_172, %add3A_173 : i32
      "tpu.region"() ({
        %run_scoped3A = tpu.sem_alloc : memref<!tpu.dma_semaphore, #tpu.memory_space<semaphore_mem>>
        %dma_start3A = arith.constant 0 : i32
        %dma_start3A_175 = tpu.memref_slice %arg8[%add3A_174, %dma_start3A] : memref<10240x128xf32, #tpu.memory_space<hbm>> -> memref<128x128xf32, #tpu.memory_space<hbm>>
        %dma_start3A_176 = arith.constant 0 : i32
        %dma_start3A_177 = tpu.memref_slice %arg8[%add3A_174, %dma_start3A_176] : memref<10240x128xf32, #tpu.memory_space<hbm>> -> memref<128x128xf32, #tpu.memory_space<hbm>>
        tpu.enqueue_dma source(%arg15 : memref<128x128xf32, #tpu.memory_space<vmem>>) target(%dma_start3A_177 : memref<128x128xf32, #tpu.memory_space<hbm>>) target_semaphore(%run_scoped3A : memref<!tpu.dma_semaphore, #tpu.memory_space<semaphore_mem>>)
        %dma_wait3A = arith.constant 0 : i32
        %dma_wait3A_178 = tpu.memref_slice %arg8[%add3A_174, %dma_wait3A] : memref<10240x128xf32, #tpu.memory_space<hbm>> -> memref<128x128xf32, #tpu.memory_space<hbm>>
        %dma_wait3A_179 = arith.constant 0 : i32
        %dma_wait3A_180 = tpu.memref_slice %arg8[%add3A_174, %dma_wait3A_179] : memref<10240x128xf32, #tpu.memory_space<hbm>> -> memref<128x128xf32, #tpu.memory_space<hbm>>
        tpu.wait_dma2 semaphore(%run_scoped3A : memref<!tpu.dma_semaphore, #tpu.memory_space<semaphore_mem>>) src(%arg15 : memref<128x128xf32, #tpu.memory_space<vmem>>) dst(%dma_wait3A_180 : memref<128x128xf32, #tpu.memory_space<hbm>>)
        tpu.yield
      }) : () -> ()
    } else {
    }
    %mul3A_147 = arith.constant 640 : i32
    %mul3A_148 = arith.muli %arg1, %mul3A_147 : i32
    %add3A_149 = arith.constant 512 : i32
    %add3A_150 = arith.addi %mul3A_148, %add3A_149 : i32
    "tpu.region"() ({
      %run_scoped3A = tpu.sem_alloc : memref<!tpu.dma_semaphore, #tpu.memory_space<semaphore_mem>>
      %dma_start3A = arith.constant 0 : i32
      %dma_start3A_171 = tpu.memref_slice %arg9[%add3A_150, %dma_start3A] : memref<10240x128xf32, #tpu.memory_space<vmem_shared>> -> memref<128x128xf32, #tpu.memory_space<vmem_shared>>
      %dma_start3A_172 = arith.constant 0 : i32
      %dma_start3A_173 = tpu.memref_slice %arg9[%add3A_150, %dma_start3A_172] : memref<10240x128xf32, #tpu.memory_space<vmem_shared>> -> memref<128x128xf32, #tpu.memory_space<vmem_shared>>
      tpu.enqueue_dma source(%dma_start3A_173 : memref<128x128xf32, #tpu.memory_space<vmem_shared>>) target(%arg15 : memref<128x128xf32, #tpu.memory_space<vmem>>) target_semaphore(%run_scoped3A : memref<!tpu.dma_semaphore, #tpu.memory_space<semaphore_mem>>)
      %dma_wait3A = arith.constant 0 : i32
      %dma_wait3A_174 = tpu.memref_slice %arg9[%add3A_150, %dma_wait3A] : memref<10240x128xf32, #tpu.memory_space<vmem_shared>> -> memref<128x128xf32, #tpu.memory_space<vmem_shared>>
      %dma_wait3A_175 = arith.constant 0 : i32
      %dma_wait3A_176 = tpu.memref_slice %arg9[%add3A_150, %dma_wait3A_175] : memref<10240x128xf32, #tpu.memory_space<vmem_shared>> -> memref<128x128xf32, #tpu.memory_space<vmem_shared>>
      tpu.wait_dma2 semaphore(%run_scoped3A : memref<!tpu.dma_semaphore, #tpu.memory_space<semaphore_mem>>) src(%dma_wait3A_176 : memref<128x128xf32, #tpu.memory_space<vmem_shared>>) dst(%arg15 : memref<128x128xf32, #tpu.memory_space<vmem>>)
      tpu.yield
    }) : () -> ()
    %mul3A_151 = arith.constant 640 : i32
    %mul3A_152 = arith.muli %arg1, %mul3A_151 : i32
    %add3A_153 = arith.constant 512 : i32
    %add3A_154 = arith.addi %mul3A_152, %add3A_153 : i32
    "tpu.region"() ({
      %run_scoped3A = tpu.sem_alloc : memref<!tpu.dma_semaphore, #tpu.memory_space<semaphore_mem>>
      %dma_start3A = arith.constant 0 : i32
      %dma_start3A_171 = tpu.memref_slice %arg10[%add3A_154, %dma_start3A] : memref<10240x16xf32, #tpu.memory_space<vmem_shared>> -> memref<128x16xf32, #tpu.memory_space<vmem_shared>>
      %dma_start3A_172 = arith.constant 0 : i32
      %dma_start3A_173 = tpu.memref_slice %arg10[%add3A_154, %dma_start3A_172] : memref<10240x16xf32, #tpu.memory_space<vmem_shared>> -> memref<128x16xf32, #tpu.memory_space<vmem_shared>>
      tpu.enqueue_dma source(%dma_start3A_173 : memref<128x16xf32, #tpu.memory_space<vmem_shared>>) target(%arg18 : memref<128x16xf32, #tpu.memory_space<vmem>>) target_semaphore(%run_scoped3A : memref<!tpu.dma_semaphore, #tpu.memory_space<semaphore_mem>>)
      %dma_wait3A = arith.constant 0 : i32
      %dma_wait3A_174 = tpu.memref_slice %arg10[%add3A_154, %dma_wait3A] : memref<10240x16xf32, #tpu.memory_space<vmem_shared>> -> memref<128x16xf32, #tpu.memory_space<vmem_shared>>
      %dma_wait3A_175 = arith.constant 0 : i32
      %dma_wait3A_176 = tpu.memref_slice %arg10[%add3A_154, %dma_wait3A_175] : memref<10240x16xf32, #tpu.memory_space<vmem_shared>> -> memref<128x16xf32, #tpu.memory_space<vmem_shared>>
      tpu.wait_dma2 semaphore(%run_scoped3A : memref<!tpu.dma_semaphore, #tpu.memory_space<semaphore_mem>>) src(%dma_wait3A_176 : memref<128x16xf32, #tpu.memory_space<vmem_shared>>) dst(%arg18 : memref<128x16xf32, #tpu.memory_space<vmem>>)
      tpu.yield
    }) : () -> ()
    %scan3A_155 = arith.constant 0 : i32
    %scan3A_156 = arith.constant 0 : i32
    %scan3A_157 = arith.constant 128 : i32
    %scan3A_158 = arith.addi %scan3A_156, %scan3A_157 : i32
    %scan3A_159 = arith.constant 1 : i32
    scf.for %scan3A_171 = %scan3A_156 to %scan3A_158 step %scan3A_159  : i32 {
      %get3A = arith.index_cast %scan3A_171 : i32 to index
      %get3A_172 = arith.constant 0 : index
      %get3A_173 = tpu.vector_load %arg18[%get3A, %get3A_172] {strides = array<i32>} : memref<128x16xf32, #tpu.memory_space<vmem>>, vector<1x16xf32>,
      %get3A_174 = vector.shape_cast %get3A_173 : vector<1x16xf32> to vector<16xf32>
      %max3A = arith.constant 1.000000e+00 : f32
      %max3A_175 = vector.broadcast %max3A : f32 to vector<16xf32>
      %max3A_176 = arith.maximumf %get3A_174, %max3A_175 : vector<16xf32>
      %div3A = arith.constant 1.000000e+00 : f32
      %div3A_177 = vector.broadcast %div3A : f32 to vector<16xf32>
      %div3A_178 = arith.divf %div3A_177, %max3A_176 : vector<16xf32>
      %get3A_179 = arith.index_cast %scan3A_171 : i32 to index
      %get3A_180 = arith.constant 0 : index
      %get3A_181 = tpu.vector_load %arg15[%get3A_179, %get3A_180] {strides = array<i32>} : memref<128x128xf32, #tpu.memory_space<vmem>>, vector<1x16xf32>,
      %get3A_182 = vector.shape_cast %get3A_181 : vector<1x16xf32> to vector<16xf32>
      %mul3A_183 = arith.mulf %get3A_182, %div3A_178 : vector<16xf32>
      %swap3A = arith.index_cast %scan3A_171 : i32 to index
      %swap3A_184 = arith.constant 0 : index
      %swap3A_185 = tpu.vector_load %arg15[%swap3A, %swap3A_184] {strides = array<i32>} : memref<128x128xf32, #tpu.memory_space<vmem>>, vector<1x16xf32>,
      %swap3A_186 = vector.shape_cast %swap3A_185 : vector<1x16xf32> to vector<16xf32>
      %swap3A_187 = vector.shape_cast %mul3A_183 : vector<16xf32> to vector<1x16xf32>
      tpu.vector_store %arg15[%swap3A, %swap3A_184], %swap3A_187 {strides = array<i32>} : memref<128x128xf32, #tpu.memory_space<vmem>>, vector<1x16xf32>,
      %get3A_188 = arith.index_cast %scan3A_171 : i32 to index
      %get3A_189 = arith.constant 16 : index
      %get3A_190 = tpu.vector_load %arg15[%get3A_188, %get3A_189] {strides = array<i32>} : memref<128x128xf32, #tpu.memory_space<vmem>>, vector<1x16xf32>,
      %get3A_191 = vector.shape_cast %get3A_190 : vector<1x16xf32> to vector<16xf32>
      %mul3A_192 = arith.mulf %get3A_191, %div3A_178 : vector<16xf32>
      %swap3A_193 = arith.index_cast %scan3A_171 : i32 to index
      %swap3A_194 = arith.constant 16 : index
      %swap3A_195 = tpu.vector_load %arg15[%swap3A_193, %swap3A_194] {strides = array<i32>} : memref<128x128xf32, #tpu.memory_space<vmem>>, vector<1x16xf32>,
      %swap3A_196 = vector.shape_cast %swap3A_195 : vector<1x16xf32> to vector<16xf32>
      %swap3A_197 = vector.shape_cast %mul3A_192 : vector<16xf32> to vector<1x16xf32>
      tpu.vector_store %arg15[%swap3A_193, %swap3A_194], %swap3A_197 {strides = array<i32>} : memref<128x128xf32, #tpu.memory_space<vmem>>, vector<1x16xf32>,
      %get3A_198 = arith.index_cast %scan3A_171 : i32 to index
      %get3A_199 = arith.constant 32 : index
      %get3A_200 = tpu.vector_load %arg15[%get3A_198, %get3A_199] {strides = array<i32>} : memref<128x128xf32, #tpu.memory_space<vmem>>, vector<1x16xf32>,
      %get3A_201 = vector.shape_cast %get3A_200 : vector<1x16xf32> to vector<16xf32>
      %mul3A_202 = arith.mulf %get3A_201, %div3A_178 : vector<16xf32>
      %swap3A_203 = arith.index_cast %scan3A_171 : i32 to index
      %swap3A_204 = arith.constant 32 : index
      %swap3A_205 = tpu.vector_load %arg15[%swap3A_203, %swap3A_204] {strides = array<i32>} : memref<128x128xf32, #tpu.memory_space<vmem>>, vector<1x16xf32>,
      %swap3A_206 = vector.shape_cast %swap3A_205 : vector<1x16xf32> to vector<16xf32>
      %swap3A_207 = vector.shape_cast %mul3A_202 : vector<16xf32> to vector<1x16xf32>
      tpu.vector_store %arg15[%swap3A_203, %swap3A_204], %swap3A_207 {strides = array<i32>} : memref<128x128xf32, #tpu.memory_space<vmem>>, vector<1x16xf32>,
      %get3A_208 = arith.index_cast %scan3A_171 : i32 to index
      %get3A_209 = arith.constant 48 : index
      %get3A_210 = tpu.vector_load %arg15[%get3A_208, %get3A_209] {strides = array<i32>} : memref<128x128xf32, #tpu.memory_space<vmem>>, vector<1x16xf32>,
      %get3A_211 = vector.shape_cast %get3A_210 : vector<1x16xf32> to vector<16xf32>
      %mul3A_212 = arith.mulf %get3A_211, %div3A_178 : vector<16xf32>
      %swap3A_213 = arith.index_cast %scan3A_171 : i32 to index
      %swap3A_214 = arith.constant 48 : index
      %swap3A_215 = tpu.vector_load %arg15[%swap3A_213, %swap3A_214] {strides = array<i32>} : memref<128x128xf32, #tpu.memory_space<vmem>>, vector<1x16xf32>,
      %swap3A_216 = vector.shape_cast %swap3A_215 : vector<1x16xf32> to vector<16xf32>
      %swap3A_217 = vector.shape_cast %mul3A_212 : vector<16xf32> to vector<1x16xf32>
      tpu.vector_store %arg15[%swap3A_213, %swap3A_214], %swap3A_217 {strides = array<i32>} : memref<128x128xf32, #tpu.memory_space<vmem>>, vector<1x16xf32>,
      %get3A_218 = arith.index_cast %scan3A_171 : i32 to index
      %get3A_219 = arith.constant 64 : index
      %get3A_220 = tpu.vector_load %arg15[%get3A_218, %get3A_219] {strides = array<i32>} : memref<128x128xf32, #tpu.memory_space<vmem>>, vector<1x16xf32>,
      %get3A_221 = vector.shape_cast %get3A_220 : vector<1x16xf32> to vector<16xf32>
      %mul3A_222 = arith.mulf %get3A_221, %div3A_178 : vector<16xf32>
      %swap3A_223 = arith.index_cast %scan3A_171 : i32 to index
      %swap3A_224 = arith.constant 64 : index
      %swap3A_225 = tpu.vector_load %arg15[%swap3A_223, %swap3A_224] {strides = array<i32>} : memref<128x128xf32, #tpu.memory_space<vmem>>, vector<1x16xf32>,
      %swap3A_226 = vector.shape_cast %swap3A_225 : vector<1x16xf32> to vector<16xf32>
      %swap3A_227 = vector.shape_cast %mul3A_222 : vector<16xf32> to vector<1x16xf32>
      tpu.vector_store %arg15[%swap3A_223, %swap3A_224], %swap3A_227 {strides = array<i32>} : memref<128x128xf32, #tpu.memory_space<vmem>>, vector<1x16xf32>,
      %get3A_228 = arith.index_cast %scan3A_171 : i32 to index
      %get3A_229 = arith.constant 80 : index
      %get3A_230 = tpu.vector_load %arg15[%get3A_228, %get3A_229] {strides = array<i32>} : memref<128x128xf32, #tpu.memory_space<vmem>>, vector<1x16xf32>,
      %get3A_231 = vector.shape_cast %get3A_230 : vector<1x16xf32> to vector<16xf32>
      %mul3A_232 = arith.mulf %get3A_231, %div3A_178 : vector<16xf32>
      %swap3A_233 = arith.index_cast %scan3A_171 : i32 to index
      %swap3A_234 = arith.constant 80 : index
      %swap3A_235 = tpu.vector_load %arg15[%swap3A_233, %swap3A_234] {strides = array<i32>} : memref<128x128xf32, #tpu.memory_space<vmem>>, vector<1x16xf32>,
      %swap3A_236 = vector.shape_cast %swap3A_235 : vector<1x16xf32> to vector<16xf32>
      %swap3A_237 = vector.shape_cast %mul3A_232 : vector<16xf32> to vector<1x16xf32>
      tpu.vector_store %arg15[%swap3A_233, %swap3A_234], %swap3A_237 {strides = array<i32>} : memref<128x128xf32, #tpu.memory_space<vmem>>, vector<1x16xf32>,
      %get3A_238 = arith.index_cast %scan3A_171 : i32 to index
      %get3A_239 = arith.constant 96 : index
      %get3A_240 = tpu.vector_load %arg15[%get3A_238, %get3A_239] {strides = array<i32>} : memref<128x128xf32, #tpu.memory_space<vmem>>, vector<1x16xf32>,
      %get3A_241 = vector.shape_cast %get3A_240 : vector<1x16xf32> to vector<16xf32>
      %mul3A_242 = arith.mulf %get3A_241, %div3A_178 : vector<16xf32>
      %swap3A_243 = arith.index_cast %scan3A_171 : i32 to index
      %swap3A_244 = arith.constant 96 : index
      %swap3A_245 = tpu.vector_load %arg15[%swap3A_243, %swap3A_244] {strides = array<i32>} : memref<128x128xf32, #tpu.memory_space<vmem>>, vector<1x16xf32>,
      %swap3A_246 = vector.shape_cast %swap3A_245 : vector<1x16xf32> to vector<16xf32>
      %swap3A_247 = vector.shape_cast %mul3A_242 : vector<16xf32> to vector<1x16xf32>
      tpu.vector_store %arg15[%swap3A_243, %swap3A_244], %swap3A_247 {strides = array<i32>} : memref<128x128xf32, #tpu.memory_space<vmem>>, vector<1x16xf32>,
      %get3A_248 = arith.index_cast %scan3A_171 : i32 to index
      %get3A_249 = arith.constant 112 : index
      %get3A_250 = tpu.vector_load %arg15[%get3A_248, %get3A_249] {strides = array<i32>} : memref<128x128xf32, #tpu.memory_space<vmem>>, vector<1x16xf32>,
      %get3A_251 = vector.shape_cast %get3A_250 : vector<1x16xf32> to vector<16xf32>
      %mul3A_252 = arith.mulf %get3A_251, %div3A_178 : vector<16xf32>
      %swap3A_253 = arith.index_cast %scan3A_171 : i32 to index
      %swap3A_254 = arith.constant 112 : index
      %swap3A_255 = tpu.vector_load %arg15[%swap3A_253, %swap3A_254] {strides = array<i32>} : memref<128x128xf32, #tpu.memory_space<vmem>>, vector<1x16xf32>,
      %swap3A_256 = vector.shape_cast %swap3A_255 : vector<1x16xf32> to vector<16xf32>
      %swap3A_257 = vector.shape_cast %mul3A_252 : vector<16xf32> to vector<1x16xf32>
      tpu.vector_store %arg15[%swap3A_253, %swap3A_254], %swap3A_257 {strides = array<i32>} : memref<128x128xf32, #tpu.memory_space<vmem>>, vector<1x16xf32>,
    }
    %scan3A_160 = arith.constant 128 : i32
    %eq3A_161 = arith.constant 0 : i32
    %eq3A_162 = arith.cmpi eq, %arg0, %eq3A_161 : i32
    %convert_element_type3A_163 = arith.extui %eq3A_162 : i1 to i32
    %cond3A_164 = arith.constant 0 : i32
    %cond3A_165 = arith.cmpi ne, %convert_element_type3A_163, %cond3A_164 : i32
    scf.if %cond3A_165 {
      %mul3A_171 = arith.constant 640 : i32
      %mul3A_172 = arith.muli %arg1, %mul3A_171 : i32
      %add3A_173 = arith.constant 512 : i32
      %add3A_174 = arith.addi %mul3A_172, %add3A_173 : i32
      "tpu.region"() ({
        %run_scoped3A = tpu.sem_alloc : memref<!tpu.dma_semaphore, #tpu.memory_space<semaphore_mem>>
        %dma_start3A = arith.constant 0 : i32
        %dma_start3A_175 = tpu.memref_slice %arg7[%add3A_174, %dma_start3A] : memref<10240x128xf32, #tpu.memory_space<hbm>> -> memref<128x128xf32, #tpu.memory_space<hbm>>
        %dma_start3A_176 = arith.constant 0 : i32
        %dma_start3A_177 = tpu.memref_slice %arg7[%add3A_174, %dma_start3A_176] : memref<10240x128xf32, #tpu.memory_space<hbm>> -> memref<128x128xf32, #tpu.memory_space<hbm>>
        tpu.enqueue_dma source(%arg15 : memref<128x128xf32, #tpu.memory_space<vmem>>) target(%dma_start3A_177 : memref<128x128xf32, #tpu.memory_space<hbm>>) target_semaphore(%run_scoped3A : memref<!tpu.dma_semaphore, #tpu.memory_space<semaphore_mem>>)
        %dma_wait3A = arith.constant 0 : i32
        %dma_wait3A_178 = tpu.memref_slice %arg7[%add3A_174, %dma_wait3A] : memref<10240x128xf32, #tpu.memory_space<hbm>> -> memref<128x128xf32, #tpu.memory_space<hbm>>
        %dma_wait3A_179 = arith.constant 0 : i32
        %dma_wait3A_180 = tpu.memref_slice %arg7[%add3A_174, %dma_wait3A_179] : memref<10240x128xf32, #tpu.memory_space<hbm>> -> memref<128x128xf32, #tpu.memory_space<hbm>>
        tpu.wait_dma2 semaphore(%run_scoped3A : memref<!tpu.dma_semaphore, #tpu.memory_space<semaphore_mem>>) src(%arg15 : memref<128x128xf32, #tpu.memory_space<vmem>>) dst(%dma_wait3A_180 : memref<128x128xf32, #tpu.memory_space<hbm>>)
        tpu.yield
      }) : () -> ()
    } else {
    }
    %eq3A_166 = arith.constant 1 : i32
    %eq3A_167 = arith.cmpi eq, %arg0, %eq3A_166 : i32
    %convert_element_type3A_168 = arith.extui %eq3A_167 : i1 to i32
    %cond3A_169 = arith.constant 0 : i32
    %cond3A_170 = arith.cmpi ne, %convert_element_type3A_168, %cond3A_169 : i32
    scf.if %cond3A_170 {
      %mul3A_171 = arith.constant 640 : i32
      %mul3A_172 = arith.muli %arg1, %mul3A_171 : i32
      %add3A_173 = arith.constant 512 : i32
      %add3A_174 = arith.addi %mul3A_172, %add3A_173 : i32
      "tpu.region"() ({
        %run_scoped3A = tpu.sem_alloc : memref<!tpu.dma_semaphore, #tpu.memory_space<semaphore_mem>>
        %dma_start3A = arith.constant 0 : i32
        %dma_start3A_175 = tpu.memref_slice %arg8[%add3A_174, %dma_start3A] : memref<10240x128xf32, #tpu.memory_space<hbm>> -> memref<128x128xf32, #tpu.memory_space<hbm>>
        %dma_start3A_176 = arith.constant 0 : i32
        %dma_start3A_177 = tpu.memref_slice %arg8[%add3A_174, %dma_start3A_176] : memref<10240x128xf32, #tpu.memory_space<hbm>> -> memref<128x128xf32, #tpu.memory_space<hbm>>
        tpu.enqueue_dma source(%arg15 : memref<128x128xf32, #tpu.memory_space<vmem>>) target(%dma_start3A_177 : memref<128x128xf32, #tpu.memory_space<hbm>>) target_semaphore(%run_scoped3A : memref<!tpu.dma_semaphore, #tpu.memory_space<semaphore_mem>>)
        %dma_wait3A = arith.constant 0 : i32
        %dma_wait3A_178 = tpu.memref_slice %arg8[%add3A_174, %dma_wait3A] : memref<10240x128xf32, #tpu.memory_space<hbm>> -> memref<128x128xf32, #tpu.memory_space<hbm>>
        %dma_wait3A_179 = arith.constant 0 : i32
        %dma_wait3A_180 = tpu.memref_slice %arg8[%add3A_174, %dma_wait3A_179] : memref<10240x128xf32, #tpu.memory_space<hbm>> -> memref<128x128xf32, #tpu.memory_space<hbm>>
        tpu.wait_dma2 semaphore(%run_scoped3A : memref<!tpu.dma_semaphore, #tpu.memory_space<semaphore_mem>>) src(%arg15 : memref<128x128xf32, #tpu.memory_space<vmem>>) dst(%dma_wait3A_180 : memref<128x128xf32, #tpu.memory_space<hbm>>)
        tpu.yield
      }) : () -> ()
    } else {
    }
    return
  }
}

module attributes {stable_mosaic.version = 14 : i64} {
  func.func @body(%arg0: i32, %arg1: memref<1000x128xf32, #tpu.memory_space<vmem>>, %arg2: memref<1000x128xf32, #tpu.memory_space<vmem>>, %arg3: memref<1000x128xf32, #tpu.memory_space<vmem>>, %arg4: memref<128x128xf32, #tpu.memory_space<vmem>>, %arg5: memref<128x128xf32, #tpu.memory_space<vmem>>, %arg6: memref<1x128xf32, #tpu.memory_space<vmem>>, %arg7: memref<128x128xf32, #tpu.memory_space<vmem>>, %arg8: memref<128x128xf32, #tpu.memory_space<vmem>>, %arg9: memref<1x128xf32, #tpu.memory_space<vmem>>, %arg10: memref<1000x256xf32, #tpu.memory_space<vmem>>) attributes {dimension_semantics = [#tpu.dimension_semantics<arbitrary>], iteration_bounds = array<i64: 10>, scalar_prefetch = 0 : i64, scratch_operands = 0 : i64, tpu.core_type = #tpu.core_type<tc>, window_params = [{transform_indices = @transform_0, window_bounds = array<i64: 1000, 128>}, {transform_indices = @transform_1, window_bounds = array<i64: 1000, 128>}, {transform_indices = @transform_2, window_bounds = array<i64: 1000, 128>}, {pipeline_mode = #tpu.pipeline_mode<synchronous>, transform_indices = @transform_3, window_bounds = array<i64: 128, 128>}, {pipeline_mode = #tpu.pipeline_mode<synchronous>, transform_indices = @transform_4, window_bounds = array<i64: 128, 128>}, {pipeline_mode = #tpu.pipeline_mode<synchronous>, transform_indices = @transform_5, window_bounds = array<i64: 1, 128>}, {pipeline_mode = #tpu.pipeline_mode<synchronous>, transform_indices = @transform_6, window_bounds = array<i64: 128, 128>}, {pipeline_mode = #tpu.pipeline_mode<synchronous>, transform_indices = @transform_7, window_bounds = array<i64: 128, 128>}, {pipeline_mode = #tpu.pipeline_mode<synchronous>, transform_indices = @transform_8, window_bounds = array<i64: 1, 128>}, {transform_indices = @transform_9, window_bounds = array<i64: 1000, 256>}]} {
    %get3A = arith.constant 0 : index
    %get3A_0 = arith.constant 0 : index
    %get3A_1 = vector.load %arg1[%get3A, %get3A_0] : memref<1000x128xf32, #tpu.memory_space<vmem>>, vector<1000x128xf32>
    %get3A_2 = arith.constant 0 : index
    %get3A_3 = arith.constant 0 : index
    %get3A_4 = vector.load %arg2[%get3A_2, %get3A_3] : memref<1000x128xf32, #tpu.memory_space<vmem>>, vector<1000x128xf32>
    %get3A_5 = arith.constant 0 : index
    %get3A_6 = arith.constant 0 : index
    %get3A_7 = vector.load %arg3[%get3A_5, %get3A_6] : memref<1000x128xf32, #tpu.memory_space<vmem>>, vector<1000x128xf32>
    %get3A_8 = arith.constant 0 : index
    %get3A_9 = arith.constant 0 : index
    %get3A_10 = vector.load %arg4[%get3A_8, %get3A_9] : memref<128x128xf32, #tpu.memory_space<vmem>>, vector<128x128xf32>
    %dot_general3A = arith.constant dense<0.000000e+00> : vector<1000x128xf32>
    %dot_general3A_11 = tpu.matmul %get3A_4, %get3A_10, %dot_general3A {dimension_numbers = #tpu.dot_dimension_numbers<[1], [1], [0], [0], [0, 0, 1, 0], [], []>, transpose_lhs_hint = false} : vector<1000x128xf32>, vector<128x128xf32>, vector<1000x128xf32> -> vector<1000x128xf32>
    %get3A_12 = arith.constant 0 : index
    %get3A_13 = arith.constant 0 : index
    %get3A_14 = vector.load %arg5[%get3A_12, %get3A_13] : memref<128x128xf32, #tpu.memory_space<vmem>>, vector<128x128xf32>
    %dot_general3A_15 = arith.constant dense<0.000000e+00> : vector<1000x128xf32>
    %dot_general3A_16 = tpu.matmul %get3A_1, %get3A_14, %dot_general3A_15 {dimension_numbers = #tpu.dot_dimension_numbers<[1], [1], [0], [0], [0, 0, 1, 0], [], []>, transpose_lhs_hint = false} : vector<1000x128xf32>, vector<128x128xf32>, vector<1000x128xf32> -> vector<1000x128xf32>
    %add3A = arith.addf %dot_general3A_11, %dot_general3A_16 : vector<1000x128xf32>
    %get3A_17 = arith.constant 0 : index
    %get3A_18 = arith.constant 0 : index
    %get3A_19 = vector.load %arg6[%get3A_17, %get3A_18] : memref<1x128xf32, #tpu.memory_space<vmem>>, vector<1x128xf32>
    %add3A_20 = vector.broadcast %get3A_19 : vector<1x128xf32> to vector<1000x128xf32>
    %add3A_21 = arith.addf %add3A, %add3A_20 : vector<1000x128xf32>
    %get3A_22 = arith.constant 0 : index
    %get3A_23 = arith.constant 0 : index
    %get3A_24 = vector.load %arg7[%get3A_22, %get3A_23] : memref<128x128xf32, #tpu.memory_space<vmem>>, vector<128x128xf32>
    %dot_general3A_25 = arith.constant dense<0.000000e+00> : vector<1000x128xf32>
    %dot_general3A_26 = tpu.matmul %get3A_7, %get3A_24, %dot_general3A_25 {dimension_numbers = #tpu.dot_dimension_numbers<[1], [1], [0], [0], [0, 0, 1, 0], [], []>, transpose_lhs_hint = false} : vector<1000x128xf32>, vector<128x128xf32>, vector<1000x128xf32> -> vector<1000x128xf32>
    %get3A_27 = arith.constant 0 : index
    %get3A_28 = arith.constant 0 : index
    %get3A_29 = vector.load %arg8[%get3A_27, %get3A_28] : memref<128x128xf32, #tpu.memory_space<vmem>>, vector<128x128xf32>
    %dot_general3A_30 = arith.constant dense<0.000000e+00> : vector<1000x128xf32>
    %dot_general3A_31 = tpu.matmul %get3A_1, %get3A_29, %dot_general3A_30 {dimension_numbers = #tpu.dot_dimension_numbers<[1], [1], [0], [0], [0, 0, 1, 0], [], []>, transpose_lhs_hint = false} : vector<1000x128xf32>, vector<128x128xf32>, vector<1000x128xf32> -> vector<1000x128xf32>
    %add3A_32 = arith.addf %dot_general3A_26, %dot_general3A_31 : vector<1000x128xf32>
    %get3A_33 = arith.constant 0 : index
    %get3A_34 = arith.constant 0 : index
    %get3A_35 = vector.load %arg9[%get3A_33, %get3A_34] : memref<1x128xf32, #tpu.memory_space<vmem>>, vector<1x128xf32>
    %add3A_36 = vector.broadcast %get3A_35 : vector<1x128xf32> to vector<1000x128xf32>
    %add3A_37 = arith.addf %add3A_32, %add3A_36 : vector<1000x128xf32>
    %concatenate3A = tpu.concatenate %add3A_21, %add3A_37 in 1 : vector<1000x128xf32>, vector<1000x128xf32> -> vector<1000x256xf32>
    %swap3A = arith.constant 0 : index
    %swap3A_38 = arith.constant 0 : index
    %swap3A_39 = vector.load %arg10[%swap3A, %swap3A_38] : memref<1000x256xf32, #tpu.memory_space<vmem>>, vector<1000x256xf32>
    tpu.vector_store %arg10[%swap3A, %swap3A_38], %concatenate3A {strides = array<i32>} : memref<1000x256xf32, #tpu.memory_space<vmem>>, vector<1000x256xf32>,
    return
  }
  func.func @transform_0(%arg0: i32) -> (i32, i32) {
    %c0_i32 = arith.constant 0 : i32
    %c0_i32_0 = arith.constant 0 : i32
    return %arg0, %c0_i32 : i32, i32
  }
  func.func @transform_1(%arg0: i32) -> (i32, i32) {
    %c0_i32 = arith.constant 0 : i32
    %c0_i32_0 = arith.constant 0 : i32
    return %arg0, %c0_i32 : i32, i32
  }
  func.func @transform_2(%arg0: i32) -> (i32, i32) {
    %c0_i32 = arith.constant 0 : i32
    %c0_i32_0 = arith.constant 0 : i32
    return %arg0, %c0_i32 : i32, i32
  }
  func.func @transform_3(%arg0: i32) -> (i32, i32) {
    %c0_i32 = arith.constant 0 : i32
    %c0_i32_0 = arith.constant 0 : i32
    %c0_i32_1 = arith.constant 0 : i32
    return %c0_i32, %c0_i32_0 : i32, i32
  }
  func.func @transform_4(%arg0: i32) -> (i32, i32) {
    %c0_i32 = arith.constant 0 : i32
    %c0_i32_0 = arith.constant 0 : i32
    %c0_i32_1 = arith.constant 0 : i32
    return %c0_i32, %c0_i32_0 : i32, i32
  }
  func.func @transform_5(%arg0: i32) -> (i32, i32) {
    %c0_i32 = arith.constant 0 : i32
    %c0_i32_0 = arith.constant 0 : i32
    %c0_i32_1 = arith.constant 0 : i32
    return %c0_i32, %c0_i32_0 : i32, i32
  }
  func.func @transform_6(%arg0: i32) -> (i32, i32) {
    %c0_i32 = arith.constant 0 : i32
    %c0_i32_0 = arith.constant 0 : i32
    %c0_i32_1 = arith.constant 0 : i32
    return %c0_i32, %c0_i32_0 : i32, i32
  }
  func.func @transform_7(%arg0: i32) -> (i32, i32) {
    %c0_i32 = arith.constant 0 : i32
    %c0_i32_0 = arith.constant 0 : i32
    %c0_i32_1 = arith.constant 0 : i32
    return %c0_i32, %c0_i32_0 : i32, i32
  }
  func.func @transform_8(%arg0: i32) -> (i32, i32) {
    %c0_i32 = arith.constant 0 : i32
    %c0_i32_0 = arith.constant 0 : i32
    %c0_i32_1 = arith.constant 0 : i32
    return %c0_i32, %c0_i32_0 : i32, i32
  }
  func.func @transform_9(%arg0: i32) -> (i32, i32) {
    %c0_i32 = arith.constant 0 : i32
    %c0_i32_0 = arith.constant 0 : i32
    return %arg0, %c0_i32 : i32, i32
  }
}

</mosaic_0001>

<sc_bundles>
// kernel: kernel.4.cloned.1.call-start
scs
__scs_entry_jumppad:
0x0: {  	(pc) =	sbr.rel $0x88, $3  }
0x1: {  	(tag) =	ssettag $0x0;
	lr =	simm.s32 $0x1  }
0x2: {  	[smem:$0x3F98] =	sst lr;
	_ =	strace $0xD0000000  }
0x3: {  	_ = 	snop  }
0x4: {  	_ = 	snop  }
0x5: {  	_ = 	snop  }
0x6: {  	_ = 	snop  }
0x7: {  	_ = 	snop  }
__scs_overlays_trampoline_lowered:
0x8: {  	[smem:$0x3FA7] =	sst s0  }
0x9: {  	[smem:$0x3FA8] =	sst s1  }
0xa: {  	[smem:$0x3FA9] =	sst s2  }
0xb: {  	[smem:$0x3FAA] =	sst s3  }
0xc: {  	[smem:$0x3FAB] =	sst s4  }
0xd: {  	[smem:$0x3FAC] =	sst s5  }
0xe: {  	[smem:$0x3FAD] =	sst s6  }
0xf: {  	[smem:$0x3FAE] =	sst s7  }
0x10: {  	[smem:$0x3FAF] =	sst s8  }
0x11: {  	[smem:$0x3FB0] =	sst s9;
	s0 =	simm.s32 @!p0 $0x0  }
0x12: {  	s1 =	sld [smem:$0x3F96];
	s0 =	simm.s32 @p0 $0x1  }
0x13: {  	[smem:$0x3FB1] =	sst s0;
	s0 =	simm.s32 @!p1 $0x0  }
0x14: {  	s2 =	sld [smem:$0x3F95];
	s0 =	simm.s32 @p1 $0x1  }
0x15: {  	[smem:$0x3FB2] =	sst s0;
	s0 =	simm.s32 @!p2 $0x0  }
0x16: {  	s3 =	sld [smem:$0x3FDB];
	s0 =	simm.s32 @p2 $0x1  }
0x17: {  	s4 =	simm.s32 $0x1BF5;
	[smem:$0x3FB4] =	sst s0  }
0x18: {  	s0 =	sld [smem:$0x3F97];
	_ =	swait.ge [sflag:s4], $0x0  }
0x19: {  	s7 =	sld [smem:$0x3F98]  }
0x1a: {  	s8 =	sadd.s32 $0xFFFFE003, lr  }
0x1b: {  	s9 =	sadd.s32 $0xFFFFFEF7, lr;
	s5 =	simm.s32 $0xFFFFFFFF;
	p2 =	slt.u32 s8, $0xFFFFF086  }
0x1c: {  	p1 =	slt.u32 s9, $0xF7A;
	s5 =	simm.s32 @!p2 $0x0  }
0x1d: {  	s5 =	simm.s32 @p1 $0x1;
	p0 =	seq.s32 s7, s2  }
0x1e: {  	s7 =	smul.u32 @!p0 $0xF7A, s2;
	p2 =	seq.s32 @!p0 s5, $0x0  }
0x1f: {  	s9 =	smul.u32 $0xF7A, s1;
	s8 =	simm.s32 @!p0 $0x1BF5;
	p2 =	por !p2, p0  }
0x20: {  	[sflag:s8] =	ssyncset.s32 @!p0 $0xFFFFF086;
	s6 =	sadd.s32 @!p0 s3, s7;
	s7 =	simm.s32 @!p0 $0x108  }
0x21: {  	s3 =	sadd.s32 s3, s9;
	s6 =	sadd.s32 @!p0 $0x88, s6;
	s7 =	simm.s32 @p2 $0x1082  }
0x22: {  	[simem:s7], [sflag:s8] =	dma.local @!p0 [hbm:s6], $0xF7A  }
0x23: {  	s9 =	sor.u32 $0xD0000000, s2;
	s6 =	simm.s32 $0x108;
	_ =	swait.ge @!p0 [sflag:s8], $0x0  }
0x24: {  	s3 =	sadd.s32 $0x88, s3;
	s6 =	simm.s32 @!p1 $0x1082;
	[sflag:s4] =	ssyncset.s32 $0xFFFFF086  }
0x25: {  	[simem:s6], [sflag:s4] =	dma.local [hbm:s3], $0xF7A  }
0x26: {  	[smem:$0x3F98] =	sst s1;
	(tag) =	ssettag s2;
	_ =	strace s9  }
0x27: {  	s1 =	sld [smem:$0x3FA8]  }
0x28: {  	s2 =	sld [smem:$0x3FA9]  }
0x29: {  	s4 =	sld [smem:$0x3FAB]  }
0x2a: {  	p0 =	seq.s32 s5, $0x0;
	s5 =	sld [smem:$0x3FAC]  }
0x2b: {  	s6 =	sld [smem:$0x3FAD]  }
0x2c: {  	s7 =	sld [smem:$0x3FAE]  }
0x2d: {  	s3 =	simm.s32 $0x108;
	s8 =	sld [smem:$0x3FAF]  }
0x2e: {  	s3 =	simm.s32 @!p0 $0x1082;
	s9 =	sld [smem:$0x3FB0]  }
0x2f: {  	lr =	sadd.s32 s0, s3;
	s0 =	sld [smem:$0x3FA7]  }
0x30: {  	s3 =	sld [smem:$0x3FAA]  }
0x31: {  	[smem:$0x3FB3] =	sst s10  }
0x32: {  	s10 =	sld [smem:$0x3FB1];
	_ =	sdelay $0x3  }
0x33: {  	p0 =	seq.s32 s10, $0x1;
	s10 =	sld [smem:$0x3FB3];
	_ =	sdelay $0x3  }
0x34: {  	[smem:$0x3FB3] =	sst s10  }
0x35: {  	s10 =	sld [smem:$0x3FB2];
	_ =	sdelay $0x3  }
0x36: {  	p1 =	seq.s32 s10, $0x1;
	s10 =	sld [smem:$0x3FB3];
	_ =	sdelay $0x3  }
0x37: {  	[smem:$0x3FB3] =	sst s10  }
0x38: {  	s10 =	sld [smem:$0x3FB4]  }
0x39: {  	_ = 	snop;
	(pc) =	sbr.ind lr, $3  }
0x3a: {  	_ = 	snop  }
0x3b: {  	_ = 	snop  }
0x3c: {  	p2 =	seq.s32 s10, $0x1;
	s10 =	sld [smem:$0x3FB3]  }
0x3d: {  	_ =	shalt  }
0x3e: {  	_ =	shalt  }
0x3f: {  	_ =	shalt  }
0x40: {  	_ =	shalt  }
0x41: {  	_ =	shalt  }
0x42: {  	_ =	shalt  }
0x43: {  	_ =	shalt  }
0x44: {  	_ =	shalt  }
0x45: {  	_ =	shalt  }
0x46: {  	_ =	shalt  }
0x47: {  	_ =	shalt  }
0x48: {  	_ =	shalt  }
0x49: {  	_ =	shalt  }
0x4a: {  	_ =	shalt  }
0x4b: {  	_ =	shalt  }
0x4c: {  	_ =	shalt  }
0x4d: {  	_ =	shalt  }
0x4e: {  	_ =	shalt  }
0x4f: {  	_ =	shalt  }
0x50: {  	_ =	shalt  }
0x51: {  	_ =	shalt  }
0x52: {  	_ =	shalt  }
0x53: {  	_ =	shalt  }
0x54: {  	_ =	shalt  }
0x55: {  	_ =	shalt  }
0x56: {  	_ =	shalt  }
0x57: {  	_ =	shalt  }
0x58: {  	_ =	shalt  }
0x59: {  	_ =	shalt  }
0x5a: {  	_ =	shalt  }
0x5b: {  	_ =	shalt  }
0x5c: {  	_ =	shalt  }
0x5d: {  	_ =	shalt  }
0x5e: {  	_ =	shalt  }
0x5f: {  	_ =	shalt  }
0x60: {  	_ =	shalt  }
0x61: {  	_ =	shalt  }
0x62: {  	_ =	shalt  }
0x63: {  	_ =	shalt  }
0x64: {  	_ =	shalt  }
0x65: {  	_ =	shalt  }
0x66: {  	_ =	shalt  }
0x67: {  	_ =	shalt  }
0x68: {  	_ =	shalt  }
0x69: {  	_ =	shalt  }
0x6a: {  	_ =	shalt  }
0x6b: {  	_ =	shalt  }
0x6c: {  	_ =	shalt  }
0x6d: {  	_ =	shalt  }
0x6e: {  	_ =	shalt  }
0x6f: {  	_ =	shalt  }
0x70: {  	_ =	shalt  }
0x71: {  	_ =	shalt  }
0x72: {  	_ =	shalt  }
0x73: {  	_ =	shalt  }
0x74: {  	_ =	shalt  }
0x75: {  	_ =	shalt  }
0x76: {  	_ =	shalt  }
0x77: {  	_ =	shalt  }
0x78: {  	_ =	shalt  }
0x79: {  	_ =	shalt  }
0x7a: {  	_ =	shalt  }
0x7b: {  	_ =	shalt  }
0x7c: {  	_ =	shalt  }
0x7d: {  	_ =	shalt  }
0x7e: {  	_ =	shalt  }
0x7f: {  	_ =	shalt  }
0x80: {  	_ =	shalt  }
0x81: {  	_ =	shalt  }
0x82: {  	_ =	shalt  }
0x83: {  	_ =	shalt  }
0x84: {  	_ =	shalt  }
0x85: {  	_ =	shalt  }
0x86: {  	_ =	shalt  }
0x87: {  	_ =	shalt  }
.Lfunc_end0:
.L_simem_size_0:
called_computation_lowered:
.L_overlay_start_0:
0x88: {  	s2 =	sld [smem:$0x3FD9]  }
0x89: {  	s3 =	sld [smem:$0x3FFE];
	_ =	sdelay $0x1  }
0x8a: {  	s1 =	srdreg.scid  }
0x8b: {  	s0 =	sand.u32 $0x1, s1  }
0x8c: {  	s17 =	sshll.u32 s0, $0xA;
	s2 =	sadd.s32 s3, s2  }
0x8d: {  	s2 =	sadd.s32 s2, s17  }
0x8e: {  	[smem:$0x3FBF] =	sst s2  }
0x8f: {  	_ = 	snop  }
0x90: {  	s2 =	sld [smem:$0x3FC9]  }
0x91: {  	s18 =	sld [smem:$0x3FD0];
	(tm) =	ssettm $0x1  }
0x92: {  	s4 =	sld [smem:$0x3FFB];
	_ =	sdelay $0x3  }
0x93: {  	_ =	strace s4  }
0x94: {  	s4 =	sld [smem:$0x3FFC];
	_ =	sdelay $0x3  }
0x95: {  	_ =	strace s4  }
0x96: {  	s4 =	sld [smem:$0x3FFD];
	_ =	sdelay $0x3  }
0x97: {  	_ =	strace s4  }
0x98: {  	_ =	strace $0x8FFFFFFF  }
0x99: {  	s19 =	sld [smem:$0x3FDB];
	_ =	sdelay $0x1  }
0x9a: {  	s5 =	simm.s32 $_scs_section_size  }
0x9b: {  	s6 =	simm.s32 $_size__tile_overlayer_lowered;
	s7 =	simm.s32 $_tile_overlayer_lowered  }
0x9c: {  	s22 =	simm.s32 $0x1BFF;
	s21 =	sshll.u32 s7, $0x1;
	s4 =	sadd.s32 s5, s19  }
0x9d: {  	s8 =	simm.s32 $0x0;
	s20 =	sshll.u32 s6, $0x1;
	s6 =	sadd.s32 s21, s4  }
0x9e: {  	[timem:s8], [sflag:s22] =	dma.local [hbm:s6], s20  }
0x9f: {  	_ =	swait.ge [sflag:s22], s20  }
0xa0: {  	s5 =	ssub.s32 $0x0, s20;
	[sflag:s22] =	ssyncset.done $0x0  }
0xa1: {  	[sflag:s22] =	ssyncadd.s32 s5;
	_ =	sdelay $0x1  }
0xa2: {  	s23 =	simm.s32 $0x1B8B  }
0xa3: {  	_ =	swait.ge [sflag:s23], $0x1  }
0xa4: {  	[sflag:s23] =	ssyncset.done $0x0  }
0xa5: {  	s25 =	simm.s32 $0x1B8E;
	s24 =	sld [smem:$0x3FFE];
	[sflag:s23] =	ssyncadd.s32 $0xFFFFFFFF  }
0xa6: {  	s26 =	simm.s32 $execute0_lowered;
	[smem:$0x3FD2] =	sst s25  }
0xa7: {  	s6 =	sshll.u32 s26, $0x1;
	_ =	strace $0x80000046;
	[dreg:$0x1] =	wrdreg $0xFFFFFFFF  }
0xa8: {  	s28 =	simm.s32 $_size_execute0_lowered;
	s4 =	sadd.s32 s4, s6;
	[dreg:$0x0] =	wrdreg $0x0  }
0xa9: {  	s6 =	sshll.u32 s28, $0x1;
	[dreg:$0x2] =	wrdreg s4  }
0xaa: {  	[dreg:$0x3] =	wrdreg s6  }
0xab: {  	[dreg:$0x4] =	wrdreg $0xC0  }
0xac: {  	_ =	task [dreg:s8], $0x5FFFF  }
0xad: {  	[dreg:$0x1] =	wrdreg $0xFFFFFFFF  }
0xae: {  	[dreg:$0x0] =	wrdreg $0x60  }
0xaf: {  	[dreg:$0x2] =	wrdreg s2  }
0xb0: {  	[dreg:$0x3] =	wrdreg s24  }
0xb1: {  	[dreg:$0x4] =	wrdreg s18  }
0xb2: {  	[dreg:$0x5] =	wrdreg $0x0  }
0xb3: {  	[dreg:$0x6] =	wrdreg $0x140000  }
0xb4: {  	[dreg:$0x7] =	wrdreg $0x9  }
0xb5: {  	_ =	task.clear_ibuf [dreg:s8], $0x8FFFF;
	_ =	strace $0x90000046  }
0xb6: {  	s29 =	simm.s32 $0x9;
	_ =	strace $0x80000048  }
0xb7: {  	_ =	swait.ge [sflag:s29], $0x1  }
0xb8: {  	[sflag:s29] =	ssyncadd.s32 $0xFFFFFFFF  }
0xb9: {  	_ =	strace $0x90000048  }
0xba: {  	_ =	sfence  }
0xbb: {  	s30 =	sld [smem:$0x0];
	_ =	sdelay $0x2  }
0xbc: {  	s31 =	sshll.u32 s1, $0xD;
	s1 =	sshrl.u32 s1, $0x2  }
0xbd: {  	s3 =	sand.u32 $0x4000, s31;
	s1 =	sadd.s32 s1, s30  }
0xbe: {  	s0 =	sor.u32 s3, s0;
	s1 =	sshll.u32 s1, $0x11  }
0xbf: {  	s0 =	sor.u32 s1, s0  }
0xc0: {  	s0 =	sadd.s32 $0x8F2B, s0  }
0xc1: {  	[sflag:s0] =	ssyncadd.remote.s32 $0x1  }
0xc2: {  	_ =	sfence.sel $0xFFFF  }
0xc3: {  	[dreg:$0x0] =	wrdreg $0xFFFFFFFF;
	(pc) =	sbr.abs _section_cstart, $3  }
0xc4: {  	[dreg:$0x1] =	wrdreg $0xFFFFFFFF  }
0xc5: {  	_ =	task.clear_ibuf [dreg:s8], $0x2FFFF;
	_ =	strace $0x9FFFFFFF  }
0xc6: {  	(tm) =	ssettm $0x7FFFFFFF  }
0xc7: {  	_ =	shalt  }
tec
execute0_lowered:
.L_overlay_start_1:
0x0: {  	(tag) =	ssettag $0x1  }
0x1: {  	s1 =	rddreg [dreg:$0x0]  }
0x2: {  	s0 =	rddreg [dreg:$0x1]  }
0x3: {  	s5 =	rddreg [dreg:$0x2]  }
0x4: {  	s2 =	rddreg [dreg:$0x3]  }
0x5: {  	s3 =	rddreg [dreg:$0x4];
	s4 =	simm.s32 $0x0;
	s6 =	srdreg.scid  }
0x6: {  	s7 =	stileid.u32;
	[smem:$0x7FF] =	sst s4  }
0x7: {  	s15 =	sadd.s32 $0x5E00, s0;
	s16 =	sadd.s32 $0xE00, s0;
	s17 =	sadd.s32 $0xFE00, s0  }
0x8: {  	s6 =	sand.u32 $0x1, s6;
	s8 =	smul.u32 $0x280, s7;
	s18 =	sadd.s32 $0xAE00, s0  }
0x9: {  	s10 =	smul.u32 $0xA000, s7;
	_ =	strace $0x80000047;
	[dreg:$0xa] =	wrdreg s17  }
0xa: {  	s0 =	sadd.s32 $0x14E00, s0;
	s12 =	smul.u32 $0x14000, s7;
	[dreg:$0x8] =	wrdreg s15  }
0xb: {  	s9 =	ssub.s32 $0x2, s6;
	p0 =	seq.s32 s6, $0x0;
	[dreg:$0xb] =	wrdreg s18  }
0xc: {  	[dreg:$0x9] =	wrdreg s16;
	s11 =	sshrl.u32 s9, $0x1;
	s10 =	sshrl.u32 s10, $0x2  }
0xd: {  	s13 =	sadd.s32 $0x80, s8;
	s23 =	sadd.s32 s12, s2;
	s19 =	sadd.s32 $0x100, s8  }
0xe: {  	s0 =	smov.u32 @p0 s5;
	s24 =	sadd.s32 $0x180, s8;
	s8 =	sadd.s32 $0x200, s8  }
0xf: {  	s9 =	ssub.s32 s9, s11;
	s30 =	sadd.s32 s10, s3;
	s14 =	sshll.u32 s13, $0x7  }
0x10: {  	s20 =	sshll.u32 s19, $0x7;
	s11 =	sshll.u32 s19, $0x4;
	[dreg:$0xc] =	wrdreg s23  }
0x11: {  	s26 =	sshll.u32 s24, $0x7;
	s10 =	sadd.s32 s14, s2;
	[dreg:$0xd] =	wrdreg s30  }
0x12: {  	s19 =	sshll.u32 s8, $0x7;
	s21 =	sadd.s32 s11, s3;
	[dreg:$0xe] =	wrdreg s10  }
0x13: {  	s14 =	smul.u32 $0x4E0, s7;
	s5 =	sadd.s32 s26, s2;
	[dreg:$0x11] =	wrdreg s21  }
0x14: {  	s10 =	sshll.u32 s13, $0x4;
	[dreg:$0x12] =	wrdreg s5;
	s5 =	sadd.s32 s19, s2  }
0x15: {  	s28 =	simm.s32 $0x16A00;
	s13 =	sadd.s32 s10, s3;
	[dreg:$0x13] =	wrdreg s5  }
0x16: {  	s29 =	simm.s32 $0xB;
	s22 =	sadd.s32 s14, s17;
	[dreg:$0xf] =	wrdreg s13  }
0x17: {  	s31 =	simm.s32 $0x16900;
	s25 =	sadd.s32 s14, s15;
	[dreg:$0x6] =	wrdreg s22  }
0x18: {  	p2 =	seq.s32 s7, $0x0;
	s13 =	sadd.s32 s20, s2;
	[dreg:$0x7] =	wrdreg s25  }
0x19: {  	s20 =	sshll.u32 s24, $0x4;
	s24 =	sadd.s32 s0, s10;
	[dreg:$0x10] =	wrdreg s13  }
0x1a: {  	s21 =	sshll.u32 s8, $0x4;
	s25 =	sadd.s32 s0, s11;
	[dreg:$0x15] =	wrdreg s24  }
0x1b: {  	s22 =	sshrl.u32 s12, $0x3;
	s10 =	sadd.s32 s21, s3;
	[dreg:$0x16] =	wrdreg s25  }
0x1c: {  	p1 =	sne.s32 s7, $0x0;
	s8 =	sadd.s32 s0, s22;
	[dreg:$0x1a] =	wrdreg s10  }
0x1d: {  	s7 =	smul.u32 $0x2700, s7;
	s26 =	sadd.s32 s20, s3;
	[dreg:$0x14] =	wrdreg s8  }
0x1e: {  	p0 =	sne.s32 s6, $0x0;
	s6 =	sadd.s32 s0, s20;
	[dreg:$0x17] =	wrdreg s26  }
0x1f: {  	s11 =	sshrl.u32 s7, $0x3;
	s0 =	sadd.s32 s0, s21;
	[dreg:$0x18] =	wrdreg s6  }
0x20: {  	s5 =	simm.s32 $0x16980;
	s12 =	sadd.s32 s18, s11;
	[dreg:$0x19] =	wrdreg s0  }
0x21: {  	s7 =	simm.s32 $0x3;
	s13 =	sadd.s32 s17, s11;
	[dreg:$0x1b] =	wrdreg s12  }
0x22: {  	s19 =	sor.u32 $0x10, s11;
	s20 =	sadd.s32 s16, s11;
	[dreg:$0x1c] =	wrdreg s13  }
0x23: {  	s10 =	simm.s32 $0x7;
	[dreg:$0x1d] =	wrdreg s20;
	s0 =	sadd.s32 s15, s11  }
0x24: {  	s21 =	sadd.s32 s18, s19;
	s22 =	sadd.s32 s17, s19;
	s24 =	sadd.s32 s16, s19  }
0x25: {  	s25 =	sadd.s32 s15, s19;
	s26 =	smax.u32 s9, $0x1;
	[dreg:$0x1e] =	wrdreg s0  }
0x26: {  	s6 =	simm.s32 $0x16880;
	s8 =	simm.s32 $0x1;
	[dreg:$0x1f] =	wrdreg s21  }
0x27: {  	s17 =	simm.s32 $0x80;
	s19 =	simm.s32 $0x2;
	[smem:$0x7FA] =	sst s22  }
0x28: {  	s9 =	simm.s32 $0x6;
	s11 =	simm.s32 $0x9;
	[smem:$0x7FB] =	sst s24  }
0x29: {  	s12 =	simm.s32 $0x8;
	s13 =	simm.s32 $0xA;
	[smem:$0x7FC] =	sst s25  }
0x2a: {  	[smem:$0x7FD] =	sst s26;
	s25 =	sadd.s32 s14, s18;
	s26 =	sadd.s32 s14, s16  }
0x2b: {  	s0 =	simm.s32 $0x16800;
	s18 =	simm.s32 $0x4;
	s21 =	simm.s32 $0x1AA00  }
0x2c: {  	v0 =	vimm.f32 $0.0e+00;
	v1 =	vimm.f32 $1.000000000e+00;
	s22 =	simm.s32 $0x5;
	s24 =	simm.s32 $0x1EA00;
	s14 =	simm.s32 $0x0  }
.LBB2_1:
0x2d: {  	s15 =	simm.s32 $0x16A40  }
0x2e: {  	[tilespmem:s15+$0x20] =	vst v0  }
0x2f: {  	[tilespmem:s15+$0x10] =	vst v0  }
0x30: {  	[tilespmem:s15+$0x0] =	vst v0  }
0x31: {  	[tilespmem:s15+$0xFFFFFFF0] =	vst v0  }
0x32: {  	[tilespmem:s15+$0xFFFFFFE0] =	vst v0  }
0x33: {  	[tilespmem:s15+$0xFFFFFFD0] =	vst v0  }
0x34: {  	[tilespmem:s15+$0xFFFFFFC0] =	vst v0  }
0x35: {  	s20 =	simm.s32 $0x0;
	s16 =	simm.s32 $0x40;
	[tilespmem:s15+$0x30] =	vst v0  }
.LBB2_2:
0x36: {  	p3 =	sne.s32 s16, $0x1FC0;
	[tilespmem:s20+$0x1EA00] =	vst v1  }
0x37: {  	s15 =	sadd.s32 $0x80, s15;
	[tilespmem:s20+$0x1F200] =	vst v0  }
0x38: {  	[tilespmem:s15+$0x20] =	vst v0  }
0x39: {  	[tilespmem:s15+$0x10] =	vst v0  }
0x3a: {  	[tilespmem:s15+$0x0] =	vst v0  }
.Ltmp0:
0x3b: {  	[tilespmem:s15+$0xFFFFFFF0] =	vst v0;
	(pc) =	sbr.rel @p3 .LBB2_2-.Ltmp0, $4  }
0x3c: {  	[tilespmem:s15+$0xFFFFFFE0] =	vst v0  }
0x3d: {  	[tilespmem:s15+$0xFFFFFFD0] =	vst v0  }
0x3e: {  	[tilespmem:s15+$0xFFFFFFC0] =	vst v0  }
0x3f: {  	s20 =	sshra.s32 s16, $0x2;
	s16 =	sadd.s32 $0x40, s16;
	[tilespmem:s15+$0x30] =	vst v0  }
0x40: {  	[tilespmem:s20+$0x1EA00] =	vst v1  }
0x41: {  	[tilespmem:s20+$0x1F200] =	vst v0  }
0x42: {  	[spmem:s23] =	stream.linear.scatter [tilespmem:s28], [sflag:$0xB], $0x4000, $0x38;
	[tilespmem:$0x1FA00] =	vst v63  }
0x43: {  	_ =	swait.ge [sflag:s29], $0x4000  }
0x44: {  	[sflag:s29] =	ssyncset.done $0x0  }
0x45: {  	s16 =	simm.s32 $0x1F200;
	[sflag:s29] =	ssyncadd.s32 $0xFFFFC000  }
0x46: {  	[spmem:s30] =	stream.linear.scatter [tilespmem:s16], [sflag:$0xB], $0x800, $0x38;
	[tilespmem:$0x1FA00] =	vst v63  }
0x47: {  	_ =	swait.ge [sflag:s29], $0x800  }
0x48: {  	[sflag:s29] =	ssyncset.done $0x0  }
0x49: {  	s15 =	rddreg [dreg:$0xe];
	[sflag:s29] =	ssyncadd.s32 $0xFFFFF800  }
0x4a: {  	[spmem:s15] =	stream.linear.scatter [tilespmem:s28], [sflag:$0xB], $0x4000, $0x38;
	[tilespmem:$0x1FA00] =	vst v63  }
0x4b: {  	_ =	swait.ge [sflag:s29], $0x4000  }
0x4c: {  	[sflag:s29] =	ssyncset.done $0x0  }
0x4d: {  	s30 =	rddreg [dreg:$0xf];
	[sflag:s29] =	ssyncadd.s32 $0xFFFFC000  }
0x4e: {  	[spmem:s30] =	stream.linear.scatter [tilespmem:s16], [sflag:$0xB], $0x800, $0x38;
	[tilespmem:$0x1FA00] =	vst v63  }
0x4f: {  	_ =	swait.ge [sflag:s29], $0x800  }
0x50: {  	[sflag:s29] =	ssyncset.done $0x0  }
0x51: {  	s20 =	rddreg [dreg:$0x10];
	[sflag:s29] =	ssyncadd.s32 $0xFFFFF800  }
0x52: {  	[spmem:s20] =	stream.linear.scatter [tilespmem:s28], [sflag:$0xB], $0x4000, $0x38;
	[tilespmem:$0x1FA00] =	vst v63  }
0x53: {  	_ =	swait.ge [sflag:s29], $0x4000  }
0x54: {  	[sflag:s29] =	ssyncset.done $0x0  }
0x55: {  	s23 =	rddreg [dreg:$0x11];
	[sflag:s29] =	ssyncadd.s32 $0xFFFFC000  }
0x56: {  	[spmem:s23] =	stream.linear.scatter [tilespmem:s16], [sflag:$0xB], $0x800, $0x38;
	[tilespmem:$0x1FA00] =	vst v63  }
0x57: {  	_ =	swait.ge [sflag:s29], $0x800  }
0x58: {  	[sflag:s29] =	ssyncset.done $0x0  }
0x59: {  	s30 =	rddreg [dreg:$0x12];
	[sflag:s29] =	ssyncadd.s32 $0xFFFFF800  }
0x5a: {  	[spmem:s30] =	stream.linear.scatter [tilespmem:s28], [sflag:$0xB], $0x4000, $0x38;
	[tilespmem:$0x1FA00] =	vst v63  }
0x5b: {  	_ =	swait.ge [sflag:s29], $0x4000  }
0x5c: {  	[sflag:s29] =	ssyncset.done $0x0  }
0x5d: {  	s20 =	rddreg [dreg:$0x17];
	[sflag:s29] =	ssyncadd.s32 $0xFFFFC000  }
0x5e: {  	[spmem:s20] =	stream.linear.scatter [tilespmem:s16], [sflag:$0xB], $0x800, $0x38;
	[tilespmem:$0x1FA00] =	vst v63  }
0x5f: {  	_ =	swait.ge [sflag:s29], $0x800  }
0x60: {  	[sflag:s29] =	ssyncset.done $0x0  }
0x61: {  	s23 =	rddreg [dreg:$0x13];
	[sflag:s29] =	ssyncadd.s32 $0xFFFFF800  }
0x62: {  	[spmem:s23] =	stream.linear.scatter [tilespmem:s28], [sflag:$0xB], $0x4000, $0x38;
	[tilespmem:$0x1FA00] =	vst v63  }
0x63: {  	_ =	swait.ge [sflag:s29], $0x4000  }
0x64: {  	[sflag:s29] =	ssyncset.done $0x0  }
0x65: {  	s30 =	rddreg [dreg:$0x1a];
	[sflag:s29] =	ssyncadd.s32 $0xFFFFC000  }
0x66: {  	[spmem:s30] =	stream.linear.scatter [tilespmem:s16], [sflag:$0xB], $0x800, $0x38;
	[tilespmem:$0x1FA00] =	vst v63  }
.Ltmp1:
0x67: {  	_ =	swait.ge [sflag:s29], $0x800;
	(pc) =	sbr.rel @p0 .LBB2_7-.Ltmp1, $3  }
0x68: {  	[sflag:s29] =	ssyncset.done $0x0  }
0x69: {  	[sflag:s29] =	ssyncadd.s32 $0xFFFFF800  }
0x6a: {  	[bflag:$0x0] =	sbarrier.arrive $0xFFFF;
	_ =	sdelay $0x1  }
0x6b: {  	s15 =	rddreg [dreg:$0x1d]  }
0x6c: {  	s16 =	rddreg [dreg:$0x1e]  }
0x6d: {  	[tilespmem:s31], [sflag:$0x3] =	stream.linear.gather [hbm4b:s15+s4], $0x80, $0x38;
	[tilespmem:$0x1FA00] =	vst v63  }
0x6e: {  	s20 =	sld [smem:$0x7FB]  }
0x6f: {  	[tilespmem:s0], [sflag:$0x1] =	stream.linear.gather [hbm4b:s16+s4], $0x80, $0x38;
	[tilespmem:$0x1FA00] =	vst v63  }
0x70: {  	s23 =	sld [smem:$0x7FC]  }
0x71: {  	[tilespmem:s5], [sflag:$0x4] =	stream.linear.gather [hbm4b:s20+s4], $0x80, $0x38;
	[tilespmem:$0x1FA00] =	vst v63  }
0x72: {  	_ = 	snop  }
0x73: {  	[tilespmem:s6], [sflag:$0x2] =	stream.linear.gather [hbm4b:s23+s4], $0x80, $0x38;
	[tilespmem:$0x1FA00] =	vst v63  }
0x74: {  	_ =	swait.ge [sflag:s7], $0x80  }
0x75: {  	[sflag:s7] =	ssyncset.done $0x0  }
0x76: {  	[sflag:s7] =	ssyncadd.s32 $0xFFFFFF80  }
0x77: {  	_ =	swait.ge [sflag:s8], $0x80  }
0x78: {  	[sflag:s8] =	ssyncset.done $0x0  }
0x79: {  	[sflag:s8] =	ssyncadd.s32 $0xFFFFFF80  }
0x7a: {  	[tilespmem:s28], [sflag:$0x5] =	stream.indirect.gather [hbm4b:s1+s17], $0x80, s0, s17, $0xb8;
	[tilespmem:$0x1FA00] =	vst v63  }
0x7b: {  	_ =	swait.ge [sflag:s18], $0x80  }
0x7c: {  	[sflag:s18] =	ssyncset.done $0x0  }
0x7d: {  	[sflag:s18] =	ssyncadd.s32 $0xFFFFFF80  }
0x7e: {  	_ =	swait.ge [sflag:s19], $0x80  }
0x7f: {  	[sflag:s19] =	ssyncset.done $0x0  }
0x80: {  	[sflag:s19] =	ssyncadd.s32 $0xFFFFFF80  }
0x81: {  	[tilespmem:s21], [sflag:$0x6] =	stream.indirect.gather [hbm4b:s1+s17], $0x80, s6, s17, $0xb8;
	[tilespmem:$0x1FA00] =	vst v63  }
0x82: {  	_ =	swait.ge [sflag:s22], $0x4000  }
0x83: {  	[sflag:s22] =	ssyncset.done $0x0  }
0x84: {  	[sflag:s22] =	ssyncadd.s32 $0xFFFFC000  }
0x85: {  	[spmem:s2] =	stream.indirect.scatter.add.f32 [tilespmem:s28], [sflag:$0x7], $0x80, s31, s17, $0xb8;
	[tilespmem:$0x1FA00] =	vst v63  }
0x86: {  	_ = 	snop  }
0x87: {  	[spmem:s3] =	stream.indirect.scatter.add.f32 [tilespmem:s24], [sflag:$0x9], $0x10, s31, s17, $0xb8;
	[tilespmem:$0x1FA00] =	vst v63  }
0x88: {  	_ =	swait.ge [sflag:s9], $0x4000  }
0x89: {  	[sflag:s9] =	ssyncset.done $0x0  }
0x8a: {  	[sflag:s9] =	ssyncadd.s32 $0xFFFFC000  }
0x8b: {  	[spmem:s2] =	stream.indirect.scatter.add.f32 [tilespmem:s21], [sflag:$0x8], $0x80, s5, s17, $0xb8;
	[tilespmem:$0x1FA00] =	vst v63  }
0x8c: {  	_ = 	snop  }
0x8d: {  	[spmem:s3] =	stream.indirect.scatter.add.f32 [tilespmem:s24], [sflag:$0xA], $0x10, s5, s17, $0xb8;
	[tilespmem:$0x1FA00] =	vst v63  }
0x8e: {  	_ =	swait.ge [sflag:s10], $0x4000  }
0x8f: {  	[sflag:s10] =	ssyncset.done $0x0  }
0x90: {  	[sflag:s10] =	ssyncadd.s32 $0xFFFFC000  }
0x91: {  	_ =	swait.ge [sflag:s11], $0x800  }
0x92: {  	s30 =	sadd.s32 $0xFFFFFB40, s26;
	[sflag:s11] =	ssyncset.done $0x0;
	s16 =	rddreg [dreg:$0x7]  }
0x93: {  	s20 =	sadd.s32 $0x4E0, s30;
	[sflag:s11] =	ssyncadd.s32 $0xFFFFF800;
	s16 =	sadd.s32 $0xFFFFFB40, s16  }
0x94: {  	[tilespmem:s31], [sflag:$0x3] =	stream.linear.gather [hbm4b:s20+s4], $0x80, $0x38;
	[tilespmem:$0x1FA00] =	vst v63  }
0x95: {  	s23 =	sadd.s32 $0x4E0, s16  }
0x96: {  	[tilespmem:s0], [sflag:$0x1] =	stream.linear.gather [hbm4b:s23+s4], $0x80, $0x38;
	[tilespmem:$0x1FA00] =	vst v63  }
0x97: {  	_ =	swait.ge [sflag:s12], $0x4000  }
0x98: {  	[sflag:s12] =	ssyncset.done $0x0  }
0x99: {  	[sflag:s12] =	ssyncadd.s32 $0xFFFFC000  }
0x9a: {  	_ =	swait.ge [sflag:s13], $0x800  }
0x9b: {  	[sflag:s13] =	ssyncset.done $0x0  }
0x9c: {  	s15 =	sadd.s32 $0x4F0, s30;
	[sflag:s13] =	ssyncadd.s32 $0xFFFFF800  }
0x9d: {  	[tilespmem:s5], [sflag:$0x4] =	stream.linear.gather [hbm4b:s15+s4], $0x80, $0x38;
	[tilespmem:$0x1FA00] =	vst v63  }
0x9e: {  	s30 =	sadd.s32 $0x4F0, s16  }
0x9f: {  	[tilespmem:s6], [sflag:$0x2] =	stream.linear.gather [hbm4b:s30+s4], $0x80, $0x38;
	[tilespmem:$0x1FA00] =	vst v63  }
0xa0: {  	_ =	swait.ge [sflag:s7], $0x80  }
0xa1: {  	[sflag:s7] =	ssyncset.done $0x0  }
0xa2: {  	[sflag:s7] =	ssyncadd.s32 $0xFFFFFF80  }
0xa3: {  	_ =	swait.ge [sflag:s8], $0x80  }
0xa4: {  	[sflag:s8] =	ssyncset.done $0x0  }
0xa5: {  	[sflag:s8] =	ssyncadd.s32 $0xFFFFFF80  }
0xa6: {  	[tilespmem:s28], [sflag:$0x5] =	stream.indirect.gather [hbm4b:s1+s17], $0x80, s0, s17, $0xb8;
	[tilespmem:$0x1FA00] =	vst v63  }
0xa7: {  	_ =	swait.ge [sflag:s18], $0x80  }
0xa8: {  	[sflag:s18] =	ssyncset.done $0x0  }
0xa9: {  	[sflag:s18] =	ssyncadd.s32 $0xFFFFFF80  }
0xaa: {  	_ =	swait.ge [sflag:s19], $0x80  }
0xab: {  	s15 =	simm.s32 $0xFFFFFB60;
	[sflag:s19] =	ssyncset.done $0x0  }
.LBB2_5:
0xac: {  	[sflag:s19] =	ssyncadd.s32 $0xFFFFFF80  }
0xad: {  	[tilespmem:s21], [sflag:$0x6] =	stream.indirect.gather [hbm4b:s1+s17], $0x80, s6, s17, $0xb8;
	[tilespmem:$0x1FA00] =	vst v63  }
0xae: {  	_ =	swait.ge [sflag:s22], $0x4000  }
0xaf: {  	[sflag:s22] =	ssyncset.done $0x0  }
0xb0: {  	[sflag:s22] =	ssyncadd.s32 $0xFFFFC000  }
0xb1: {  	[spmem:s2] =	stream.indirect.scatter.add.f32 [tilespmem:s28], [sflag:$0x7], $0x80, s31, s17, $0xb8;
	[tilespmem:$0x1FA00] =	vst v63  }
0xb2: {  	_ = 	snop  }
0xb3: {  	[spmem:s3] =	stream.indirect.scatter.add.f32 [tilespmem:s24], [sflag:$0x9], $0x10, s31, s17, $0xb8;
	[tilespmem:$0x1FA00] =	vst v63  }
0xb4: {  	_ =	swait.ge [sflag:s9], $0x4000  }
0xb5: {  	[sflag:s9] =	ssyncset.done $0x0  }
0xb6: {  	[sflag:s9] =	ssyncadd.s32 $0xFFFFC000  }
0xb7: {  	[spmem:s2] =	stream.indirect.scatter.add.f32 [tilespmem:s21], [sflag:$0x8], $0x80, s5, s17, $0xb8;
	[tilespmem:$0x1FA00] =	vst v63  }
0xb8: {  	_ = 	snop  }
0xb9: {  	[spmem:s3] =	stream.indirect.scatter.add.f32 [tilespmem:s24], [sflag:$0xA], $0x10, s5, s17, $0xb8;
	[tilespmem:$0x1FA00] =	vst v63  }
0xba: {  	_ =	swait.ge [sflag:s10], $0x4000  }
0xbb: {  	[sflag:s10] =	ssyncset.done $0x0  }
0xbc: {  	[sflag:s10] =	ssyncadd.s32 $0xFFFFC000  }
0xbd: {  	s16 =	smov.u32 s15;
	_ =	swait.ge [sflag:s11], $0x800  }
0xbe: {  	s20 =	sadd.s32 s16, s26;
	[sflag:s11] =	ssyncset.done $0x0;
	s23 =	rddreg [dreg:$0x7]  }
0xbf: {  	s30 =	sadd.s32 $0x4E0, s20;
	[sflag:s11] =	ssyncadd.s32 $0xFFFFF800;
	s16 =	sadd.s32 s16, s23  }
0xc0: {  	[tilespmem:s31], [sflag:$0x3] =	stream.linear.gather [hbm4b:s30+s4], $0x80, $0x38;
	[tilespmem:$0x1FA00] =	vst v63  }
0xc1: {  	s23 =	sadd.s32 $0x4E0, s16  }
0xc2: {  	[tilespmem:s0], [sflag:$0x1] =	stream.linear.gather [hbm4b:s23+s4], $0x80, $0x38;
	[tilespmem:$0x1FA00] =	vst v63  }
0xc3: {  	_ =	swait.ge [sflag:s12], $0x4000  }
0xc4: {  	[sflag:s12] =	ssyncset.done $0x0  }
0xc5: {  	[sflag:s12] =	ssyncadd.s32 $0xFFFFC000  }
0xc6: {  	_ =	swait.ge [sflag:s13], $0x800  }
0xc7: {  	[sflag:s13] =	ssyncset.done $0x0  }
0xc8: {  	s20 =	sadd.s32 $0x4F0, s20;
	[sflag:s13] =	ssyncadd.s32 $0xFFFFF800  }
0xc9: {  	[tilespmem:s5], [sflag:$0x4] =	stream.linear.gather [hbm4b:s20+s4], $0x80, $0x38;
	[tilespmem:$0x1FA00] =	vst v63  }
0xca: {  	s16 =	sadd.s32 $0x4F0, s16  }
0xcb: {  	[tilespmem:s6], [sflag:$0x2] =	stream.linear.gather [hbm4b:s16+s4], $0x80, $0x38;
	[tilespmem:$0x1FA00] =	vst v63  }
0xcc: {  	_ =	swait.ge [sflag:s7], $0x80  }
0xcd: {  	[sflag:s7] =	ssyncset.done $0x0  }
0xce: {  	[sflag:s7] =	ssyncadd.s32 $0xFFFFFF80  }
0xcf: {  	_ =	swait.ge [sflag:s8], $0x80  }
0xd0: {  	[sflag:s8] =	ssyncset.done $0x0  }
0xd1: {  	p3 =	sne.s32 s15, $0xFFFFFFE0;
	[sflag:s8] =	ssyncadd.s32 $0xFFFFFF80  }
0xd2: {  	[tilespmem:s28], [sflag:$0x5] =	stream.indirect.gather [hbm4b:s1+s17], $0x80, s0, s17, $0xb8;
	[tilespmem:$0x1FA00] =	vst v63  }
.Ltmp2:
0xd3: {  	_ =	swait.ge [sflag:s18], $0x80;
	(pc) =	sbr.rel @p3 .LBB2_5-.Ltmp2, $4  }
0xd4: {  	[sflag:s18] =	ssyncset.done $0x0  }
0xd5: {  	[sflag:s18] =	ssyncadd.s32 $0xFFFFFF80  }
0xd6: {  	_ =	swait.ge [sflag:s19], $0x80  }
0xd7: {  	s15 =	sadd.s32 $0x20, s15;
	[sflag:s19] =	ssyncset.done $0x0  }
0xd8: {  	[sflag:s19] =	ssyncadd.s32 $0xFFFFFF80  }
0xd9: {  	[tilespmem:s21], [sflag:$0x6] =	stream.indirect.gather [hbm4b:s1+s17], $0x80, s6, s17, $0xb8;
	[tilespmem:$0x1FA00] =	vst v63  }
0xda: {  	_ =	swait.ge [sflag:s22], $0x4000  }
0xdb: {  	[sflag:s22] =	ssyncset.done $0x0  }
0xdc: {  	[sflag:s22] =	ssyncadd.s32 $0xFFFFC000  }
0xdd: {  	[spmem:s2] =	stream.indirect.scatter.add.f32 [tilespmem:s28], [sflag:$0x7], $0x80, s31, s17, $0xb8;
	[tilespmem:$0x1FA00] =	vst v63  }
0xde: {  	_ = 	snop  }
0xdf: {  	[spmem:s3] =	stream.indirect.scatter.add.f32 [tilespmem:s24], [sflag:$0x9], $0x10, s31, s17, $0xb8;
	[tilespmem:$0x1FA00] =	vst v63  }
0xe0: {  	_ =	swait.ge [sflag:s9], $0x4000  }
0xe1: {  	[sflag:s9] =	ssyncset.done $0x0  }
0xe2: {  	[sflag:s9] =	ssyncadd.s32 $0xFFFFC000  }
0xe3: {  	[spmem:s2] =	stream.indirect.scatter.add.f32 [tilespmem:s21], [sflag:$0x8], $0x80, s5, s17, $0xb8;
	[tilespmem:$0x1FA00] =	vst v63  }
0xe4: {  	_ = 	snop  }
0xe5: {  	[spmem:s3] =	stream.indirect.scatter.add.f32 [tilespmem:s24], [sflag:$0xA], $0x10, s5, s17, $0xb8;
	[tilespmem:$0x1FA00] =	vst v63  }
0xe6: {  	_ =	swait.ge [sflag:s10], $0x4000  }
0xe7: {  	[sflag:s10] =	ssyncset.done $0x0  }
0xe8: {  	[sflag:s10] =	ssyncadd.s32 $0xFFFFC000  }
0xe9: {  	_ =	swait.ge [sflag:s11], $0x800  }
0xea: {  	[sflag:s11] =	ssyncset.done $0x0  }
0xeb: {  	[sflag:s11] =	ssyncadd.s32 $0xFFFFF800  }
0xec: {  	_ =	swait.ge [sflag:s12], $0x4000  }
.Ltmp3:
0xed: {  	[sflag:s12] =	ssyncset.done $0x0;
	(pc) =	sbr.rel @!p2 .LBB2_11-.Ltmp3, $4  }
0xee: {  	[sflag:s12] =	ssyncadd.s32 $0xFFFFC000  }
0xef: {  	_ =	swait.ge [sflag:s13], $0x800  }
0xf0: {  	[sflag:s13] =	ssyncset.done $0x0;
	s16 =	rddreg [dreg:$0x9]  }
0xf1: {  	s15 =	rddreg [dreg:$0x8];
	[sflag:s13] =	ssyncadd.s32 $0xFFFFF800  }
.LBB2_10:
0xf2: {  	s20 =	sadd.s32 $0x4E00, s16  }
0xf3: {  	[tilespmem:s31], [sflag:$0xB] =	stream.linear.gather [hbm4b:s20+s4], $0x80, $0x38;
	[tilespmem:$0x1FA00] =	vst v63  }
0xf4: {  	_ =	swait.ge [sflag:s29], $0x80  }
0xf5: {  	[sflag:s29] =	ssyncset.done $0x0  }
0xf6: {  	s30 =	sadd.s32 $0x4E00, s15;
	[sflag:s29] =	ssyncadd.s32 $0xFFFFFF80  }
0xf7: {  	[tilespmem:s0], [sflag:$0xB] =	stream.linear.gather [hbm4b:s30+s4], $0x80, $0x38;
	[tilespmem:$0x1FA00] =	vst v63  }
0xf8: {  	_ =	swait.ge [sflag:s29], $0x80  }
0xf9: {  	[sflag:s29] =	ssyncset.done $0x0  }
0xfa: {  	[sflag:s29] =	ssyncadd.s32 $0xFFFFFF80  }
0xfb: {  	[tilespmem:s28], [sflag:$0x5] =	stream.indirect.gather [hbm4b:s1+s17], $0x80, s0, s17, $0xb8;
	[tilespmem:$0x1FA00] =	vst v63  }
0xfc: {  	_ =	swait.ge [sflag:s22], $0x4000  }
0xfd: {  	[sflag:s22] =	ssyncset.done $0x0  }
0xfe: {  	[sflag:s22] =	ssyncadd.s32 $0xFFFFC000  }
0xff: {  	[spmem:s2] =	stream.indirect.scatter.add.f32 [tilespmem:s28], [sflag:$0xB], $0x80, s31, s17, $0xb8;
	[tilespmem:$0x1FA00] =	vst v63  }
0x100: {  	_ =	swait.ge [sflag:s29], $0x4000  }
0x101: {  	[sflag:s29] =	ssyncset.done $0x0  }
0x102: {  	[sflag:s29] =	ssyncadd.s32 $0xFFFFC000  }
0x103: {  	[spmem:s3] =	stream.indirect.scatter.add.f32 [tilespmem:s24], [sflag:$0xB], $0x10, s31, s17, $0xb8;
	[tilespmem:$0x1FA00] =	vst v63  }
0x104: {  	_ =	swait.ge [sflag:s29], $0x800  }
0x105: {  	[sflag:s29] =	ssyncset.done $0x0  }
0x106: {  	s23 =	sadd.s32 $0x4E10, s16;
	[sflag:s29] =	ssyncadd.s32 $0xFFFFF800  }
0x107: {  	[tilespmem:s31], [sflag:$0xB] =	stream.linear.gather [hbm4b:s23+s4], $0x80, $0x38;
	[tilespmem:$0x1FA00] =	vst v63  }
0x108: {  	_ =	swait.ge [sflag:s29], $0x80  }
0x109: {  	[sflag:s29] =	ssyncset.done $0x0  }
0x10a: {  	s30 =	sadd.s32 $0x4E10, s15;
	[sflag:s29] =	ssyncadd.s32 $0xFFFFFF80  }
0x10b: {  	[tilespmem:s0], [sflag:$0xB] =	stream.linear.gather [hbm4b:s30+s4], $0x80, $0x38;
	[tilespmem:$0x1FA00] =	vst v63  }
0x10c: {  	_ =	swait.ge [sflag:s29], $0x80  }
0x10d: {  	[sflag:s29] =	ssyncset.done $0x0  }
0x10e: {  	[sflag:s29] =	ssyncadd.s32 $0xFFFFFF80  }
0x10f: {  	[tilespmem:s28], [sflag:$0x5] =	stream.indirect.gather [hbm4b:s1+s17], $0x80, s0, s17, $0xb8;
	[tilespmem:$0x1FA00] =	vst v63  }
0x110: {  	_ =	swait.ge [sflag:s22], $0x4000  }
0x111: {  	[sflag:s22] =	ssyncset.done $0x0  }
0x112: {  	[sflag:s22] =	ssyncadd.s32 $0xFFFFC000  }
0x113: {  	[spmem:s2] =	stream.indirect.scatter.add.f32 [tilespmem:s28], [sflag:$0xB], $0x80, s31, s17, $0xb8;
	[tilespmem:$0x1FA00] =	vst v63  }
0x114: {  	_ =	swait.ge [sflag:s29], $0x4000  }
0x115: {  	[sflag:s29] =	ssyncset.done $0x0  }
0x116: {  	[sflag:s29] =	ssyncadd.s32 $0xFFFFC000  }
0x117: {  	[spmem:s3] =	stream.indirect.scatter.add.f32 [tilespmem:s24], [sflag:$0xB], $0x10, s31, s17, $0xb8;
	[tilespmem:$0x1FA00] =	vst v63  }
0x118: {  	_ =	swait.ge [sflag:s29], $0x800  }
0x119: {  	[sflag:s29] =	ssyncset.done $0x0  }
0x11a: {  	[sflag:s29] =	ssyncadd.s32 $0xFFFFF800  }
.LBB2_11:
0x11b: {  	[bflag:$0x0] =	sbarrier.arrive $0xFFFF  }
0x11c: {  	s23 =	rddreg [dreg:$0xc]  }
0x11d: {  	[tilespmem:s28], [sflag:$0xB] =	stream.linear.gather [spmem:s23], $0x4000, $0x38;
	[tilespmem:$0x1FA00] =	vst v63  }
0x11e: {  	_ =	swait.ge [sflag:s29], $0x4000  }
0x11f: {  	[sflag:s29] =	ssyncset.done $0x0  }
0x120: {  	s15 =	simm.s32 $0x1F200;
	s30 =	rddreg [dreg:$0xd];
	[sflag:s29] =	ssyncadd.s32 $0xFFFFC000  }
0x121: {  	[tilespmem:s15], [sflag:$0xB] =	stream.linear.gather [spmem:s30], $0x800, $0x38;
	[tilespmem:$0x1FA00] =	vst v63  }
0x122: {  	_ =	swait.ge [sflag:s29], $0x800  }
0x123: {  	[sflag:s29] =	ssyncset.done $0x0  }
0x124: {  	s20 =	simm.s32 $0x0;
	[sflag:s29] =	ssyncadd.s32 $0xFFFFF800  }
0x125: {  	v2 =	vld [tilespmem:s20+$0x1F200];
	_ =	sdelay $0x4  }
0x126: {  	v2 =	vmax.f32 v2, $1.000000000e+00  }
0x127: {  	(erf) = vrcp.f32 v2;
	_ =	sdelay $0x3  }
0x128: {  	s15 =	simm.s32 $0x16A40  }
0x129: {  	v2 =	vld [tilespmem:s15+$0xFFFFFFC0]  }
0x12a: {  	v3 =	vld [tilespmem:s15+$0xFFFFFFD0]  }
0x12b: {  	v4 =	vld [tilespmem:s15+$0xFFFFFFE0]  }
0x12c: {  	v8 =	vld [tilespmem:s15+$0x10]  }
0x12d: {  	v5 =	vld [tilespmem:s15+$0xFFFFFFF0];
	v7 =	vpop (erf)  }
0x12e: {  	v6 =	vld [tilespmem:s15+$0x0];
	v2 =	vmul.f32 v7, v2  }
0x12f: {  	v9 =	vld [tilespmem:s15+$0x20];
	v3 =	vmul.f32 v3, v7  }
0x130: {  	v10 =	vld [tilespmem:s15+$0x30];
	v4 =	vmul.f32 v4, v7;
	[tilespmem:s15+$0xFFFFFFC0] =	vst v2  }
0x131: {  	v63 =	vmul.f32 v8, v7;
	[tilespmem:s15+$0xFFFFFFD0] =	vst v3  }
0x132: {  	v2 =	vmul.f32 v5, v7;
	[tilespmem:s15+$0xFFFFFFE0] =	vst v4  }
0x133: {  	v3 =	vmul.f32 v6, v7;
	[tilespmem:s15+$0x10] =	vst v63  }
0x134: {  	[tilespmem:s15+$0xFFFFFFF0] =	vst v2;
	v2 =	vmul.f32 v9, v7  }
0x135: {  	[tilespmem:s15+$0x0] =	vst v3;
	v3 =	vmul.f32 v10, v7  }
0x136: {  	[tilespmem:s15+$0x20] =	vst v2  }
0x137: {  	s16 =	simm.s32 $0x80;
	s20 =	simm.s32 $0x10;
	[tilespmem:s15+$0x30] =	vst v3  }
.LBB2_12:
0x138: {  	p3 =	sne.s32 s16, $0x1FC0;
	v2 =	vld [tilespmem:s20+$0x1F200];
	_ =	sdelay $0x4  }
0x139: {  	v2 =	vmax.f32 v2, $1.000000000e+00  }
0x13a: {  	s15 =	sadd.s32 $0x80, s15;
	(erf) = vrcp.f32 v2  }
0x13b: {  	v2 =	vld [tilespmem:s15+$0xFFFFFFF0]  }
0x13c: {  	v3 =	vld [tilespmem:s15+$0x30]  }
0x13d: {  	v4 =	vld [tilespmem:s15+$0x10]  }
0x13e: {  	v5 =	vld [tilespmem:s15+$0xFFFFFFD0]  }
0x13f: {  	v6 =	vld [tilespmem:s15+$0xFFFFFFC0]  }
0x140: {  	v7 =	vld [tilespmem:s15+$0xFFFFFFE0]  }
0x141: {  	v8 =	vld [tilespmem:s15+$0x0]  }
0x142: {  	v9 =	vld [tilespmem:s15+$0x20]  }
0x143: {  	v10 =	vpop (erf)  }
0x144: {  	v6 =	vmul.f32 v10, v6;
	v5 =	vmul.f32 v5, v10  }
0x145: {  	v2 =	vmul.f32 v2, v10;
	v7 =	vmul.f32 v7, v10  }
0x146: {  	v4 =	vmul.f32 v4, v10;
	[tilespmem:s15+$0xFFFFFFC0] =	vst v6;
	v6 =	vmul.f32 v8, v10  }
0x147: {  	v3 =	vmul.f32 v3, v10;
	[tilespmem:s15+$0xFFFFFFD0] =	vst v5;
	v5 =	vmul.f32 v9, v10  }
0x148: {  	[tilespmem:s15+$0xFFFFFFE0] =	vst v7  }
.Ltmp4:
0x149: {  	[tilespmem:s15+$0xFFFFFFF0] =	vst v2;
	(pc) =	sbr.rel @p3 .LBB2_12-.Ltmp4, $4  }
0x14a: {  	[tilespmem:s15+$0x0] =	vst v6  }
0x14b: {  	[tilespmem:s15+$0x10] =	vst v4  }
0x14c: {  	[tilespmem:s15+$0x20] =	vst v5  }
0x14d: {  	s20 =	sshra.s32 s16, $0x2;
	s16 =	sadd.s32 $0x40, s16;
	[tilespmem:s15+$0x30] =	vst v3  }
0x14e: {  	v2 =	vld [tilespmem:s20+$0x1F200];
	_ =	sdelay $0x4  }
0x14f: {  	v2 =	vmax.f32 v2, $1.000000000e+00  }
0x150: {  	(erf) = vrcp.f32 v2;
	_ =	sdelay $0x3  }
0x151: {  	s15 =	sadd.s32 $0x80, s15  }
0x152: {  	v2 =	vld [tilespmem:s15+$0xFFFFFFC0]  }
0x153: {  	v3 =	vld [tilespmem:s15+$0xFFFFFFD0]  }
0x154: {  	v4 =	vld [tilespmem:s15+$0xFFFFFFE0]  }
0x155: {  	v8 =	vld [tilespmem:s15+$0x10]  }
0x156: {  	v5 =	vld [tilespmem:s15+$0xFFFFFFF0];
	v7 =	vpop (erf)  }
0x157: {  	v6 =	vld [tilespmem:s15+$0x0];
	v2 =	vmul.f32 v7, v2  }
0x158: {  	v9 =	vld [tilespmem:s15+$0x20];
	v3 =	vmul.f32 v3, v7  }
0x159: {  	v10 =	vld [tilespmem:s15+$0x30];
	v4 =	vmul.f32 v4, v7;
	[tilespmem:s15+$0xFFFFFFC0] =	vst v2  }
0x15a: {  	v55 =	vmul.f32 v8, v7;
	[tilespmem:s15+$0xFFFFFFD0] =	vst v3  }
0x15b: {  	v2 =	vmul.f32 v5, v7;
	[tilespmem:s15+$0xFFFFFFE0] =	vst v4  }
0x15c: {  	v3 =	vmul.f32 v6, v7;
	[tilespmem:s15+$0x10] =	vst v55  }
0x15d: {  	[tilespmem:s15+$0xFFFFFFF0] =	vst v2;
	v2 =	vmul.f32 v9, v7  }
0x15e: {  	[tilespmem:s15+$0x0] =	vst v3;
	v3 =	vmul.f32 v10, v7  }
0x15f: {  	[tilespmem:s15+$0x20] =	vst v2  }
0x160: {  	s20 =	simm.s32 $0x0;
	s16 =	rddreg [dreg:$0x14];
	[tilespmem:s15+$0x30] =	vst v3  }
0x161: {  	[hbm4b:s16+s20] =	stream.linear.scatter [tilespmem:s28], [sflag:$0xB], $0x4000, $0x38;
	[tilespmem:$0x1FA00] =	vst v63  }
0x162: {  	_ =	swait.ge [sflag:s29], $0x4000  }
0x163: {  	[sflag:s29] =	ssyncset.done $0x0  }
0x164: {  	s20 =	rddreg [dreg:$0xe];
	[sflag:s29] =	ssyncadd.s32 $0xFFFFC000  }
0x165: {  	[tilespmem:s28], [sflag:$0xB] =	stream.linear.gather [spmem:s20], $0x4000, $0x38;
	[tilespmem:$0x1FA00] =	vst v63  }
0x166: {  	_ =	swait.ge [sflag:s29], $0x4000  }
0x167: {  	[sflag:s29] =	ssyncset.done $0x0  }
0x168: {  	s20 =	simm.s32 $0x1F200;
	s16 =	rddreg [dreg:$0xf];
	[sflag:s29] =	ssyncadd.s32 $0xFFFFC000  }
0x169: {  	[tilespmem:s20], [sflag:$0xB] =	stream.linear.gather [spmem:s16], $0x800, $0x38;
	[tilespmem:$0x1FA00] =	vst v63  }
0x16a: {  	_ =	swait.ge [sflag:s29], $0x800  }
0x16b: {  	[sflag:s29] =	ssyncset.done $0x0  }
0x16c: {  	s20 =	simm.s32 $0x0;
	[sflag:s29] =	ssyncadd.s32 $0xFFFFF800  }
0x16d: {  	v2 =	vld [tilespmem:s20+$0x1F200];
	_ =	sdelay $0x4  }
0x16e: {  	v2 =	vmax.f32 v2, $1.000000000e+00  }
0x16f: {  	(erf) = vrcp.f32 v2;
	_ =	sdelay $0x3  }
0x170: {  	s15 =	simm.s32 $0x16A40  }
0x171: {  	v2 =	vld [tilespmem:s15+$0xFFFFFFC0]  }
0x172: {  	v3 =	vld [tilespmem:s15+$0xFFFFFFD0]  }
0x173: {  	v56 =	vld [tilespmem:s15+$0xFFFFFFE0]  }
0x174: {  	v60 =	vld [tilespmem:s15+$0x10]  }
0x175: {  	v57 =	vld [tilespmem:s15+$0xFFFFFFF0];
	v59 =	vpop (erf)  }
0x176: {  	v58 =	vld [tilespmem:s15+$0x0];
	v2 =	vmul.f32 v59, v2  }
0x177: {  	v61 =	vld [tilespmem:s15+$0x20];
	v3 =	vmul.f32 v3, v59  }
0x178: {  	v62 =	vld [tilespmem:s15+$0x30];
	v4 =	vmul.f32 v56, v59;
	[tilespmem:s15+$0xFFFFFFC0] =	vst v2  }
0x179: {  	v63 =	vmul.f32 v60, v59;
	[tilespmem:s15+$0xFFFFFFD0] =	vst v3  }
0x17a: {  	v2 =	vmul.f32 v57, v59;
	[tilespmem:s15+$0xFFFFFFE0] =	vst v4  }
0x17b: {  	v3 =	vmul.f32 v58, v59;
	[tilespmem:s15+$0x10] =	vst v63  }
0x17c: {  	[tilespmem:s15+$0xFFFFFFF0] =	vst v2;
	v2 =	vmul.f32 v61, v59  }
0x17d: {  	[tilespmem:s15+$0x0] =	vst v3;
	v3 =	vmul.f32 v62, v59  }
0x17e: {  	[tilespmem:s15+$0x20] =	vst v2  }
0x17f: {  	s16 =	simm.s32 $0x80;
	s20 =	simm.s32 $0x10;
	[tilespmem:s15+$0x30] =	vst v3  }
.LBB2_14:
0x180: {  	p3 =	sne.s32 s16, $0x1FC0;
	v2 =	vld [tilespmem:s20+$0x1F200];
	_ =	sdelay $0x4  }
0x181: {  	v2 =	vmax.f32 v2, $1.000000000e+00  }
0x182: {  	s15 =	sadd.s32 $0x80, s15;
	(erf) = vrcp.f32 v2  }
0x183: {  	v2 =	vld [tilespmem:s15+$0xFFFFFFF0]  }
0x184: {  	v3 =	vld [tilespmem:s15+$0x30]  }
0x185: {  	v4 =	vld [tilespmem:s15+$0x10]  }
0x186: {  	v5 =	vld [tilespmem:s15+$0xFFFFFFD0]  }
0x187: {  	v6 =	vld [tilespmem:s15+$0xFFFFFFC0]  }
0x188: {  	v7 =	vld [tilespmem:s15+$0xFFFFFFE0]  }
0x189: {  	v8 =	vld [tilespmem:s15+$0x0]  }
0x18a: {  	v9 =	vld [tilespmem:s15+$0x20]  }
0x18b: {  	v10 =	vpop (erf)  }
0x18c: {  	v6 =	vmul.f32 v10, v6;
	v5 =	vmul.f32 v5, v10  }
0x18d: {  	v2 =	vmul.f32 v2, v10;
	v7 =	vmul.f32 v7, v10  }
0x18e: {  	v4 =	vmul.f32 v4, v10;
	[tilespmem:s15+$0xFFFFFFC0] =	vst v6;
	v6 =	vmul.f32 v8, v10  }
0x18f: {  	v3 =	vmul.f32 v3, v10;
	[tilespmem:s15+$0xFFFFFFD0] =	vst v5;
	v5 =	vmul.f32 v9, v10  }
0x190: {  	[tilespmem:s15+$0xFFFFFFE0] =	vst v7  }
.Ltmp5:
0x191: {  	[tilespmem:s15+$0xFFFFFFF0] =	vst v2;
	(pc) =	sbr.rel @p3 .LBB2_14-.Ltmp5, $4  }
0x192: {  	[tilespmem:s15+$0x0] =	vst v6  }
0x193: {  	[tilespmem:s15+$0x10] =	vst v4  }
0x194: {  	[tilespmem:s15+$0x20] =	vst v5  }
0x195: {  	s20 =	sshra.s32 s16, $0x2;
	s16 =	sadd.s32 $0x40, s16;
	[tilespmem:s15+$0x30] =	vst v3  }
0x196: {  	v2 =	vld [tilespmem:s20+$0x1F200];
	_ =	sdelay $0x4  }
0x197: {  	v2 =	vmax.f32 v2, $1.000000000e+00  }
0x198: {  	(erf) = vrcp.f32 v2;
	_ =	sdelay $0x3  }
0x199: {  	s15 =	sadd.s32 $0x80, s15  }
0x19a: {  	v2 =	vld [tilespmem:s15+$0xFFFFFFC0]  }
0x19b: {  	v3 =	vld [tilespmem:s15+$0xFFFFFFD0]  }
0x19c: {  	v4 =	vld [tilespmem:s15+$0xFFFFFFE0]  }
0x19d: {  	v8 =	vld [tilespmem:s15+$0x10]  }
0x19e: {  	v5 =	vld [tilespmem:s15+$0xFFFFFFF0];
	v7 =	vpop (erf)  }
0x19f: {  	v6 =	vld [tilespmem:s15+$0x0];
	v2 =	vmul.f32 v7, v2  }
0x1a0: {  	v9 =	vld [tilespmem:s15+$0x20];
	v3 =	vmul.f32 v3, v7  }
0x1a1: {  	v10 =	vld [tilespmem:s15+$0x30];
	v4 =	vmul.f32 v4, v7;
	[tilespmem:s15+$0xFFFFFFC0] =	vst v2  }
0x1a2: {  	v55 =	vmul.f32 v8, v7;
	[tilespmem:s15+$0xFFFFFFD0] =	vst v3  }
0x1a3: {  	v2 =	vmul.f32 v5, v7;
	[tilespmem:s15+$0xFFFFFFE0] =	vst v4  }
0x1a4: {  	v3 =	vmul.f32 v6, v7;
	[tilespmem:s15+$0x10] =	vst v55  }
0x1a5: {  	[tilespmem:s15+$0xFFFFFFF0] =	vst v2;
	v2 =	vmul.f32 v9, v7  }
0x1a6: {  	[tilespmem:s15+$0x0] =	vst v3;
	v3 =	vmul.f32 v10, v7  }
0x1a7: {  	[tilespmem:s15+$0x20] =	vst v2  }
0x1a8: {  	s20 =	simm.s32 $0x0;
	s16 =	rddreg [dreg:$0x15];
	[tilespmem:s15+$0x30] =	vst v3  }
0x1a9: {  	[hbm4b:s16+s20] =	stream.linear.scatter [tilespmem:s28], [sflag:$0xB], $0x4000, $0x38;
	[tilespmem:$0x1FA00] =	vst v63  }
0x1aa: {  	_ =	swait.ge [sflag:s29], $0x4000  }
0x1ab: {  	[sflag:s29] =	ssyncset.done $0x0  }
0x1ac: {  	s20 =	rddreg [dreg:$0x10];
	[sflag:s29] =	ssyncadd.s32 $0xFFFFC000  }
0x1ad: {  	[tilespmem:s28], [sflag:$0xB] =	stream.linear.gather [spmem:s20], $0x4000, $0x38;
	[tilespmem:$0x1FA00] =	vst v63  }
0x1ae: {  	_ =	swait.ge [sflag:s29], $0x4000  }
0x1af: {  	[sflag:s29] =	ssyncset.done $0x0  }
0x1b0: {  	s20 =	simm.s32 $0x1F200;
	s16 =	rddreg [dreg:$0x11];
	[sflag:s29] =	ssyncadd.s32 $0xFFFFC000  }
0x1b1: {  	[tilespmem:s20], [sflag:$0xB] =	stream.linear.gather [spmem:s16], $0x800, $0x38;
	[tilespmem:$0x1FA00] =	vst v63  }
0x1b2: {  	_ =	swait.ge [sflag:s29], $0x800  }
0x1b3: {  	[sflag:s29] =	ssyncset.done $0x0  }
0x1b4: {  	s20 =	simm.s32 $0x0;
	[sflag:s29] =	ssyncadd.s32 $0xFFFFF800  }
0x1b5: {  	v2 =	vld [tilespmem:s20+$0x1F200];
	_ =	sdelay $0x4  }
0x1b6: {  	v2 =	vmax.f32 v2, $1.000000000e+00  }
0x1b7: {  	(erf) = vrcp.f32 v2;
	_ =	sdelay $0x3  }
0x1b8: {  	s15 =	simm.s32 $0x16A40  }
0x1b9: {  	v2 =	vld [tilespmem:s15+$0xFFFFFFC0]  }
0x1ba: {  	v3 =	vld [tilespmem:s15+$0xFFFFFFD0]  }
0x1bb: {  	v56 =	vld [tilespmem:s15+$0xFFFFFFE0]  }
0x1bc: {  	v60 =	vld [tilespmem:s15+$0x10]  }
0x1bd: {  	v57 =	vld [tilespmem:s15+$0xFFFFFFF0];
	v59 =	vpop (erf)  }
0x1be: {  	v58 =	vld [tilespmem:s15+$0x0];
	v2 =	vmul.f32 v59, v2  }
0x1bf: {  	v61 =	vld [tilespmem:s15+$0x20];
	v3 =	vmul.f32 v3, v59  }
0x1c0: {  	v62 =	vld [tilespmem:s15+$0x30];
	v4 =	vmul.f32 v56, v59;
	[tilespmem:s15+$0xFFFFFFC0] =	vst v2  }
0x1c1: {  	v63 =	vmul.f32 v60, v59;
	[tilespmem:s15+$0xFFFFFFD0] =	vst v3  }
0x1c2: {  	v2 =	vmul.f32 v57, v59;
	[tilespmem:s15+$0xFFFFFFE0] =	vst v4  }
0x1c3: {  	v3 =	vmul.f32 v58, v59;
	[tilespmem:s15+$0x10] =	vst v63  }
0x1c4: {  	[tilespmem:s15+$0xFFFFFFF0] =	vst v2;
	v2 =	vmul.f32 v61, v59  }
0x1c5: {  	[tilespmem:s15+$0x0] =	vst v3;
	v3 =	vmul.f32 v62, v59  }
0x1c6: {  	[tilespmem:s15+$0x20] =	vst v2  }
0x1c7: {  	s16 =	simm.s32 $0x80;
	s20 =	simm.s32 $0x10;
	[tilespmem:s15+$0x30] =	vst v3  }
.LBB2_16:
0x1c8: {  	p3 =	sne.s32 s16, $0x1FC0;
	v2 =	vld [tilespmem:s20+$0x1F200];
	_ =	sdelay $0x4  }
0x1c9: {  	v2 =	vmax.f32 v2, $1.000000000e+00  }
0x1ca: {  	s15 =	sadd.s32 $0x80, s15;
	(erf) = vrcp.f32 v2  }
0x1cb: {  	v2 =	vld [tilespmem:s15+$0xFFFFFFF0]  }
0x1cc: {  	v3 =	vld [tilespmem:s15+$0x30]  }
0x1cd: {  	v4 =	vld [tilespmem:s15+$0x10]  }
0x1ce: {  	v5 =	vld [tilespmem:s15+$0xFFFFFFD0]  }
0x1cf: {  	v6 =	vld [tilespmem:s15+$0xFFFFFFC0]  }
0x1d0: {  	v7 =	vld [tilespmem:s15+$0xFFFFFFE0]  }
0x1d1: {  	v8 =	vld [tilespmem:s15+$0x0]  }
0x1d2: {  	v9 =	vld [tilespmem:s15+$0x20]  }
0x1d3: {  	v10 =	vpop (erf)  }
0x1d4: {  	v6 =	vmul.f32 v10, v6;
	v5 =	vmul.f32 v5, v10  }
0x1d5: {  	v2 =	vmul.f32 v2, v10;
	v7 =	vmul.f32 v7, v10  }
0x1d6: {  	v4 =	vmul.f32 v4, v10;
	[tilespmem:s15+$0xFFFFFFC0] =	vst v6;
	v6 =	vmul.f32 v8, v10  }
0x1d7: {  	v3 =	vmul.f32 v3, v10;
	[tilespmem:s15+$0xFFFFFFD0] =	vst v5;
	v5 =	vmul.f32 v9, v10  }
0x1d8: {  	[tilespmem:s15+$0xFFFFFFE0] =	vst v7  }
.Ltmp6:
0x1d9: {  	[tilespmem:s15+$0xFFFFFFF0] =	vst v2;
	(pc) =	sbr.rel @p3 .LBB2_16-.Ltmp6, $4  }
0x1da: {  	[tilespmem:s15+$0x0] =	vst v6  }
0x1db: {  	[tilespmem:s15+$0x10] =	vst v4  }
0x1dc: {  	[tilespmem:s15+$0x20] =	vst v5  }
0x1dd: {  	s20 =	sshra.s32 s16, $0x2;
	s16 =	sadd.s32 $0x40, s16;
	[tilespmem:s15+$0x30] =	vst v3  }
0x1de: {  	v2 =	vld [tilespmem:s20+$0x1F200];
	_ =	sdelay $0x4  }
0x1df: {  	v2 =	vmax.f32 v2, $1.000000000e+00  }
0x1e0: {  	(erf) = vrcp.f32 v2;
	_ =	sdelay $0x3  }
0x1e1: {  	s15 =	sadd.s32 $0x80, s15  }
0x1e2: {  	v2 =	vld [tilespmem:s15+$0xFFFFFFC0]  }
0x1e3: {  	v3 =	vld [tilespmem:s15+$0xFFFFFFD0]  }
0x1e4: {  	v4 =	vld [tilespmem:s15+$0xFFFFFFE0]  }
0x1e5: {  	v8 =	vld [tilespmem:s15+$0x10]  }
0x1e6: {  	v5 =	vld [tilespmem:s15+$0xFFFFFFF0];
	v7 =	vpop (erf)  }
0x1e7: {  	v6 =	vld [tilespmem:s15+$0x0];
	v2 =	vmul.f32 v7, v2  }
0x1e8: {  	v9 =	vld [tilespmem:s15+$0x20];
	v3 =	vmul.f32 v3, v7  }
0x1e9: {  	v10 =	vld [tilespmem:s15+$0x30];
	v4 =	vmul.f32 v4, v7;
	[tilespmem:s15+$0xFFFFFFC0] =	vst v2  }
0x1ea: {  	v55 =	vmul.f32 v8, v7;
	[tilespmem:s15+$0xFFFFFFD0] =	vst v3  }
0x1eb: {  	v2 =	vmul.f32 v5, v7;
	[tilespmem:s15+$0xFFFFFFE0] =	vst v4  }
0x1ec: {  	v3 =	vmul.f32 v6, v7;
	[tilespmem:s15+$0x10] =	vst v55  }
0x1ed: {  	[tilespmem:s15+$0xFFFFFFF0] =	vst v2;
	v2 =	vmul.f32 v9, v7  }
0x1ee: {  	[tilespmem:s15+$0x0] =	vst v3;
	v3 =	vmul.f32 v10, v7  }
0x1ef: {  	[tilespmem:s15+$0x20] =	vst v2  }
0x1f0: {  	s20 =	simm.s32 $0x0;
	s16 =	rddreg [dreg:$0x16];
	[tilespmem:s15+$0x30] =	vst v3  }
0x1f1: {  	[hbm4b:s16+s20] =	stream.linear.scatter [tilespmem:s28], [sflag:$0xB], $0x4000, $0x38;
	[tilespmem:$0x1FA00] =	vst v63  }
0x1f2: {  	_ =	swait.ge [sflag:s29], $0x4000  }
0x1f3: {  	[sflag:s29] =	ssyncset.done $0x0  }
0x1f4: {  	s20 =	rddreg [dreg:$0x12];
	[sflag:s29] =	ssyncadd.s32 $0xFFFFC000  }
0x1f5: {  	[tilespmem:s28], [sflag:$0xB] =	stream.linear.gather [spmem:s20], $0x4000, $0x38;
	[tilespmem:$0x1FA00] =	vst v63  }
0x1f6: {  	_ =	swait.ge [sflag:s29], $0x4000  }
0x1f7: {  	[sflag:s29] =	ssyncset.done $0x0  }
0x1f8: {  	s20 =	simm.s32 $0x1F200;
	s16 =	rddreg [dreg:$0x17];
	[sflag:s29] =	ssyncadd.s32 $0xFFFFC000  }
0x1f9: {  	[tilespmem:s20], [sflag:$0xB] =	stream.linear.gather [spmem:s16], $0x800, $0x38;
	[tilespmem:$0x1FA00] =	vst v63  }
0x1fa: {  	_ =	swait.ge [sflag:s29], $0x800  }
0x1fb: {  	[sflag:s29] =	ssyncset.done $0x0  }
0x1fc: {  	s20 =	simm.s32 $0x0;
	[sflag:s29] =	ssyncadd.s32 $0xFFFFF800  }
0x1fd: {  	v2 =	vld [tilespmem:s20+$0x1F200];
	_ =	sdelay $0x4  }
0x1fe: {  	v2 =	vmax.f32 v2, $1.000000000e+00  }
0x1ff: {  	(erf) = vrcp.f32 v2;
	_ =	sdelay $0x3  }
0x200: {  	s15 =	simm.s32 $0x16A40  }
0x201: {  	v2 =	vld [tilespmem:s15+$0xFFFFFFC0]  }
0x202: {  	v3 =	vld [tilespmem:s15+$0xFFFFFFD0]  }
0x203: {  	v56 =	vld [tilespmem:s15+$0xFFFFFFE0]  }
0x204: {  	v60 =	vld [tilespmem:s15+$0x10]  }
0x205: {  	v57 =	vld [tilespmem:s15+$0xFFFFFFF0];
	v59 =	vpop (erf)  }
0x206: {  	v58 =	vld [tilespmem:s15+$0x0];
	v2 =	vmul.f32 v59, v2  }
0x207: {  	v61 =	vld [tilespmem:s15+$0x20];
	v3 =	vmul.f32 v3, v59  }
0x208: {  	v62 =	vld [tilespmem:s15+$0x30];
	v4 =	vmul.f32 v56, v59;
	[tilespmem:s15+$0xFFFFFFC0] =	vst v2  }
0x209: {  	v63 =	vmul.f32 v60, v59;
	[tilespmem:s15+$0xFFFFFFD0] =	vst v3  }
0x20a: {  	v2 =	vmul.f32 v57, v59;
	[tilespmem:s15+$0xFFFFFFE0] =	vst v4  }
0x20b: {  	v3 =	vmul.f32 v58, v59;
	[tilespmem:s15+$0x10] =	vst v63  }
0x20c: {  	[tilespmem:s15+$0xFFFFFFF0] =	vst v2;
	v2 =	vmul.f32 v61, v59  }
0x20d: {  	[tilespmem:s15+$0x0] =	vst v3;
	v3 =	vmul.f32 v62, v59  }
0x20e: {  	[tilespmem:s15+$0x20] =	vst v2  }
0x20f: {  	s16 =	simm.s32 $0x80;
	s20 =	simm.s32 $0x10;
	[tilespmem:s15+$0x30] =	vst v3  }
.LBB2_18:
0x210: {  	p3 =	sne.s32 s16, $0x1FC0;
	v2 =	vld [tilespmem:s20+$0x1F200];
	_ =	sdelay $0x4  }
0x211: {  	v2 =	vmax.f32 v2, $1.000000000e+00  }
0x212: {  	s15 =	sadd.s32 $0x80, s15;
	(erf) = vrcp.f32 v2  }
0x213: {  	v2 =	vld [tilespmem:s15+$0xFFFFFFF0]  }
0x214: {  	v3 =	vld [tilespmem:s15+$0x30]  }
0x215: {  	v4 =	vld [tilespmem:s15+$0x10]  }
0x216: {  	v5 =	vld [tilespmem:s15+$0xFFFFFFD0]  }
0x217: {  	v6 =	vld [tilespmem:s15+$0xFFFFFFC0]  }
0x218: {  	v7 =	vld [tilespmem:s15+$0xFFFFFFE0]  }
0x219: {  	v8 =	vld [tilespmem:s15+$0x0]  }
0x21a: {  	v9 =	vld [tilespmem:s15+$0x20]  }
0x21b: {  	v10 =	vpop (erf)  }
0x21c: {  	v6 =	vmul.f32 v10, v6;
	v5 =	vmul.f32 v5, v10  }
0x21d: {  	v2 =	vmul.f32 v2, v10;
	v7 =	vmul.f32 v7, v10  }
0x21e: {  	v4 =	vmul.f32 v4, v10;
	[tilespmem:s15+$0xFFFFFFC0] =	vst v6;
	v6 =	vmul.f32 v8, v10  }
0x21f: {  	v3 =	vmul.f32 v3, v10;
	[tilespmem:s15+$0xFFFFFFD0] =	vst v5;
	v5 =	vmul.f32 v9, v10  }
0x220: {  	[tilespmem:s15+$0xFFFFFFE0] =	vst v7  }
.Ltmp7:
0x221: {  	[tilespmem:s15+$0xFFFFFFF0] =	vst v2;
	(pc) =	sbr.rel @p3 .LBB2_18-.Ltmp7, $4  }
0x222: {  	[tilespmem:s15+$0x0] =	vst v6  }
0x223: {  	[tilespmem:s15+$0x10] =	vst v4  }
0x224: {  	[tilespmem:s15+$0x20] =	vst v5  }
0x225: {  	s20 =	sshra.s32 s16, $0x2;
	s16 =	sadd.s32 $0x40, s16;
	[tilespmem:s15+$0x30] =	vst v3  }
0x226: {  	v2 =	vld [tilespmem:s20+$0x1F200];
	_ =	sdelay $0x4  }
0x227: {  	v2 =	vmax.f32 v2, $1.000000000e+00  }
0x228: {  	(erf) = vrcp.f32 v2;
	_ =	sdelay $0x3  }
0x229: {  	s15 =	sadd.s32 $0x80, s15  }
0x22a: {  	v2 =	vld [tilespmem:s15+$0xFFFFFFC0]  }
0x22b: {  	v3 =	vld [tilespmem:s15+$0xFFFFFFD0]  }
0x22c: {  	v4 =	vld [tilespmem:s15+$0xFFFFFFE0]  }
0x22d: {  	v8 =	vld [tilespmem:s15+$0x10]  }
0x22e: {  	v5 =	vld [tilespmem:s15+$0xFFFFFFF0];
	v7 =	vpop (erf)  }
0x22f: {  	v6 =	vld [tilespmem:s15+$0x0];
	v2 =	vmul.f32 v7, v2  }
0x230: {  	v9 =	vld [tilespmem:s15+$0x20];
	v3 =	vmul.f32 v3, v7  }
0x231: {  	v10 =	vld [tilespmem:s15+$0x30];
	v4 =	vmul.f32 v4, v7;
	[tilespmem:s15+$0xFFFFFFC0] =	vst v2  }
0x232: {  	v55 =	vmul.f32 v8, v7;
	[tilespmem:s15+$0xFFFFFFD0] =	vst v3  }
0x233: {  	v2 =	vmul.f32 v5, v7;
	[tilespmem:s15+$0xFFFFFFE0] =	vst v4  }
0x234: {  	v3 =	vmul.f32 v6, v7;
	[tilespmem:s15+$0x10] =	vst v55  }
0x235: {  	[tilespmem:s15+$0xFFFFFFF0] =	vst v2;
	v2 =	vmul.f32 v9, v7  }
0x236: {  	[tilespmem:s15+$0x0] =	vst v3;
	v3 =	vmul.f32 v10, v7  }
0x237: {  	[tilespmem:s15+$0x20] =	vst v2  }
0x238: {  	s20 =	simm.s32 $0x0;
	s16 =	rddreg [dreg:$0x18];
	[tilespmem:s15+$0x30] =	vst v3  }
0x239: {  	[hbm4b:s16+s20] =	stream.linear.scatter [tilespmem:s28], [sflag:$0xB], $0x4000, $0x38;
	[tilespmem:$0x1FA00] =	vst v63  }
0x23a: {  	_ =	swait.ge [sflag:s29], $0x4000  }
0x23b: {  	[sflag:s29] =	ssyncset.done $0x0  }
0x23c: {  	s20 =	rddreg [dreg:$0x13];
	[sflag:s29] =	ssyncadd.s32 $0xFFFFC000  }
0x23d: {  	[tilespmem:s28], [sflag:$0xB] =	stream.linear.gather [spmem:s20], $0x4000, $0x38;
	[tilespmem:$0x1FA00] =	vst v63  }
0x23e: {  	_ =	swait.ge [sflag:s29], $0x4000  }
0x23f: {  	[sflag:s29] =	ssyncset.done $0x0  }
0x240: {  	s20 =	simm.s32 $0x1F200;
	s16 =	rddreg [dreg:$0x1a];
	[sflag:s29] =	ssyncadd.s32 $0xFFFFC000  }
0x241: {  	[tilespmem:s20], [sflag:$0xB] =	stream.linear.gather [spmem:s16], $0x800, $0x38;
	[tilespmem:$0x1FA00] =	vst v63  }
0x242: {  	_ =	swait.ge [sflag:s29], $0x800  }
0x243: {  	[sflag:s29] =	ssyncset.done $0x0  }
0x244: {  	s20 =	simm.s32 $0x0;
	[sflag:s29] =	ssyncadd.s32 $0xFFFFF800  }
0x245: {  	v2 =	vld [tilespmem:s20+$0x1F200];
	_ =	sdelay $0x4  }
0x246: {  	v2 =	vmax.f32 v2, $1.000000000e+00  }
0x247: {  	(erf) = vrcp.f32 v2;
	_ =	sdelay $0x3  }
0x248: {  	s15 =	simm.s32 $0x16A40  }
0x249: {  	v2 =	vld [tilespmem:s15+$0xFFFFFFC0]  }
0x24a: {  	v3 =	vld [tilespmem:s15+$0xFFFFFFD0]  }
0x24b: {  	v56 =	vld [tilespmem:s15+$0xFFFFFFE0]  }
0x24c: {  	v60 =	vld [tilespmem:s15+$0x10]  }
0x24d: {  	v57 =	vld [tilespmem:s15+$0xFFFFFFF0];
	v59 =	vpop (erf)  }
0x24e: {  	v58 =	vld [tilespmem:s15+$0x0];
	v2 =	vmul.f32 v59, v2  }
0x24f: {  	v61 =	vld [tilespmem:s15+$0x20];
	v3 =	vmul.f32 v3, v59  }
0x250: {  	v62 =	vld [tilespmem:s15+$0x30];
	v4 =	vmul.f32 v56, v59;
	[tilespmem:s15+$0xFFFFFFC0] =	vst v2  }
0x251: {  	v63 =	vmul.f32 v60, v59;
	[tilespmem:s15+$0xFFFFFFD0] =	vst v3  }
0x252: {  	v2 =	vmul.f32 v57, v59;
	[tilespmem:s15+$0xFFFFFFE0] =	vst v4  }
0x253: {  	v3 =	vmul.f32 v58, v59;
	[tilespmem:s15+$0x10] =	vst v63  }
0x254: {  	[tilespmem:s15+$0xFFFFFFF0] =	vst v2;
	v2 =	vmul.f32 v61, v59  }
0x255: {  	[tilespmem:s15+$0x0] =	vst v3;
	v3 =	vmul.f32 v62, v59  }
0x256: {  	[tilespmem:s15+$0x20] =	vst v2  }
0x257: {  	s16 =	simm.s32 $0x80;
	s20 =	simm.s32 $0x10;
	[tilespmem:s15+$0x30] =	vst v3  }
.LBB2_20:
0x258: {  	p3 =	sne.s32 s16, $0x1FC0;
	v2 =	vld [tilespmem:s20+$0x1F200];
	_ =	sdelay $0x4  }
0x259: {  	v2 =	vmax.f32 v2, $1.000000000e+00  }
0x25a: {  	s15 =	sadd.s32 $0x80, s15;
	(erf) = vrcp.f32 v2  }
0x25b: {  	v2 =	vld [tilespmem:s15+$0xFFFFFFF0]  }
0x25c: {  	v3 =	vld [tilespmem:s15+$0x30]  }
0x25d: {  	v4 =	vld [tilespmem:s15+$0x10]  }
0x25e: {  	v5 =	vld [tilespmem:s15+$0xFFFFFFD0]  }
0x25f: {  	v6 =	vld [tilespmem:s15+$0xFFFFFFC0]  }
0x260: {  	v7 =	vld [tilespmem:s15+$0xFFFFFFE0]  }
0x261: {  	v8 =	vld [tilespmem:s15+$0x0]  }
0x262: {  	v9 =	vld [tilespmem:s15+$0x20]  }
0x263: {  	v10 =	vpop (erf)  }
0x264: {  	v6 =	vmul.f32 v10, v6;
	v5 =	vmul.f32 v5, v10  }
0x265: {  	v2 =	vmul.f32 v2, v10;
	v7 =	vmul.f32 v7, v10  }
0x266: {  	v4 =	vmul.f32 v4, v10;
	[tilespmem:s15+$0xFFFFFFC0] =	vst v6;
	v6 =	vmul.f32 v8, v10  }
0x267: {  	v3 =	vmul.f32 v3, v10;
	[tilespmem:s15+$0xFFFFFFD0] =	vst v5;
	v5 =	vmul.f32 v9, v10  }
0x268: {  	[tilespmem:s15+$0xFFFFFFE0] =	vst v7  }
.Ltmp8:
0x269: {  	[tilespmem:s15+$0xFFFFFFF0] =	vst v2;
	(pc) =	sbr.rel @p3 .LBB2_20-.Ltmp8, $4  }
0x26a: {  	[tilespmem:s15+$0x0] =	vst v6  }
0x26b: {  	[tilespmem:s15+$0x10] =	vst v4  }
0x26c: {  	[tilespmem:s15+$0x20] =	vst v5  }
0x26d: {  	s20 =	sshra.s32 s16, $0x2;
	s16 =	sadd.s32 $0x40, s16;
	[tilespmem:s15+$0x30] =	vst v3  }
0x26e: {  	v2 =	vld [tilespmem:s20+$0x1F200];
	_ =	sdelay $0x4  }
0x26f: {  	v2 =	vmax.f32 v2, $1.000000000e+00  }
0x270: {  	(erf) = vrcp.f32 v2;
	_ =	sdelay $0x3  }
0x271: {  	s15 =	sadd.s32 $0x80, s15  }
0x272: {  	v2 =	vld [tilespmem:s15+$0xFFFFFFC0]  }
0x273: {  	v3 =	vld [tilespmem:s15+$0xFFFFFFD0]  }
0x274: {  	v4 =	vld [tilespmem:s15+$0xFFFFFFE0]  }
0x275: {  	v8 =	vld [tilespmem:s15+$0x10]  }
0x276: {  	v5 =	vld [tilespmem:s15+$0xFFFFFFF0];
	v7 =	vpop (erf)  }
0x277: {  	v6 =	vld [tilespmem:s15+$0x0];
	v2 =	vmul.f32 v7, v2  }
0x278: {  	v9 =	vld [tilespmem:s15+$0x20];
	v3 =	vmul.f32 v3, v7  }
0x279: {  	v10 =	vld [tilespmem:s15+$0x30];
	v4 =	vmul.f32 v4, v7;
	[tilespmem:s15+$0xFFFFFFC0] =	vst v2  }
0x27a: {  	v63 =	vmul.f32 v8, v7;
	[tilespmem:s15+$0xFFFFFFD0] =	vst v3  }
0x27b: {  	v2 =	vmul.f32 v5, v7;
	[tilespmem:s15+$0xFFFFFFE0] =	vst v4  }
0x27c: {  	v3 =	vmul.f32 v6, v7;
	[tilespmem:s15+$0x10] =	vst v63  }
0x27d: {  	[tilespmem:s15+$0xFFFFFFF0] =	vst v2;
	v2 =	vmul.f32 v9, v7  }
0x27e: {  	[tilespmem:s15+$0x0] =	vst v3;
	v3 =	vmul.f32 v10, v7  }
0x27f: {  	[tilespmem:s15+$0x20] =	vst v2  }
0x280: {  	s16 =	rddreg [dreg:$0x19];
	[tilespmem:s15+$0x30] =	vst v3  }
0x281: {  	[hbm4b:s16+s4] =	stream.linear.scatter [tilespmem:s28], [sflag:$0xB], $0x4000, $0x38;
	[tilespmem:$0x1FA00] =	vst v63  }
0x282: {  	_ =	swait.ge [sflag:s29], $0x4000  }
0x283: {  	s20 =	sld [smem:$0x7FD];
	_ =	sdelay $0x1  }
0x284: {  	s14 =	sadd.s32 $0x1, s14  }
0x285: {  	p3 =	sne.s32 s14, s20  }
.Ltmp9:
0x286: {  	_ = 	snop;
	(pc) =	sbr.rel @p3 .LBB2_1-.Ltmp9, $4  }
.Ltmp10:
0x287: {  	_ = 	snop;
	(pc) =	sbr.rel @!p3 .LBB2_22-.Ltmp10, $4  }
0x288: {  	_ = 	snop  }
0x289: {  	[sflag:s29] =	ssyncset.done $0x0  }
0x28a: {  	[sflag:s29] =	ssyncadd.s32 $0xFFFFC000  }
0x28b: {  	_ = 	snop  }
.LBB2_7:
0x28c: {  	s15 =	rddreg [dreg:$0x1b]  }
0x28d: {  	s16 =	rddreg [dreg:$0x1c]  }
0x28e: {  	[tilespmem:s31], [sflag:$0x3] =	stream.linear.gather [hbm4b:s15+s4], $0x80, $0x38;
	[tilespmem:$0x1FA00] =	vst v63  }
0x28f: {  	s20 =	rddreg [dreg:$0x1f]  }
0x290: {  	[tilespmem:s0], [sflag:$0x1] =	stream.linear.gather [hbm4b:s16+s4], $0x80, $0x38;
	[tilespmem:$0x1FA00] =	vst v63  }
0x291: {  	s23 =	sld [smem:$0x7FA]  }
0x292: {  	[tilespmem:s5], [sflag:$0x4] =	stream.linear.gather [hbm4b:s20+s4], $0x80, $0x38;
	[tilespmem:$0x1FA00] =	vst v63  }
0x293: {  	_ = 	snop  }
0x294: {  	[tilespmem:s6], [sflag:$0x2] =	stream.linear.gather [hbm4b:s23+s4], $0x80, $0x38;
	[tilespmem:$0x1FA00] =	vst v63  }
0x295: {  	_ =	swait.ge [sflag:s7], $0x80  }
0x296: {  	[sflag:s7] =	ssyncset.done $0x0  }
0x297: {  	[sflag:s7] =	ssyncadd.s32 $0xFFFFFF80  }
0x298: {  	_ =	swait.ge [sflag:s8], $0x80  }
0x299: {  	[sflag:s8] =	ssyncset.done $0x0  }
0x29a: {  	[sflag:s8] =	ssyncadd.s32 $0xFFFFFF80  }
0x29b: {  	[tilespmem:s28], [sflag:$0x5] =	stream.indirect.gather [hbm4b:s1+s17], $0x80, s0, s17, $0xb8;
	[tilespmem:$0x1FA00] =	vst v63  }
0x29c: {  	_ =	swait.ge [sflag:s18], $0x80  }
0x29d: {  	[sflag:s18] =	ssyncset.done $0x0  }
0x29e: {  	[sflag:s18] =	ssyncadd.s32 $0xFFFFFF80  }
0x29f: {  	_ =	swait.ge [sflag:s19], $0x80  }
0x2a0: {  	[sflag:s19] =	ssyncset.done $0x0  }
0x2a1: {  	[sflag:s19] =	ssyncadd.s32 $0xFFFFFF80  }
0x2a2: {  	[tilespmem:s21], [sflag:$0x6] =	stream.indirect.gather [hbm4b:s1+s17], $0x80, s6, s17, $0xb8;
	[tilespmem:$0x1FA00] =	vst v63  }
0x2a3: {  	_ =	swait.ge [sflag:s22], $0x4000  }
0x2a4: {  	[sflag:s22] =	ssyncset.done $0x0  }
0x2a5: {  	[sflag:s22] =	ssyncadd.s32 $0xFFFFC000  }
0x2a6: {  	[spmem:s2] =	stream.indirect.scatter.add.f32 [tilespmem:s28], [sflag:$0x7], $0x80, s31, s17, $0xb8;
	[tilespmem:$0x1FA00] =	vst v63  }
0x2a7: {  	_ = 	snop  }
0x2a8: {  	[spmem:s3] =	stream.indirect.scatter.add.f32 [tilespmem:s24], [sflag:$0x9], $0x10, s31, s17, $0xb8;
	[tilespmem:$0x1FA00] =	vst v63  }
0x2a9: {  	_ =	swait.ge [sflag:s9], $0x4000  }
0x2aa: {  	[sflag:s9] =	ssyncset.done $0x0  }
0x2ab: {  	[sflag:s9] =	ssyncadd.s32 $0xFFFFC000  }
0x2ac: {  	[spmem:s2] =	stream.indirect.scatter.add.f32 [tilespmem:s21], [sflag:$0x8], $0x80, s5, s17, $0xb8;
	[tilespmem:$0x1FA00] =	vst v63  }
0x2ad: {  	_ = 	snop  }
0x2ae: {  	[spmem:s3] =	stream.indirect.scatter.add.f32 [tilespmem:s24], [sflag:$0xA], $0x10, s5, s17, $0xb8;
	[tilespmem:$0x1FA00] =	vst v63  }
0x2af: {  	_ =	swait.ge [sflag:s10], $0x4000  }
0x2b0: {  	[sflag:s10] =	ssyncset.done $0x0  }
0x2b1: {  	[sflag:s10] =	ssyncadd.s32 $0xFFFFC000  }
0x2b2: {  	_ =	swait.ge [sflag:s11], $0x800  }
0x2b3: {  	s30 =	sadd.s32 $0xFFFFFB40, s25;
	[sflag:s11] =	ssyncset.done $0x0;
	s16 =	rddreg [dreg:$0x6]  }
0x2b4: {  	s20 =	sadd.s32 $0x4E0, s30;
	[sflag:s11] =	ssyncadd.s32 $0xFFFFF800;
	s16 =	sadd.s32 $0xFFFFFB40, s16  }
0x2b5: {  	[tilespmem:s31], [sflag:$0x3] =	stream.linear.gather [hbm4b:s20+s4], $0x80, $0x38;
	[tilespmem:$0x1FA00] =	vst v63  }
0x2b6: {  	s23 =	sadd.s32 $0x4E0, s16  }
0x2b7: {  	[tilespmem:s0], [sflag:$0x1] =	stream.linear.gather [hbm4b:s23+s4], $0x80, $0x38;
	[tilespmem:$0x1FA00] =	vst v63  }
0x2b8: {  	_ =	swait.ge [sflag:s12], $0x4000  }
0x2b9: {  	[sflag:s12] =	ssyncset.done $0x0  }
0x2ba: {  	[sflag:s12] =	ssyncadd.s32 $0xFFFFC000  }
0x2bb: {  	_ =	swait.ge [sflag:s13], $0x800  }
0x2bc: {  	[sflag:s13] =	ssyncset.done $0x0  }
0x2bd: {  	s15 =	sadd.s32 $0x4F0, s30;
	[sflag:s13] =	ssyncadd.s32 $0xFFFFF800  }
0x2be: {  	[tilespmem:s5], [sflag:$0x4] =	stream.linear.gather [hbm4b:s15+s4], $0x80, $0x38;
	[tilespmem:$0x1FA00] =	vst v63  }
0x2bf: {  	s30 =	sadd.s32 $0x4F0, s16  }
0x2c0: {  	[tilespmem:s6], [sflag:$0x2] =	stream.linear.gather [hbm4b:s30+s4], $0x80, $0x38;
	[tilespmem:$0x1FA00] =	vst v63  }
0x2c1: {  	_ =	swait.ge [sflag:s7], $0x80  }
0x2c2: {  	[sflag:s7] =	ssyncset.done $0x0  }
0x2c3: {  	[sflag:s7] =	ssyncadd.s32 $0xFFFFFF80  }
0x2c4: {  	_ =	swait.ge [sflag:s8], $0x80  }
0x2c5: {  	[sflag:s8] =	ssyncset.done $0x0  }
0x2c6: {  	[sflag:s8] =	ssyncadd.s32 $0xFFFFFF80  }
0x2c7: {  	[tilespmem:s28], [sflag:$0x5] =	stream.indirect.gather [hbm4b:s1+s17], $0x80, s0, s17, $0xb8;
	[tilespmem:$0x1FA00] =	vst v63  }
0x2c8: {  	_ =	swait.ge [sflag:s18], $0x80  }
0x2c9: {  	[sflag:s18] =	ssyncset.done $0x0  }
0x2ca: {  	[sflag:s18] =	ssyncadd.s32 $0xFFFFFF80  }
0x2cb: {  	_ =	swait.ge [sflag:s19], $0x80  }
0x2cc: {  	s15 =	simm.s32 $0xFFFFFB60;
	[sflag:s19] =	ssyncset.done $0x0  }
.LBB2_8:
0x2cd: {  	[sflag:s19] =	ssyncadd.s32 $0xFFFFFF80  }
0x2ce: {  	[tilespmem:s21], [sflag:$0x6] =	stream.indirect.gather [hbm4b:s1+s17], $0x80, s6, s17, $0xb8;
	[tilespmem:$0x1FA00] =	vst v63  }
0x2cf: {  	_ =	swait.ge [sflag:s22], $0x4000  }
0x2d0: {  	[sflag:s22] =	ssyncset.done $0x0  }
0x2d1: {  	[sflag:s22] =	ssyncadd.s32 $0xFFFFC000  }
0x2d2: {  	[spmem:s2] =	stream.indirect.scatter.add.f32 [tilespmem:s28], [sflag:$0x7], $0x80, s31, s17, $0xb8;
	[tilespmem:$0x1FA00] =	vst v63  }
0x2d3: {  	_ = 	snop  }
0x2d4: {  	[spmem:s3] =	stream.indirect.scatter.add.f32 [tilespmem:s24], [sflag:$0x9], $0x10, s31, s17, $0xb8;
	[tilespmem:$0x1FA00] =	vst v63  }
0x2d5: {  	_ =	swait.ge [sflag:s9], $0x4000  }
0x2d6: {  	[sflag:s9] =	ssyncset.done $0x0  }
0x2d7: {  	[sflag:s9] =	ssyncadd.s32 $0xFFFFC000  }
0x2d8: {  	[spmem:s2] =	stream.indirect.scatter.add.f32 [tilespmem:s21], [sflag:$0x8], $0x80, s5, s17, $0xb8;
	[tilespmem:$0x1FA00] =	vst v63  }
0x2d9: {  	_ = 	snop  }
0x2da: {  	[spmem:s3] =	stream.indirect.scatter.add.f32 [tilespmem:s24], [sflag:$0xA], $0x10, s5, s17, $0xb8;
	[tilespmem:$0x1FA00] =	vst v63  }
0x2db: {  	_ =	swait.ge [sflag:s10], $0x4000  }
0x2dc: {  	[sflag:s10] =	ssyncset.done $0x0  }
0x2dd: {  	[sflag:s10] =	ssyncadd.s32 $0xFFFFC000  }
0x2de: {  	s16 =	smov.u32 s15;
	_ =	swait.ge [sflag:s11], $0x800  }
0x2df: {  	s20 =	sadd.s32 s16, s25;
	[sflag:s11] =	ssyncset.done $0x0;
	s23 =	rddreg [dreg:$0x6]  }
0x2e0: {  	s30 =	sadd.s32 $0x4E0, s20;
	[sflag:s11] =	ssyncadd.s32 $0xFFFFF800;
	s16 =	sadd.s32 s16, s23  }
0x2e1: {  	[tilespmem:s31], [sflag:$0x3] =	stream.linear.gather [hbm4b:s30+s4], $0x80, $0x38;
	[tilespmem:$0x1FA00] =	vst v63  }
0x2e2: {  	s23 =	sadd.s32 $0x4E0, s16  }
0x2e3: {  	[tilespmem:s0], [sflag:$0x1] =	stream.linear.gather [hbm4b:s23+s4], $0x80, $0x38;
	[tilespmem:$0x1FA00] =	vst v63  }
0x2e4: {  	_ =	swait.ge [sflag:s12], $0x4000  }
0x2e5: {  	[sflag:s12] =	ssyncset.done $0x0  }
0x2e6: {  	[sflag:s12] =	ssyncadd.s32 $0xFFFFC000  }
0x2e7: {  	_ =	swait.ge [sflag:s13], $0x800  }
0x2e8: {  	[sflag:s13] =	ssyncset.done $0x0  }
0x2e9: {  	s20 =	sadd.s32 $0x4F0, s20;
	[sflag:s13] =	ssyncadd.s32 $0xFFFFF800  }
0x2ea: {  	[tilespmem:s5], [sflag:$0x4] =	stream.linear.gather [hbm4b:s20+s4], $0x80, $0x38;
	[tilespmem:$0x1FA00] =	vst v63  }
0x2eb: {  	s16 =	sadd.s32 $0x4F0, s16  }
0x2ec: {  	[tilespmem:s6], [sflag:$0x2] =	stream.linear.gather [hbm4b:s16+s4], $0x80, $0x38;
	[tilespmem:$0x1FA00] =	vst v63  }
0x2ed: {  	_ =	swait.ge [sflag:s7], $0x80  }
0x2ee: {  	[sflag:s7] =	ssyncset.done $0x0  }
0x2ef: {  	[sflag:s7] =	ssyncadd.s32 $0xFFFFFF80  }
0x2f0: {  	_ =	swait.ge [sflag:s8], $0x80  }
0x2f1: {  	[sflag:s8] =	ssyncset.done $0x0  }
0x2f2: {  	p3 =	sne.s32 s15, $0xFFFFFFE0;
	[sflag:s8] =	ssyncadd.s32 $0xFFFFFF80  }
0x2f3: {  	[tilespmem:s28], [sflag:$0x5] =	stream.indirect.gather [hbm4b:s1+s17], $0x80, s0, s17, $0xb8;
	[tilespmem:$0x1FA00] =	vst v63  }
.Ltmp11:
0x2f4: {  	_ =	swait.ge [sflag:s18], $0x80;
	(pc) =	sbr.rel @p3 .LBB2_8-.Ltmp11, $4  }
0x2f5: {  	[sflag:s18] =	ssyncset.done $0x0  }
0x2f6: {  	[sflag:s18] =	ssyncadd.s32 $0xFFFFFF80  }
0x2f7: {  	_ =	swait.ge [sflag:s19], $0x80  }
0x2f8: {  	s15 =	sadd.s32 $0x20, s15;
	[sflag:s19] =	ssyncset.done $0x0  }
0x2f9: {  	[sflag:s19] =	ssyncadd.s32 $0xFFFFFF80  }
0x2fa: {  	[tilespmem:s21], [sflag:$0x6] =	stream.indirect.gather [hbm4b:s1+s17], $0x80, s6, s17, $0xb8;
	[tilespmem:$0x1FA00] =	vst v63  }
0x2fb: {  	_ =	swait.ge [sflag:s22], $0x4000  }
0x2fc: {  	[sflag:s22] =	ssyncset.done $0x0  }
0x2fd: {  	[sflag:s22] =	ssyncadd.s32 $0xFFFFC000  }
0x2fe: {  	[spmem:s2] =	stream.indirect.scatter.add.f32 [tilespmem:s28], [sflag:$0x7], $0x80, s31, s17, $0xb8;
	[tilespmem:$0x1FA00] =	vst v63  }
0x2ff: {  	_ = 	snop  }
0x300: {  	[spmem:s3] =	stream.indirect.scatter.add.f32 [tilespmem:s24], [sflag:$0x9], $0x10, s31, s17, $0xb8;
	[tilespmem:$0x1FA00] =	vst v63  }
0x301: {  	_ =	swait.ge [sflag:s9], $0x4000  }
0x302: {  	[sflag:s9] =	ssyncset.done $0x0  }
0x303: {  	[sflag:s9] =	ssyncadd.s32 $0xFFFFC000  }
0x304: {  	[spmem:s2] =	stream.indirect.scatter.add.f32 [tilespmem:s21], [sflag:$0x8], $0x80, s5, s17, $0xb8;
	[tilespmem:$0x1FA00] =	vst v63  }
0x305: {  	_ = 	snop  }
0x306: {  	[spmem:s3] =	stream.indirect.scatter.add.f32 [tilespmem:s24], [sflag:$0xA], $0x10, s5, s17, $0xb8;
	[tilespmem:$0x1FA00] =	vst v63  }
0x307: {  	_ =	swait.ge [sflag:s10], $0x4000  }
0x308: {  	[sflag:s10] =	ssyncset.done $0x0  }
0x309: {  	[sflag:s10] =	ssyncadd.s32 $0xFFFFC000  }
0x30a: {  	_ =	swait.ge [sflag:s11], $0x800  }
0x30b: {  	[sflag:s11] =	ssyncset.done $0x0  }
0x30c: {  	[sflag:s11] =	ssyncadd.s32 $0xFFFFF800  }
0x30d: {  	_ =	swait.ge [sflag:s12], $0x4000  }
.Ltmp12:
0x30e: {  	[sflag:s12] =	ssyncset.done $0x0;
	(pc) =	sbr.rel @p1 .LBB2_11-.Ltmp12, $4  }
.Ltmp13:
0x30f: {  	[sflag:s12] =	ssyncadd.s32 $0xFFFFC000;
	(pc) =	sbr.rel @!p1 .LBB2_10-.Ltmp13, $4  }
0x310: {  	_ =	swait.ge [sflag:s13], $0x800  }
0x311: {  	[sflag:s13] =	ssyncset.done $0x0;
	s16 =	rddreg [dreg:$0xb]  }
0x312: {  	s15 =	rddreg [dreg:$0xa];
	[sflag:s13] =	ssyncadd.s32 $0xFFFFF800  }
0x313: {  	_ = 	snop  }
.LBB2_22:
0x314: {  	_ =	sfence.sel $0x180000  }
0x315: {  	[bflag:$0x0] =	sbarrier.arrive $0xFFFF  }
0x316: {  	_ =	strace $0x90000047  }
0x317: {  	[bflag:$0x2] =	sbarrier.arrive $0xFFFF  }
0x318: {  	s0 =	rddreg [dreg:$0x5]  }
0x319: {  	s0 =	sadd.s32 @!p1 $0x100000, s0  }
0x31a: {  	[sflag:s0] =	ssyncadd.tile.s32 @!p1 $0x1;
	_ =	shalt  }
.Lfunc_end2:
_tile_overlayer_lowered:
.L_overlay_start_2:
0x31b: {  	(tag) =	ssettag $0x2  }
0x31c: {  	s0 =	rddreg [dreg:$0x0];
	s2 =	stileid.u32  }
0x31d: {  	s1 =	rddreg [dreg:$0x1];
	p0 =	sne.s32 s2, $0x0  }
0x31e: {  	s3 =	rddreg [dreg:$0x2];
	[bflag:$0x3] =	sbarrier.arrive $0xFFFF;
	s2 =	simm.s32 @!p0 $0x1C0B  }
0x31f: {  	[timem:s3], [sflag:s2] =	dma.local @!p0 [hbm:s0], s1  }
0x320: {  	s0 =	simm.s32 @!p0 $0xB  }
0x321: {  	_ =	swait.ge @!p0 [sflag:s0], s1  }
0x322: {  	s1 =	ssub.s32 @!p0 $0x0, s1;
	[sflag:s0] =	ssyncset.done @!p0 $0x0  }
0x323: {  	[sflag:s0] =	ssyncadd.s32 @!p0 s1  }
0x324: {  	[bflag:$0x3] =	sbarrier.arrive $0xFFFF  }
0x325: {  	_ =	shalt  }

</sc_bundles>
